<compile_context>
chip_gen: v7x
topology: tpu7x:2x2x1
jax: 0.10.2.dev20260603
libtpu: 0.0.44.dev20260713+nightly
codegen_flags: <defaults>
</compile_context>

<pallas_src>
import jax
import jax.numpy as jnp
from jax import lax
from jax.experimental import pallas as pl
from jax.experimental.pallas import tpu as pltpu
from jax.experimental.pallas import tpu_sc as plsc

_T, _K, _V, _E = 128, 32, 8192, 16
_TEMP = 0.07
_NEG = 32

_R = _T * _K
_NB = 512
_NW = 32
_RPW = _R // _NW
_NV = _V // 16


def _perm(v, idx):
    return v.at[idx].get(mode="promise_in_bounds")


def _sc_tau_body(beta_ref, tau_ref, rowbuf, bktbuf, onesbuf, histv,
                 zerosv, taubuf, selres, shared_hist):
    cid = lax.axis_index("c")
    sid = lax.axis_index("s")
    wid = sid * 2 + cid
    base = wid * _RPW
    region = sid * _NB
    lanes = lax.iota(jnp.int32, 16)
    ninf = jnp.float32(-jnp.inf)
    zero_f = jnp.zeros((16,), jnp.float32)
    ones_f = jnp.ones((16,), jnp.float32)

    def vmaxall(v):
        for s in (8, 4, 2, 1):
            v = jnp.maximum(v, _perm(v, lanes ^ s))
        return v

    def vminall(v):
        for s in (8, 4, 2, 1):
            v = jnp.minimum(v, _perm(v, lanes ^ s))
        return v

    def vsumall(v):
        for s in (8, 4, 2, 1):
            v = v + _perm(v, lanes ^ s)
        return v

    def init_ones(i, c):
        for j in range(16):
            onesbuf[pl.ds((i * 16 + j) * 16, 16)] = ones_f
        return c
    lax.fori_loop(0, _NV // 16, init_ones, 0)

    def init_zeros(i, c):
        for j in range(8):
            zerosv[pl.ds((i * 8 + j) * 16, 16)] = zero_f
        return c
    lax.fori_loop(0, _NB // 128, init_zeros, 0)

    def row_body(r, tau_acc):
        rv = rowbuf
        pltpu.sync_copy(beta_ref.at[base + r], rv)

        def p1(i, mm):
            mx, mn = mm
            for j in range(16):
                v = rv[pl.ds((i * 16 + j) * 16, 16)]
                mx = jnp.maximum(mx, v)
                mn = jnp.minimum(mn, v)
            return mx, mn
        mxv, mnv = lax.fori_loop(
            0, _NV // 16, p1,
            (jnp.full((16,), -jnp.inf, jnp.float32),
             jnp.full((16,), jnp.inf, jnp.float32)))
        rmax = vmaxall(mxv)
        rmin = vminall(mnv)
        scale = _NB / jnp.maximum(rmax - rmin, 1e-35)

        pltpu.sync_copy(zerosv, shared_hist.at[pl.ds(region, _NB)])

        def p2(i, c):
            for j in range(16):
                v = rv[pl.ds((i * 16 + j) * 16, 16)]
                b = jnp.minimum(((rmax - v) * scale).astype(jnp.int32),
                                _NB - 1)
                bktbuf[pl.ds((i * 16 + j) * 16, 16)] = b + region
            return c
        lax.fori_loop(0, _NV // 16, p2, 0)

        pltpu.sync_copy(onesbuf, shared_hist.at[bktbuf], add=True)
        pltpu.sync_copy(shared_hist.at[pl.ds(region, _NB)], histv)

        def scan_body(c, carry):
            cum, done, c_star, cum_b = carry
            s = vsumall(histv[pl.ds(c * 16, 16)])[0]
            found_now = jnp.logical_and(done == 0, (cum + s) >= _NEG)
            c_star = jnp.where(found_now, c, c_star)
            cum_b = jnp.where(found_now, cum, cum_b)
            done = jnp.where(found_now, jnp.int32(1), done)
            return cum + s, done, c_star, cum_b

        _, _, c_star, cum_b = lax.fori_loop(
            0, _NB // 16, scan_body,
            (jnp.float32(0.0), jnp.int32(0), jnp.int32(0),
             jnp.float32(0.0)))

        tot = histv[pl.ds(c_star * 16, 16)]
        prefix = tot
        for s in (1, 2, 4, 8):
            sh = _perm(prefix, jnp.maximum(lanes - s, 0))
            prefix = prefix + jnp.where(lanes >= s, sh, 0.0)
        cross = (cum_b + prefix) >= _NEG
        b_lane = vminall(jnp.where(cross, lanes, 16))
        below = jnp.where(lanes < b_lane, tot, 0.0)
        count_above = cum_b + vsumall(below)[0]
        m0 = _NEG - count_above
        b_star = c_star * 16 + b_lane + region

        def sel_body(_it, carry):
            m, hi, tau = carry

            def sp(i, mc):
                mxv_, cntv_ = mc
                for j in range(16):
                    v = rv[pl.ds((i * 16 + j) * 16, 16)]
                    b = bktbuf[pl.ds((i * 16 + j) * 16, 16)]
                    valid = jnp.logical_and(b == b_star, v < hi)
                    cand = jnp.where(valid, v, ninf)
                    mx2 = jnp.maximum(mxv_, cand)
                    hit = jnp.logical_and(valid, cand == mx2)
                    cntv_ = jnp.where(cand > mxv_, 0.0, cntv_) + \
                        jnp.where(hit, 1.0, 0.0)
                    mxv_ = mx2
                return mxv_, cntv_

            @pl.when(m > 0.0)
            def _run_pass():
                mxv0, cntv0 = lax.fori_loop(
                    0, _NV // 16, sp,
                    (jnp.full((16,), -jnp.inf, jnp.float32), zero_f))
                selres[pl.ds(0, 16)] = mxv0
                selres[pl.ds(16, 16)] = cntv0

            mxv_ = selres[pl.ds(0, 16)]
            cntv_ = selres[pl.ds(16, 16)]
            mxs = vmaxall(mxv_)
            mx = mxs[0]
            c_tot = vsumall(jnp.where(mxv_ == mxs, cntv_, 0.0))[0]
            tau = jnp.where(jnp.logical_and(m > 0.0, m <= c_tot), mx, tau)
            return m - c_tot, mx, tau

        _, _, tau = lax.fori_loop(
            0, _NEG, sel_body,
            (m0, jnp.float32(jnp.inf), jnp.float32(0.0)))

        tau_acc = jnp.where(lanes == (r % 16), tau, tau_acc)

        @pl.when(r % 16 == 15)
        def _flush():
            taubuf[pl.ds((r // 16) * 16, 16)] = tau_acc

        return tau_acc

    lax.fori_loop(0, _RPW, row_body, zero_f)
    pltpu.sync_copy(taubuf, tau_ref.at[pl.ds(base, _RPW)])


def _tc_body(tau_ref, tw_ref, beta_ref, temb_ref, wemb_ref, out_ref, acc_ref):
    t = pl.program_id(0)
    X = beta_ref[0]
    tw = tw_ref[0]
    tau = tau_ref[0]

    member = jnp.any(X >= tau, axis=0, keepdims=True)
    negm = member & (tw == 0)

    a = temb_ref[0]
    a = a / (jnp.sqrt(jnp.sum(a * a, axis=-1, keepdims=True)) + 1e-12)
    b = wemb_ref[...]
    b = b / (jnp.sqrt(jnp.sum(b * b, axis=-1, keepdims=True)) + 1e-12)
    sim = jax.lax.dot_general(
        a, b, (((1,), (1,)), ((), ())),
        preferred_element_type=jnp.float32) / _TEMP

    sim_m = jnp.where(negm, sim, -1e9)
    m = jnp.max(sim_m, axis=1, keepdims=True)
    lse = jnp.log(jnp.sum(jnp.exp(sim_m - m), axis=1, keepdims=True)) + m
    loss_t = jnp.sum(lse) / _K
    valid = jnp.any(negm)

    @pl.when(t == 0)
    def _init():
        acc_ref[0] = 0.0
        acc_ref[1] = 0.0

    acc_ref[0] += jnp.where(valid, loss_t, 0.0)
    acc_ref[1] += valid.astype(jnp.float32)

    @pl.when(t == _T - 1)
    def _fin():
        cnt = acc_ref[1]
        out_ref[0, 0] = jnp.where(
            cnt > 0.0, acc_ref[0] / jnp.maximum(cnt, 1.0), 0.0)


def kernel(time_wordcount, beta, topic_embeddings, word_embeddings):
    beta2d = beta.reshape(_R, _V)
    mesh = plsc.VectorSubcoreMesh(core_axis_name="c", subcore_axis_name="s")
    tau = pl.kernel(
        _sc_tau_body,
        mesh=mesh,
        out_type=jax.ShapeDtypeStruct((_R,), jnp.float32),
        scratch_types=[
            pltpu.VMEM((_V,), jnp.float32),
            pltpu.VMEM((_V,), jnp.int32),
            pltpu.VMEM((_V,), jnp.float32),
            pltpu.VMEM((_NB,), jnp.float32),
            pltpu.VMEM((_NB,), jnp.float32),
            pltpu.VMEM((_RPW,), jnp.float32),
            pltpu.VMEM((32,), jnp.float32),
            pltpu.VMEM_SHARED((16 * _NB,), jnp.float32),
        ],
    )(beta2d)

    tau3 = tau.reshape(_T, _K, 1)
    tw3 = time_wordcount.reshape(_T, 1, _V)
    out = pl.pallas_call(
        _tc_body,
        grid=(_T,),
        in_specs=[
            pl.BlockSpec((1, _K, 1), lambda t: (t, 0, 0)),
            pl.BlockSpec((1, 1, _V), lambda t: (t, 0, 0)),
            pl.BlockSpec((1, _K, _V), lambda t: (t, 0, 0)),
            pl.BlockSpec((1, _K, _E), lambda t: (t, 0, 0)),
            pl.BlockSpec((_V, _E), lambda t: (0, 0)),
        ],
        out_specs=pl.BlockSpec(memory_space=pltpu.SMEM),
        out_shape=jax.ShapeDtypeStruct((1, 1), jnp.float32),
        scratch_shapes=[pltpu.SMEM((2,), jnp.float32)],
        compiler_params=pltpu.CompilerParams(
            dimension_semantics=("arbitrary",)),
    )(tau3, tw3, beta, topic_embeddings, word_embeddings)
    return out[0, 0]

# --- scband reference (transcript-rebuilt; emitter-appended) ---
"""Pipeline reference for scband-uwe-22514218566139 (READ-ONLY COPY).

The authoritative reference and input builder live on the scoring server;
editing this copy changes nothing except your own understanding.
"""

import jax, jax.numpy as jnp
import numpy as np

NUM_TIMES = 128
NUM_TOPICS = 32
VOCAB = 8192
EMB = 16
TEMPERATURE = 0.07
WEIGHT_UWE = 1.0
NEG_TOPK = 32


def _normalize(x):
    return x / (jnp.linalg.norm(x, axis=-1, keepdims=True) + 1e-12)


def setup_inputs(seed: int = 0) -> dict:
    key = jax.random.key(seed)
    k1, k2, k3, k4 = jax.random.split(key, 4)
    time_wordcount = jax.random.randint(k1, (NUM_TIMES, VOCAB), 0, 3).astype(jnp.int32)
    beta = jax.random.normal(k2, (NUM_TIMES, NUM_TOPICS, VOCAB), dtype=jnp.float32)
    topic_embeddings = jax.random.normal(k3, (NUM_TIMES, NUM_TOPICS, EMB), dtype=jnp.float32)
    word_embeddings = jax.random.normal(k4, (VOCAB, EMB), dtype=jnp.float32)
    return {
        "time_wordcount": time_wordcount,
        "beta": beta,
        "topic_embeddings": topic_embeddings,
        "word_embeddings": word_embeddings,
    }


def reference(time_wordcount, beta, topic_embeddings, word_embeddings):
    T, K, V = beta.shape
    # get_topk_indices: top-k over vocab per topic, flatten topics
    _, topk_idx = jax.lax.top_k(beta, NEG_TOPK)  # [T, K, NEG_TOPK]
    topk_flat = topk_idx.reshape(T, K * NEG_TOPK)
    # membership mask over vocab (set semantics: scatter-set dedups)
    member = jnp.zeros((T, V), dtype=bool).at[jnp.arange(T)[:, None], topk_flat].set(True)
    # neg_idx = {v : time_wordcount[t, v] == 0} intersect topk set
    neg_mask = (time_wordcount == 0) & member  # [T, V]
    # ETC.compute_loss(topic_emb[t], word_emb[neg_idx], temperature, all_neg=True):
    # cosine-sim contrastive all-negative loss = mean_topics logsumexp_neg(sim / temp)
    a = _normalize(topic_embeddings)  # [T, K, d]
    b = _normalize(word_embeddings)   # [V, d]
    sim = jnp.einsum('tkd,vd->tkv', a, b) / TEMPERATURE  # [T, K, V]
    sim_m = jnp.where(neg_mask[:, None, :], sim, -1e9)
    lse = jax.nn.logsumexp(sim_m, axis=-1)  # [T, K]
    loss_t = jnp.mean(lse, axis=-1)  # [T]
    valid = jnp.any(neg_mask, axis=-1)  # [T]  (skip times with empty neg set)
    cnt_valid = jnp.sum(valid.astype(jnp.float32))
    total = jnp.sum(jnp.where(valid, loss_t, 0.0))
    loss = jnp.where(cnt_valid > 0, total * WEIGHT_UWE / jnp.maximum(cnt_valid, 1.0), 0.0)
    return loss

if __name__ == "__main__":
    import jax
    _d = setup_inputs()
    print(jax.jit(kernel)(*tuple(_d.values())))

</pallas_src>

<mosaic_0001>
#map = affine_map<(d0, d1) -> (0, 0)>
#map1 = affine_map<(d0, d1) -> (0)>
module attributes {stable_mosaic.version = 14 : i64} {
  func.func @_sc_tau_body(%arg0: i32, %arg1: i32, %arg2: memref<4096x8192xf32, #tpu.memory_space<hbm>>, %arg3: memref<4096xf32, #tpu.memory_space<hbm>>, %arg4: memref<8192xf32, #tpu.memory_space<vmem>>, %arg5: memref<8192xi32, #tpu.memory_space<vmem>>, %arg6: memref<8192xf32, #tpu.memory_space<vmem>>, %arg7: memref<512xf32, #tpu.memory_space<vmem>>, %arg8: memref<512xf32, #tpu.memory_space<vmem>>, %arg9: memref<128xf32, #tpu.memory_space<vmem>>, %arg10: memref<32xf32, #tpu.memory_space<vmem>>, %arg11: memref<8192xf32, #tpu.memory_space<vmem_shared>>) attributes {dimension_semantics = [#tpu.dimension_semantics<core_parallel>, #tpu.dimension_semantics<subcore_parallel>], iteration_bounds = array<i64: 2, 16>, scalar_prefetch = 0 : i64, scratch_operands = 8 : i64, tpu.core_type = #tpu.core_type<sc_vector_subcore>, window_params = [{transform_indices = #map}, {transform_indices = #map1}]} {
    %mul3A = arith.constant 2 : i32
    %mul3A_0 = arith.muli %arg1, %mul3A : i32
    %add3A = arith.addi %mul3A_0, %arg0 : i32
    %mul3A_1 = arith.constant 128 : i32
    %mul3A_2 = arith.muli %add3A, %mul3A_1 : i32
    %mul3A_3 = arith.constant 512 : i32
    %mul3A_4 = arith.muli %arg1, %mul3A_3 : i32
    %iota3A = tpu.iota {dimensions = array<i32: 0>} : vector<16xi32>
    %broadcast_in_dim3A = arith.constant 0.000000e+00 : f32
    %broadcast_in_dim3A_5 = vector.broadcast %broadcast_in_dim3A : f32 to vector<16xf32>
    %broadcast_in_dim3A_6 = arith.constant 1.000000e+00 : f32
    %broadcast_in_dim3A_7 = vector.broadcast %broadcast_in_dim3A_6 : f32 to vector<16xf32>
    %scan3A = arith.constant 0 : i32
    %scan3A_8 = arith.constant 0 : i32
    %scan3A_9 = arith.constant 32 : i32
    %scan3A_10 = arith.addi %scan3A_8, %scan3A_9 : i32
    %scan3A_11 = arith.constant 1 : i32
    scf.for %scan3A_26 = %scan3A_8 to %scan3A_10 step %scan3A_11  : i32 {
      %mul3A_27 = arith.constant 16 : i32
      %mul3A_28 = arith.muli %scan3A_26, %mul3A_27 : i32
      %add3A_29 = arith.constant 0 : i32
      %add3A_30 = arith.addi %mul3A_28, %add3A_29 : i32
      %mul3A_31 = arith.constant 16 : i32
      %mul3A_32 = arith.muli %add3A_30, %mul3A_31 : i32
      %swap3A = arith.index_cast %mul3A_32 : i32 to index
      %swap3A_33 = tpu.vector_load %arg6[%swap3A] {strides = array<i32>} : memref<8192xf32, #tpu.memory_space<vmem>>, vector<16xf32>,
      %swap3A_34 = vector.shape_cast %swap3A_33 : vector<16xf32> to vector<16xf32>
      %swap3A_35 = vector.shape_cast %broadcast_in_dim3A_7 : vector<16xf32> to vector<16xf32>
      tpu.vector_store %arg6[%swap3A], %swap3A_35 {strides = array<i32>} : memref<8192xf32, #tpu.memory_space<vmem>>, vector<16xf32>,
      %mul3A_36 = arith.constant 16 : i32
      %mul3A_37 = arith.muli %scan3A_26, %mul3A_36 : i32
      %add3A_38 = arith.constant 1 : i32
      %add3A_39 = arith.addi %mul3A_37, %add3A_38 : i32
      %mul3A_40 = arith.constant 16 : i32
      %mul3A_41 = arith.muli %add3A_39, %mul3A_40 : i32
      %swap3A_42 = arith.index_cast %mul3A_41 : i32 to index
      %swap3A_43 = tpu.vector_load %arg6[%swap3A_42] {strides = array<i32>} : memref<8192xf32, #tpu.memory_space<vmem>>, vector<16xf32>,
      %swap3A_44 = vector.shape_cast %swap3A_43 : vector<16xf32> to vector<16xf32>
      %swap3A_45 = vector.shape_cast %broadcast_in_dim3A_7 : vector<16xf32> to vector<16xf32>
      tpu.vector_store %arg6[%swap3A_42], %swap3A_45 {strides = array<i32>} : memref<8192xf32, #tpu.memory_space<vmem>>, vector<16xf32>,
      %mul3A_46 = arith.constant 16 : i32
      %mul3A_47 = arith.muli %scan3A_26, %mul3A_46 : i32
      %add3A_48 = arith.constant 2 : i32
      %add3A_49 = arith.addi %mul3A_47, %add3A_48 : i32
      %mul3A_50 = arith.constant 16 : i32
      %mul3A_51 = arith.muli %add3A_49, %mul3A_50 : i32
      %swap3A_52 = arith.index_cast %mul3A_51 : i32 to index
      %swap3A_53 = tpu.vector_load %arg6[%swap3A_52] {strides = array<i32>} : memref<8192xf32, #tpu.memory_space<vmem>>, vector<16xf32>,
      %swap3A_54 = vector.shape_cast %swap3A_53 : vector<16xf32> to vector<16xf32>
      %swap3A_55 = vector.shape_cast %broadcast_in_dim3A_7 : vector<16xf32> to vector<16xf32>
      tpu.vector_store %arg6[%swap3A_52], %swap3A_55 {strides = array<i32>} : memref<8192xf32, #tpu.memory_space<vmem>>, vector<16xf32>,
      %mul3A_56 = arith.constant 16 : i32
      %mul3A_57 = arith.muli %scan3A_26, %mul3A_56 : i32
      %add3A_58 = arith.constant 3 : i32
      %add3A_59 = arith.addi %mul3A_57, %add3A_58 : i32
      %mul3A_60 = arith.constant 16 : i32
      %mul3A_61 = arith.muli %add3A_59, %mul3A_60 : i32
      %swap3A_62 = arith.index_cast %mul3A_61 : i32 to index
      %swap3A_63 = tpu.vector_load %arg6[%swap3A_62] {strides = array<i32>} : memref<8192xf32, #tpu.memory_space<vmem>>, vector<16xf32>,
      %swap3A_64 = vector.shape_cast %swap3A_63 : vector<16xf32> to vector<16xf32>
      %swap3A_65 = vector.shape_cast %broadcast_in_dim3A_7 : vector<16xf32> to vector<16xf32>
      tpu.vector_store %arg6[%swap3A_62], %swap3A_65 {strides = array<i32>} : memref<8192xf32, #tpu.memory_space<vmem>>, vector<16xf32>,
      %mul3A_66 = arith.constant 16 : i32
      %mul3A_67 = arith.muli %scan3A_26, %mul3A_66 : i32
      %add3A_68 = arith.constant 4 : i32
      %add3A_69 = arith.addi %mul3A_67, %add3A_68 : i32
      %mul3A_70 = arith.constant 16 : i32
      %mul3A_71 = arith.muli %add3A_69, %mul3A_70 : i32
      %swap3A_72 = arith.index_cast %mul3A_71 : i32 to index
      %swap3A_73 = tpu.vector_load %arg6[%swap3A_72] {strides = array<i32>} : memref<8192xf32, #tpu.memory_space<vmem>>, vector<16xf32>,
      %swap3A_74 = vector.shape_cast %swap3A_73 : vector<16xf32> to vector<16xf32>
      %swap3A_75 = vector.shape_cast %broadcast_in_dim3A_7 : vector<16xf32> to vector<16xf32>
      tpu.vector_store %arg6[%swap3A_72], %swap3A_75 {strides = array<i32>} : memref<8192xf32, #tpu.memory_space<vmem>>, vector<16xf32>,
      %mul3A_76 = arith.constant 16 : i32
      %mul3A_77 = arith.muli %scan3A_26, %mul3A_76 : i32
      %add3A_78 = arith.constant 5 : i32
      %add3A_79 = arith.addi %mul3A_77, %add3A_78 : i32
      %mul3A_80 = arith.constant 16 : i32
      %mul3A_81 = arith.muli %add3A_79, %mul3A_80 : i32
      %swap3A_82 = arith.index_cast %mul3A_81 : i32 to index
      %swap3A_83 = tpu.vector_load %arg6[%swap3A_82] {strides = array<i32>} : memref<8192xf32, #tpu.memory_space<vmem>>, vector<16xf32>,
      %swap3A_84 = vector.shape_cast %swap3A_83 : vector<16xf32> to vector<16xf32>
      %swap3A_85 = vector.shape_cast %broadcast_in_dim3A_7 : vector<16xf32> to vector<16xf32>
      tpu.vector_store %arg6[%swap3A_82], %swap3A_85 {strides = array<i32>} : memref<8192xf32, #tpu.memory_space<vmem>>, vector<16xf32>,
      %mul3A_86 = arith.constant 16 : i32
      %mul3A_87 = arith.muli %scan3A_26, %mul3A_86 : i32
      %add3A_88 = arith.constant 6 : i32
      %add3A_89 = arith.addi %mul3A_87, %add3A_88 : i32
      %mul3A_90 = arith.constant 16 : i32
      %mul3A_91 = arith.muli %add3A_89, %mul3A_90 : i32
      %swap3A_92 = arith.index_cast %mul3A_91 : i32 to index
      %swap3A_93 = tpu.vector_load %arg6[%swap3A_92] {strides = array<i32>} : memref<8192xf32, #tpu.memory_space<vmem>>, vector<16xf32>,
      %swap3A_94 = vector.shape_cast %swap3A_93 : vector<16xf32> to vector<16xf32>
      %swap3A_95 = vector.shape_cast %broadcast_in_dim3A_7 : vector<16xf32> to vector<16xf32>
      tpu.vector_store %arg6[%swap3A_92], %swap3A_95 {strides = array<i32>} : memref<8192xf32, #tpu.memory_space<vmem>>, vector<16xf32>,
      %mul3A_96 = arith.constant 16 : i32
      %mul3A_97 = arith.muli %scan3A_26, %mul3A_96 : i32
      %add3A_98 = arith.constant 7 : i32
      %add3A_99 = arith.addi %mul3A_97, %add3A_98 : i32
      %mul3A_100 = arith.constant 16 : i32
      %mul3A_101 = arith.muli %add3A_99, %mul3A_100 : i32
      %swap3A_102 = arith.index_cast %mul3A_101 : i32 to index
      %swap3A_103 = tpu.vector_load %arg6[%swap3A_102] {strides = array<i32>} : memref<8192xf32, #tpu.memory_space<vmem>>, vector<16xf32>,
      %swap3A_104 = vector.shape_cast %swap3A_103 : vector<16xf32> to vector<16xf32>
      %swap3A_105 = vector.shape_cast %broadcast_in_dim3A_7 : vector<16xf32> to vector<16xf32>
      tpu.vector_store %arg6[%swap3A_102], %swap3A_105 {strides = array<i32>} : memref<8192xf32, #tpu.memory_space<vmem>>, vector<16xf32>,
      %mul3A_106 = arith.constant 16 : i32
      %mul3A_107 = arith.muli %scan3A_26, %mul3A_106 : i32
      %add3A_108 = arith.constant 8 : i32
      %add3A_109 = arith.addi %mul3A_107, %add3A_108 : i32
      %mul3A_110 = arith.constant 16 : i32
      %mul3A_111 = arith.muli %add3A_109, %mul3A_110 : i32
      %swap3A_112 = arith.index_cast %mul3A_111 : i32 to index
      %swap3A_113 = tpu.vector_load %arg6[%swap3A_112] {strides = array<i32>} : memref<8192xf32, #tpu.memory_space<vmem>>, vector<16xf32>,
      %swap3A_114 = vector.shape_cast %swap3A_113 : vector<16xf32> to vector<16xf32>
      %swap3A_115 = vector.shape_cast %broadcast_in_dim3A_7 : vector<16xf32> to vector<16xf32>
      tpu.vector_store %arg6[%swap3A_112], %swap3A_115 {strides = array<i32>} : memref<8192xf32, #tpu.memory_space<vmem>>, vector<16xf32>,
      %mul3A_116 = arith.constant 16 : i32
      %mul3A_117 = arith.muli %scan3A_26, %mul3A_116 : i32
      %add3A_118 = arith.constant 9 : i32
      %add3A_119 = arith.addi %mul3A_117, %add3A_118 : i32
      %mul3A_120 = arith.constant 16 : i32
      %mul3A_121 = arith.muli %add3A_119, %mul3A_120 : i32
      %swap3A_122 = arith.index_cast %mul3A_121 : i32 to index
      %swap3A_123 = tpu.vector_load %arg6[%swap3A_122] {strides = array<i32>} : memref<8192xf32, #tpu.memory_space<vmem>>, vector<16xf32>,
      %swap3A_124 = vector.shape_cast %swap3A_123 : vector<16xf32> to vector<16xf32>
      %swap3A_125 = vector.shape_cast %broadcast_in_dim3A_7 : vector<16xf32> to vector<16xf32>
      tpu.vector_store %arg6[%swap3A_122], %swap3A_125 {strides = array<i32>} : memref<8192xf32, #tpu.memory_space<vmem>>, vector<16xf32>,
      %mul3A_126 = arith.constant 16 : i32
      %mul3A_127 = arith.muli %scan3A_26, %mul3A_126 : i32
      %add3A_128 = arith.constant 10 : i32
      %add3A_129 = arith.addi %mul3A_127, %add3A_128 : i32
      %mul3A_130 = arith.constant 16 : i32
      %mul3A_131 = arith.muli %add3A_129, %mul3A_130 : i32
      %swap3A_132 = arith.index_cast %mul3A_131 : i32 to index
      %swap3A_133 = tpu.vector_load %arg6[%swap3A_132] {strides = array<i32>} : memref<8192xf32, #tpu.memory_space<vmem>>, vector<16xf32>,
      %swap3A_134 = vector.shape_cast %swap3A_133 : vector<16xf32> to vector<16xf32>
      %swap3A_135 = vector.shape_cast %broadcast_in_dim3A_7 : vector<16xf32> to vector<16xf32>
      tpu.vector_store %arg6[%swap3A_132], %swap3A_135 {strides = array<i32>} : memref<8192xf32, #tpu.memory_space<vmem>>, vector<16xf32>,
      %mul3A_136 = arith.constant 16 : i32
      %mul3A_137 = arith.muli %scan3A_26, %mul3A_136 : i32
      %add3A_138 = arith.constant 11 : i32
      %add3A_139 = arith.addi %mul3A_137, %add3A_138 : i32
      %mul3A_140 = arith.constant 16 : i32
      %mul3A_141 = arith.muli %add3A_139, %mul3A_140 : i32
      %swap3A_142 = arith.index_cast %mul3A_141 : i32 to index
      %swap3A_143 = tpu.vector_load %arg6[%swap3A_142] {strides = array<i32>} : memref<8192xf32, #tpu.memory_space<vmem>>, vector<16xf32>,
      %swap3A_144 = vector.shape_cast %swap3A_143 : vector<16xf32> to vector<16xf32>
      %swap3A_145 = vector.shape_cast %broadcast_in_dim3A_7 : vector<16xf32> to vector<16xf32>
      tpu.vector_store %arg6[%swap3A_142], %swap3A_145 {strides = array<i32>} : memref<8192xf32, #tpu.memory_space<vmem>>, vector<16xf32>,
      %mul3A_146 = arith.constant 16 : i32
      %mul3A_147 = arith.muli %scan3A_26, %mul3A_146 : i32
      %add3A_148 = arith.constant 12 : i32
      %add3A_149 = arith.addi %mul3A_147, %add3A_148 : i32
      %mul3A_150 = arith.constant 16 : i32
      %mul3A_151 = arith.muli %add3A_149, %mul3A_150 : i32
      %swap3A_152 = arith.index_cast %mul3A_151 : i32 to index
      %swap3A_153 = tpu.vector_load %arg6[%swap3A_152] {strides = array<i32>} : memref<8192xf32, #tpu.memory_space<vmem>>, vector<16xf32>,
      %swap3A_154 = vector.shape_cast %swap3A_153 : vector<16xf32> to vector<16xf32>
      %swap3A_155 = vector.shape_cast %broadcast_in_dim3A_7 : vector<16xf32> to vector<16xf32>
      tpu.vector_store %arg6[%swap3A_152], %swap3A_155 {strides = array<i32>} : memref<8192xf32, #tpu.memory_space<vmem>>, vector<16xf32>,
      %mul3A_156 = arith.constant 16 : i32
      %mul3A_157 = arith.muli %scan3A_26, %mul3A_156 : i32
      %add3A_158 = arith.constant 13 : i32
      %add3A_159 = arith.addi %mul3A_157, %add3A_158 : i32
      %mul3A_160 = arith.constant 16 : i32
      %mul3A_161 = arith.muli %add3A_159, %mul3A_160 : i32
      %swap3A_162 = arith.index_cast %mul3A_161 : i32 to index
      %swap3A_163 = tpu.vector_load %arg6[%swap3A_162] {strides = array<i32>} : memref<8192xf32, #tpu.memory_space<vmem>>, vector<16xf32>,
      %swap3A_164 = vector.shape_cast %swap3A_163 : vector<16xf32> to vector<16xf32>
      %swap3A_165 = vector.shape_cast %broadcast_in_dim3A_7 : vector<16xf32> to vector<16xf32>
      tpu.vector_store %arg6[%swap3A_162], %swap3A_165 {strides = array<i32>} : memref<8192xf32, #tpu.memory_space<vmem>>, vector<16xf32>,
      %mul3A_166 = arith.constant 16 : i32
      %mul3A_167 = arith.muli %scan3A_26, %mul3A_166 : i32
      %add3A_168 = arith.constant 14 : i32
      %add3A_169 = arith.addi %mul3A_167, %add3A_168 : i32
      %mul3A_170 = arith.constant 16 : i32
      %mul3A_171 = arith.muli %add3A_169, %mul3A_170 : i32
      %swap3A_172 = arith.index_cast %mul3A_171 : i32 to index
      %swap3A_173 = tpu.vector_load %arg6[%swap3A_172] {strides = array<i32>} : memref<8192xf32, #tpu.memory_space<vmem>>, vector<16xf32>,
      %swap3A_174 = vector.shape_cast %swap3A_173 : vector<16xf32> to vector<16xf32>
      %swap3A_175 = vector.shape_cast %broadcast_in_dim3A_7 : vector<16xf32> to vector<16xf32>
      tpu.vector_store %arg6[%swap3A_172], %swap3A_175 {strides = array<i32>} : memref<8192xf32, #tpu.memory_space<vmem>>, vector<16xf32>,
      %mul3A_176 = arith.constant 16 : i32
      %mul3A_177 = arith.muli %scan3A_26, %mul3A_176 : i32
      %add3A_178 = arith.constant 15 : i32
      %add3A_179 = arith.addi %mul3A_177, %add3A_178 : i32
      %mul3A_180 = arith.constant 16 : i32
      %mul3A_181 = arith.muli %add3A_179, %mul3A_180 : i32
      %swap3A_182 = arith.index_cast %mul3A_181 : i32 to index
      %swap3A_183 = tpu.vector_load %arg6[%swap3A_182] {strides = array<i32>} : memref<8192xf32, #tpu.memory_space<vmem>>, vector<16xf32>,
      %swap3A_184 = vector.shape_cast %swap3A_183 : vector<16xf32> to vector<16xf32>
      %swap3A_185 = vector.shape_cast %broadcast_in_dim3A_7 : vector<16xf32> to vector<16xf32>
      tpu.vector_store %arg6[%swap3A_182], %swap3A_185 {strides = array<i32>} : memref<8192xf32, #tpu.memory_space<vmem>>, vector<16xf32>,
    }
    %scan3A_12 = arith.constant 32 : i32
    %scan3A_13 = arith.constant 0 : i32
    %scan3A_14 = arith.constant 0 : i32
    %scan3A_15 = arith.constant 4 : i32
    %scan3A_16 = arith.addi %scan3A_14, %scan3A_15 : i32
    %scan3A_17 = arith.constant 1 : i32
    scf.for %scan3A_26 = %scan3A_14 to %scan3A_16 step %scan3A_17  : i32 {
      %mul3A_27 = arith.constant 8 : i32
      %mul3A_28 = arith.muli %scan3A_26, %mul3A_27 : i32
      %add3A_29 = arith.constant 0 : i32
      %add3A_30 = arith.addi %mul3A_28, %add3A_29 : i32
      %mul3A_31 = arith.constant 16 : i32
      %mul3A_32 = arith.muli %add3A_30, %mul3A_31 : i32
      %swap3A = arith.index_cast %mul3A_32 : i32 to index
      %swap3A_33 = tpu.vector_load %arg8[%swap3A] {strides = array<i32>} : memref<512xf32, #tpu.memory_space<vmem>>, vector<16xf32>,
      %swap3A_34 = vector.shape_cast %swap3A_33 : vector<16xf32> to vector<16xf32>
      %swap3A_35 = vector.shape_cast %broadcast_in_dim3A_5 : vector<16xf32> to vector<16xf32>
      tpu.vector_store %arg8[%swap3A], %swap3A_35 {strides = array<i32>} : memref<512xf32, #tpu.memory_space<vmem>>, vector<16xf32>,
      %mul3A_36 = arith.constant 8 : i32
      %mul3A_37 = arith.muli %scan3A_26, %mul3A_36 : i32
      %add3A_38 = arith.constant 1 : i32
      %add3A_39 = arith.addi %mul3A_37, %add3A_38 : i32
      %mul3A_40 = arith.constant 16 : i32
      %mul3A_41 = arith.muli %add3A_39, %mul3A_40 : i32
      %swap3A_42 = arith.index_cast %mul3A_41 : i32 to index
      %swap3A_43 = tpu.vector_load %arg8[%swap3A_42] {strides = array<i32>} : memref<512xf32, #tpu.memory_space<vmem>>, vector<16xf32>,
      %swap3A_44 = vector.shape_cast %swap3A_43 : vector<16xf32> to vector<16xf32>
      %swap3A_45 = vector.shape_cast %broadcast_in_dim3A_5 : vector<16xf32> to vector<16xf32>
      tpu.vector_store %arg8[%swap3A_42], %swap3A_45 {strides = array<i32>} : memref<512xf32, #tpu.memory_space<vmem>>, vector<16xf32>,
      %mul3A_46 = arith.constant 8 : i32
      %mul3A_47 = arith.muli %scan3A_26, %mul3A_46 : i32
      %add3A_48 = arith.constant 2 : i32
      %add3A_49 = arith.addi %mul3A_47, %add3A_48 : i32
      %mul3A_50 = arith.constant 16 : i32
      %mul3A_51 = arith.muli %add3A_49, %mul3A_50 : i32
      %swap3A_52 = arith.index_cast %mul3A_51 : i32 to index
      %swap3A_53 = tpu.vector_load %arg8[%swap3A_52] {strides = array<i32>} : memref<512xf32, #tpu.memory_space<vmem>>, vector<16xf32>,
      %swap3A_54 = vector.shape_cast %swap3A_53 : vector<16xf32> to vector<16xf32>
      %swap3A_55 = vector.shape_cast %broadcast_in_dim3A_5 : vector<16xf32> to vector<16xf32>
      tpu.vector_store %arg8[%swap3A_52], %swap3A_55 {strides = array<i32>} : memref<512xf32, #tpu.memory_space<vmem>>, vector<16xf32>,
      %mul3A_56 = arith.constant 8 : i32
      %mul3A_57 = arith.muli %scan3A_26, %mul3A_56 : i32
      %add3A_58 = arith.constant 3 : i32
      %add3A_59 = arith.addi %mul3A_57, %add3A_58 : i32
      %mul3A_60 = arith.constant 16 : i32
      %mul3A_61 = arith.muli %add3A_59, %mul3A_60 : i32
      %swap3A_62 = arith.index_cast %mul3A_61 : i32 to index
      %swap3A_63 = tpu.vector_load %arg8[%swap3A_62] {strides = array<i32>} : memref<512xf32, #tpu.memory_space<vmem>>, vector<16xf32>,
      %swap3A_64 = vector.shape_cast %swap3A_63 : vector<16xf32> to vector<16xf32>
      %swap3A_65 = vector.shape_cast %broadcast_in_dim3A_5 : vector<16xf32> to vector<16xf32>
      tpu.vector_store %arg8[%swap3A_62], %swap3A_65 {strides = array<i32>} : memref<512xf32, #tpu.memory_space<vmem>>, vector<16xf32>,
      %mul3A_66 = arith.constant 8 : i32
      %mul3A_67 = arith.muli %scan3A_26, %mul3A_66 : i32
      %add3A_68 = arith.constant 4 : i32
      %add3A_69 = arith.addi %mul3A_67, %add3A_68 : i32
      %mul3A_70 = arith.constant 16 : i32
      %mul3A_71 = arith.muli %add3A_69, %mul3A_70 : i32
      %swap3A_72 = arith.index_cast %mul3A_71 : i32 to index
      %swap3A_73 = tpu.vector_load %arg8[%swap3A_72] {strides = array<i32>} : memref<512xf32, #tpu.memory_space<vmem>>, vector<16xf32>,
      %swap3A_74 = vector.shape_cast %swap3A_73 : vector<16xf32> to vector<16xf32>
      %swap3A_75 = vector.shape_cast %broadcast_in_dim3A_5 : vector<16xf32> to vector<16xf32>
      tpu.vector_store %arg8[%swap3A_72], %swap3A_75 {strides = array<i32>} : memref<512xf32, #tpu.memory_space<vmem>>, vector<16xf32>,
      %mul3A_76 = arith.constant 8 : i32
      %mul3A_77 = arith.muli %scan3A_26, %mul3A_76 : i32
      %add3A_78 = arith.constant 5 : i32
      %add3A_79 = arith.addi %mul3A_77, %add3A_78 : i32
      %mul3A_80 = arith.constant 16 : i32
      %mul3A_81 = arith.muli %add3A_79, %mul3A_80 : i32
      %swap3A_82 = arith.index_cast %mul3A_81 : i32 to index
      %swap3A_83 = tpu.vector_load %arg8[%swap3A_82] {strides = array<i32>} : memref<512xf32, #tpu.memory_space<vmem>>, vector<16xf32>,
      %swap3A_84 = vector.shape_cast %swap3A_83 : vector<16xf32> to vector<16xf32>
      %swap3A_85 = vector.shape_cast %broadcast_in_dim3A_5 : vector<16xf32> to vector<16xf32>
      tpu.vector_store %arg8[%swap3A_82], %swap3A_85 {strides = array<i32>} : memref<512xf32, #tpu.memory_space<vmem>>, vector<16xf32>,
      %mul3A_86 = arith.constant 8 : i32
      %mul3A_87 = arith.muli %scan3A_26, %mul3A_86 : i32
      %add3A_88 = arith.constant 6 : i32
      %add3A_89 = arith.addi %mul3A_87, %add3A_88 : i32
      %mul3A_90 = arith.constant 16 : i32
      %mul3A_91 = arith.muli %add3A_89, %mul3A_90 : i32
      %swap3A_92 = arith.index_cast %mul3A_91 : i32 to index
      %swap3A_93 = tpu.vector_load %arg8[%swap3A_92] {strides = array<i32>} : memref<512xf32, #tpu.memory_space<vmem>>, vector<16xf32>,
      %swap3A_94 = vector.shape_cast %swap3A_93 : vector<16xf32> to vector<16xf32>
      %swap3A_95 = vector.shape_cast %broadcast_in_dim3A_5 : vector<16xf32> to vector<16xf32>
      tpu.vector_store %arg8[%swap3A_92], %swap3A_95 {strides = array<i32>} : memref<512xf32, #tpu.memory_space<vmem>>, vector<16xf32>,
      %mul3A_96 = arith.constant 8 : i32
      %mul3A_97 = arith.muli %scan3A_26, %mul3A_96 : i32
      %add3A_98 = arith.constant 7 : i32
      %add3A_99 = arith.addi %mul3A_97, %add3A_98 : i32
      %mul3A_100 = arith.constant 16 : i32
      %mul3A_101 = arith.muli %add3A_99, %mul3A_100 : i32
      %swap3A_102 = arith.index_cast %mul3A_101 : i32 to index
      %swap3A_103 = tpu.vector_load %arg8[%swap3A_102] {strides = array<i32>} : memref<512xf32, #tpu.memory_space<vmem>>, vector<16xf32>,
      %swap3A_104 = vector.shape_cast %swap3A_103 : vector<16xf32> to vector<16xf32>
      %swap3A_105 = vector.shape_cast %broadcast_in_dim3A_5 : vector<16xf32> to vector<16xf32>
      tpu.vector_store %arg8[%swap3A_102], %swap3A_105 {strides = array<i32>} : memref<512xf32, #tpu.memory_space<vmem>>, vector<16xf32>,
    }
    %scan3A_18 = arith.constant 4 : i32
    %scan3A_19 = arith.constant 0xFF800000 : f32
    %scan3A_20 = arith.constant 0 : i32
    %scan3A_21 = arith.constant 128 : i32
    %scan3A_22 = arith.addi %scan3A_20, %scan3A_21 : i32
    %scan3A_23 = arith.constant 1 : i32
    %scan3A_24 = scf.for %scan3A_26 = %scan3A_20 to %scan3A_22 step %scan3A_23 iter_args(%scan3A_27 = %broadcast_in_dim3A_5) -> (vector<16xf32>)  : i32 {
      %add3A_28 = arith.addi %mul3A_2, %scan3A_26 : i32
      "tpu.region"() ({
        %run_scoped3A = tpu.sem_alloc : memref<!tpu.dma_semaphore, #tpu.memory_space<semaphore_mem>>
        %dma_start3A = arith.constant 0 : i32
        %dma_start3A_436 = tpu.memref_slice %arg2[%add3A_28, %dma_start3A] : memref<4096x8192xf32, #tpu.memory_space<hbm>> -> memref<1x8192xf32, #tpu.memory_space<hbm>>
        %dma_start3A_437 = tpu.memref_squeeze %dma_start3A_436 : memref<1x8192xf32, #tpu.memory_space<hbm>> -> memref<8192xf32, #tpu.memory_space<hbm>>
        %dma_start3A_438 = arith.constant 0 : i32
        %dma_start3A_439 = tpu.memref_slice %arg2[%add3A_28, %dma_start3A_438] : memref<4096x8192xf32, #tpu.memory_space<hbm>> -> memref<1x8192xf32, #tpu.memory_space<hbm>>
        %dma_start3A_440 = tpu.memref_squeeze %dma_start3A_439 : memref<1x8192xf32, #tpu.memory_space<hbm>> -> memref<8192xf32, #tpu.memory_space<hbm>>
        tpu.enqueue_dma source(%dma_start3A_440 : memref<8192xf32, #tpu.memory_space<hbm>>) target(%arg4 : memref<8192xf32, #tpu.memory_space<vmem>>) target_semaphore(%run_scoped3A : memref<!tpu.dma_semaphore, #tpu.memory_space<semaphore_mem>>)
        %dma_wait3A = arith.constant 0 : i32
        %dma_wait3A_441 = tpu.memref_slice %arg2[%add3A_28, %dma_wait3A] : memref<4096x8192xf32, #tpu.memory_space<hbm>> -> memref<1x8192xf32, #tpu.memory_space<hbm>>
        %dma_wait3A_442 = tpu.memref_squeeze %dma_wait3A_441 : memref<1x8192xf32, #tpu.memory_space<hbm>> -> memref<8192xf32, #tpu.memory_space<hbm>>
        %dma_wait3A_443 = arith.constant 0 : i32
        %dma_wait3A_444 = tpu.memref_slice %arg2[%add3A_28, %dma_wait3A_443] : memref<4096x8192xf32, #tpu.memory_space<hbm>> -> memref<1x8192xf32, #tpu.memory_space<hbm>>
        %dma_wait3A_445 = tpu.memref_squeeze %dma_wait3A_444 : memref<1x8192xf32, #tpu.memory_space<hbm>> -> memref<8192xf32, #tpu.memory_space<hbm>>
        tpu.wait_dma2 semaphore(%run_scoped3A : memref<!tpu.dma_semaphore, #tpu.memory_space<semaphore_mem>>) src(%dma_wait3A_445 : memref<8192xf32, #tpu.memory_space<hbm>>) dst(%arg4 : memref<8192xf32, #tpu.memory_space<vmem>>)
        tpu.yield
      }) : () -> ()
      %broadcast_in_dim3A_29 = arith.constant 0xFF800000 : f32
      %broadcast_in_dim3A_30 = vector.broadcast %broadcast_in_dim3A_29 : f32 to vector<16xf32>
      %broadcast_in_dim3A_31 = arith.constant 0x7F800000 : f32
      %broadcast_in_dim3A_32 = vector.broadcast %broadcast_in_dim3A_31 : f32 to vector<16xf32>
      %scan3A_33 = arith.constant 0 : i32
      %scan3A_34 = arith.constant 32 : i32
      %scan3A_35 = arith.addi %scan3A_33, %scan3A_34 : i32
      %scan3A_36 = arith.constant 1 : i32
      %scan3A_37:2 = scf.for %scan3A_436 = %scan3A_33 to %scan3A_35 step %scan3A_36 iter_args(%scan3A_437 = %broadcast_in_dim3A_30, %scan3A_438 = %broadcast_in_dim3A_32) -> (vector<16xf32>, vector<16xf32>)  : i32 {
        %mul3A_439 = arith.constant 16 : i32
        %mul3A_440 = arith.muli %scan3A_436, %mul3A_439 : i32
        %add3A_441 = arith.constant 0 : i32
        %add3A_442 = arith.addi %mul3A_440, %add3A_441 : i32
        %mul3A_443 = arith.constant 16 : i32
        %mul3A_444 = arith.muli %add3A_442, %mul3A_443 : i32
        %get3A_445 = arith.index_cast %mul3A_444 : i32 to index
        %get3A_446 = tpu.vector_load %arg4[%get3A_445] {strides = array<i32>} : memref<8192xf32, #tpu.memory_space<vmem>>, vector<16xf32>,
        %get3A_447 = vector.shape_cast %get3A_446 : vector<16xf32> to vector<16xf32>
        %max3A_448 = arith.maximumf %scan3A_437, %get3A_447 : vector<16xf32>
        %min3A_449 = arith.minimumf %scan3A_438, %get3A_447 : vector<16xf32>
        %mul3A_450 = arith.constant 16 : i32
        %mul3A_451 = arith.muli %scan3A_436, %mul3A_450 : i32
        %add3A_452 = arith.constant 1 : i32
        %add3A_453 = arith.addi %mul3A_451, %add3A_452 : i32
        %mul3A_454 = arith.constant 16 : i32
        %mul3A_455 = arith.muli %add3A_453, %mul3A_454 : i32
        %get3A_456 = arith.index_cast %mul3A_455 : i32 to index
        %get3A_457 = tpu.vector_load %arg4[%get3A_456] {strides = array<i32>} : memref<8192xf32, #tpu.memory_space<vmem>>, vector<16xf32>,
        %get3A_458 = vector.shape_cast %get3A_457 : vector<16xf32> to vector<16xf32>
        %max3A_459 = arith.maximumf %max3A_448, %get3A_458 : vector<16xf32>
        %min3A_460 = arith.minimumf %min3A_449, %get3A_458 : vector<16xf32>
        %mul3A_461 = arith.constant 16 : i32
        %mul3A_462 = arith.muli %scan3A_436, %mul3A_461 : i32
        %add3A_463 = arith.constant 2 : i32
        %add3A_464 = arith.addi %mul3A_462, %add3A_463 : i32
        %mul3A_465 = arith.constant 16 : i32
        %mul3A_466 = arith.muli %add3A_464, %mul3A_465 : i32
        %get3A_467 = arith.index_cast %mul3A_466 : i32 to index
        %get3A_468 = tpu.vector_load %arg4[%get3A_467] {strides = array<i32>} : memref<8192xf32, #tpu.memory_space<vmem>>, vector<16xf32>,
        %get3A_469 = vector.shape_cast %get3A_468 : vector<16xf32> to vector<16xf32>
        %max3A_470 = arith.maximumf %max3A_459, %get3A_469 : vector<16xf32>
        %min3A_471 = arith.minimumf %min3A_460, %get3A_469 : vector<16xf32>
        %mul3A_472 = arith.constant 16 : i32
        %mul3A_473 = arith.muli %scan3A_436, %mul3A_472 : i32
        %add3A_474 = arith.constant 3 : i32
        %add3A_475 = arith.addi %mul3A_473, %add3A_474 : i32
        %mul3A_476 = arith.constant 16 : i32
        %mul3A_477 = arith.muli %add3A_475, %mul3A_476 : i32
        %get3A_478 = arith.index_cast %mul3A_477 : i32 to index
        %get3A_479 = tpu.vector_load %arg4[%get3A_478] {strides = array<i32>} : memref<8192xf32, #tpu.memory_space<vmem>>, vector<16xf32>,
        %get3A_480 = vector.shape_cast %get3A_479 : vector<16xf32> to vector<16xf32>
        %max3A_481 = arith.maximumf %max3A_470, %get3A_480 : vector<16xf32>
        %min3A_482 = arith.minimumf %min3A_471, %get3A_480 : vector<16xf32>
        %mul3A_483 = arith.constant 16 : i32
        %mul3A_484 = arith.muli %scan3A_436, %mul3A_483 : i32
        %add3A_485 = arith.constant 4 : i32
        %add3A_486 = arith.addi %mul3A_484, %add3A_485 : i32
        %mul3A_487 = arith.constant 16 : i32
        %mul3A_488 = arith.muli %add3A_486, %mul3A_487 : i32
        %get3A_489 = arith.index_cast %mul3A_488 : i32 to index
        %get3A_490 = tpu.vector_load %arg4[%get3A_489] {strides = array<i32>} : memref<8192xf32, #tpu.memory_space<vmem>>, vector<16xf32>,
        %get3A_491 = vector.shape_cast %get3A_490 : vector<16xf32> to vector<16xf32>
        %max3A_492 = arith.maximumf %max3A_481, %get3A_491 : vector<16xf32>
        %min3A_493 = arith.minimumf %min3A_482, %get3A_491 : vector<16xf32>
        %mul3A_494 = arith.constant 16 : i32
        %mul3A_495 = arith.muli %scan3A_436, %mul3A_494 : i32
        %add3A_496 = arith.constant 5 : i32
        %add3A_497 = arith.addi %mul3A_495, %add3A_496 : i32
        %mul3A_498 = arith.constant 16 : i32
        %mul3A_499 = arith.muli %add3A_497, %mul3A_498 : i32
        %get3A_500 = arith.index_cast %mul3A_499 : i32 to index
        %get3A_501 = tpu.vector_load %arg4[%get3A_500] {strides = array<i32>} : memref<8192xf32, #tpu.memory_space<vmem>>, vector<16xf32>,
        %get3A_502 = vector.shape_cast %get3A_501 : vector<16xf32> to vector<16xf32>
        %max3A_503 = arith.maximumf %max3A_492, %get3A_502 : vector<16xf32>
        %min3A_504 = arith.minimumf %min3A_493, %get3A_502 : vector<16xf32>
        %mul3A_505 = arith.constant 16 : i32
        %mul3A_506 = arith.muli %scan3A_436, %mul3A_505 : i32
        %add3A_507 = arith.constant 6 : i32
        %add3A_508 = arith.addi %mul3A_506, %add3A_507 : i32
        %mul3A_509 = arith.constant 16 : i32
        %mul3A_510 = arith.muli %add3A_508, %mul3A_509 : i32
        %get3A_511 = arith.index_cast %mul3A_510 : i32 to index
        %get3A_512 = tpu.vector_load %arg4[%get3A_511] {strides = array<i32>} : memref<8192xf32, #tpu.memory_space<vmem>>, vector<16xf32>,
        %get3A_513 = vector.shape_cast %get3A_512 : vector<16xf32> to vector<16xf32>
        %max3A_514 = arith.maximumf %max3A_503, %get3A_513 : vector<16xf32>
        %min3A_515 = arith.minimumf %min3A_504, %get3A_513 : vector<16xf32>
        %mul3A_516 = arith.constant 16 : i32
        %mul3A_517 = arith.muli %scan3A_436, %mul3A_516 : i32
        %add3A_518 = arith.constant 7 : i32
        %add3A_519 = arith.addi %mul3A_517, %add3A_518 : i32
        %mul3A_520 = arith.constant 16 : i32
        %mul3A_521 = arith.muli %add3A_519, %mul3A_520 : i32
        %get3A_522 = arith.index_cast %mul3A_521 : i32 to index
        %get3A_523 = tpu.vector_load %arg4[%get3A_522] {strides = array<i32>} : memref<8192xf32, #tpu.memory_space<vmem>>, vector<16xf32>,
        %get3A_524 = vector.shape_cast %get3A_523 : vector<16xf32> to vector<16xf32>
        %max3A_525 = arith.maximumf %max3A_514, %get3A_524 : vector<16xf32>
        %min3A_526 = arith.minimumf %min3A_515, %get3A_524 : vector<16xf32>
        %mul3A_527 = arith.constant 16 : i32
        %mul3A_528 = arith.muli %scan3A_436, %mul3A_527 : i32
        %add3A_529 = arith.constant 8 : i32
        %add3A_530 = arith.addi %mul3A_528, %add3A_529 : i32
        %mul3A_531 = arith.constant 16 : i32
        %mul3A_532 = arith.muli %add3A_530, %mul3A_531 : i32
        %get3A_533 = arith.index_cast %mul3A_532 : i32 to index
        %get3A_534 = tpu.vector_load %arg4[%get3A_533] {strides = array<i32>} : memref<8192xf32, #tpu.memory_space<vmem>>, vector<16xf32>,
        %get3A_535 = vector.shape_cast %get3A_534 : vector<16xf32> to vector<16xf32>
        %max3A_536 = arith.maximumf %max3A_525, %get3A_535 : vector<16xf32>
        %min3A_537 = arith.minimumf %min3A_526, %get3A_535 : vector<16xf32>
        %mul3A_538 = arith.constant 16 : i32
        %mul3A_539 = arith.muli %scan3A_436, %mul3A_538 : i32
        %add3A_540 = arith.constant 9 : i32
        %add3A_541 = arith.addi %mul3A_539, %add3A_540 : i32
        %mul3A_542 = arith.constant 16 : i32
        %mul3A_543 = arith.muli %add3A_541, %mul3A_542 : i32
        %get3A_544 = arith.index_cast %mul3A_543 : i32 to index
        %get3A_545 = tpu.vector_load %arg4[%get3A_544] {strides = array<i32>} : memref<8192xf32, #tpu.memory_space<vmem>>, vector<16xf32>,
        %get3A_546 = vector.shape_cast %get3A_545 : vector<16xf32> to vector<16xf32>
        %max3A_547 = arith.maximumf %max3A_536, %get3A_546 : vector<16xf32>
        %min3A_548 = arith.minimumf %min3A_537, %get3A_546 : vector<16xf32>
        %mul3A_549 = arith.constant 16 : i32
        %mul3A_550 = arith.muli %scan3A_436, %mul3A_549 : i32
        %add3A_551 = arith.constant 10 : i32
        %add3A_552 = arith.addi %mul3A_550, %add3A_551 : i32
        %mul3A_553 = arith.constant 16 : i32
        %mul3A_554 = arith.muli %add3A_552, %mul3A_553 : i32
        %get3A_555 = arith.index_cast %mul3A_554 : i32 to index
        %get3A_556 = tpu.vector_load %arg4[%get3A_555] {strides = array<i32>} : memref<8192xf32, #tpu.memory_space<vmem>>, vector<16xf32>,
        %get3A_557 = vector.shape_cast %get3A_556 : vector<16xf32> to vector<16xf32>
        %max3A_558 = arith.maximumf %max3A_547, %get3A_557 : vector<16xf32>
        %min3A_559 = arith.minimumf %min3A_548, %get3A_557 : vector<16xf32>
        %mul3A_560 = arith.constant 16 : i32
        %mul3A_561 = arith.muli %scan3A_436, %mul3A_560 : i32
        %add3A_562 = arith.constant 11 : i32
        %add3A_563 = arith.addi %mul3A_561, %add3A_562 : i32
        %mul3A_564 = arith.constant 16 : i32
        %mul3A_565 = arith.muli %add3A_563, %mul3A_564 : i32
        %get3A_566 = arith.index_cast %mul3A_565 : i32 to index
        %get3A_567 = tpu.vector_load %arg4[%get3A_566] {strides = array<i32>} : memref<8192xf32, #tpu.memory_space<vmem>>, vector<16xf32>,
        %get3A_568 = vector.shape_cast %get3A_567 : vector<16xf32> to vector<16xf32>
        %max3A_569 = arith.maximumf %max3A_558, %get3A_568 : vector<16xf32>
        %min3A_570 = arith.minimumf %min3A_559, %get3A_568 : vector<16xf32>
        %mul3A_571 = arith.constant 16 : i32
        %mul3A_572 = arith.muli %scan3A_436, %mul3A_571 : i32
        %add3A_573 = arith.constant 12 : i32
        %add3A_574 = arith.addi %mul3A_572, %add3A_573 : i32
        %mul3A_575 = arith.constant 16 : i32
        %mul3A_576 = arith.muli %add3A_574, %mul3A_575 : i32
        %get3A_577 = arith.index_cast %mul3A_576 : i32 to index
        %get3A_578 = tpu.vector_load %arg4[%get3A_577] {strides = array<i32>} : memref<8192xf32, #tpu.memory_space<vmem>>, vector<16xf32>,
        %get3A_579 = vector.shape_cast %get3A_578 : vector<16xf32> to vector<16xf32>
        %max3A_580 = arith.maximumf %max3A_569, %get3A_579 : vector<16xf32>
        %min3A_581 = arith.minimumf %min3A_570, %get3A_579 : vector<16xf32>
        %mul3A_582 = arith.constant 16 : i32
        %mul3A_583 = arith.muli %scan3A_436, %mul3A_582 : i32
        %add3A_584 = arith.constant 13 : i32
        %add3A_585 = arith.addi %mul3A_583, %add3A_584 : i32
        %mul3A_586 = arith.constant 16 : i32
        %mul3A_587 = arith.muli %add3A_585, %mul3A_586 : i32
        %get3A_588 = arith.index_cast %mul3A_587 : i32 to index
        %get3A_589 = tpu.vector_load %arg4[%get3A_588] {strides = array<i32>} : memref<8192xf32, #tpu.memory_space<vmem>>, vector<16xf32>,
        %get3A_590 = vector.shape_cast %get3A_589 : vector<16xf32> to vector<16xf32>
        %max3A_591 = arith.maximumf %max3A_580, %get3A_590 : vector<16xf32>
        %min3A_592 = arith.minimumf %min3A_581, %get3A_590 : vector<16xf32>
        %mul3A_593 = arith.constant 16 : i32
        %mul3A_594 = arith.muli %scan3A_436, %mul3A_593 : i32
        %add3A_595 = arith.constant 14 : i32
        %add3A_596 = arith.addi %mul3A_594, %add3A_595 : i32
        %mul3A_597 = arith.constant 16 : i32
        %mul3A_598 = arith.muli %add3A_596, %mul3A_597 : i32
        %get3A_599 = arith.index_cast %mul3A_598 : i32 to index
        %get3A_600 = tpu.vector_load %arg4[%get3A_599] {strides = array<i32>} : memref<8192xf32, #tpu.memory_space<vmem>>, vector<16xf32>,
        %get3A_601 = vector.shape_cast %get3A_600 : vector<16xf32> to vector<16xf32>
        %max3A_602 = arith.maximumf %max3A_591, %get3A_601 : vector<16xf32>
        %min3A_603 = arith.minimumf %min3A_592, %get3A_601 : vector<16xf32>
        %mul3A_604 = arith.constant 16 : i32
        %mul3A_605 = arith.muli %scan3A_436, %mul3A_604 : i32
        %add3A_606 = arith.constant 15 : i32
        %add3A_607 = arith.addi %mul3A_605, %add3A_606 : i32
        %mul3A_608 = arith.constant 16 : i32
        %mul3A_609 = arith.muli %add3A_607, %mul3A_608 : i32
        %get3A_610 = arith.index_cast %mul3A_609 : i32 to index
        %get3A_611 = tpu.vector_load %arg4[%get3A_610] {strides = array<i32>} : memref<8192xf32, #tpu.memory_space<vmem>>, vector<16xf32>,
        %get3A_612 = vector.shape_cast %get3A_611 : vector<16xf32> to vector<16xf32>
        %max3A_613 = arith.maximumf %max3A_602, %get3A_612 : vector<16xf32>
        %min3A_614 = arith.minimumf %min3A_603, %get3A_612 : vector<16xf32>
        scf.yield %max3A_613, %min3A_614 : vector<16xf32>, vector<16xf32>
      }
      %scan3A_38 = arith.constant 32 : i32
      %xor3A = arith.constant 8 : i32
      %xor3A_39 = vector.broadcast %xor3A : i32 to vector<16xi32>
      %xor3A_40 = arith.xori %iota3A, %xor3A_39 : vector<16xi32>
      %lt3A = arith.constant 0 : i32
      %lt3A_41 = vector.broadcast %lt3A : i32 to vector<16xi32>
      %lt3A_42 = arith.cmpi slt, %xor3A_40, %lt3A_41 : vector<16xi32>
      %add3A_43 = arith.constant 16 : i32
      %add3A_44 = vector.broadcast %add3A_43 : i32 to vector<16xi32>
      %add3A_45 = arith.addi %xor3A_40, %add3A_44 : vector<16xi32>
      %select_n3A = arith.select %lt3A_42, %add3A_45, %xor3A_40 : vector<16xi1>, vector<16xi32>
      %broadcast_in_dim3A_46 = vector.shape_cast %select_n3A : vector<16xi32> to vector<16x1xi32>
      %gather3A = vector.shape_cast %broadcast_in_dim3A_46 : vector<16x1xi32> to vector<16xi32>
      %gather3A_47 = tpu.dynamic_gather %scan3A_37#0[%gather3A] in [0] : vector<16xf32>, vector<16xi32> -> vector<16xf32>
      %max3A = arith.maximumf %scan3A_37#0, %gather3A_47 : vector<16xf32>
      %xor3A_48 = arith.constant 4 : i32
      %xor3A_49 = vector.broadcast %xor3A_48 : i32 to vector<16xi32>
      %xor3A_50 = arith.xori %iota3A, %xor3A_49 : vector<16xi32>
      %lt3A_51 = arith.constant 0 : i32
      %lt3A_52 = vector.broadcast %lt3A_51 : i32 to vector<16xi32>
      %lt3A_53 = arith.cmpi slt, %xor3A_50, %lt3A_52 : vector<16xi32>
      %add3A_54 = arith.constant 16 : i32
      %add3A_55 = vector.broadcast %add3A_54 : i32 to vector<16xi32>
      %add3A_56 = arith.addi %xor3A_50, %add3A_55 : vector<16xi32>
      %select_n3A_57 = arith.select %lt3A_53, %add3A_56, %xor3A_50 : vector<16xi1>, vector<16xi32>
      %broadcast_in_dim3A_58 = vector.shape_cast %select_n3A_57 : vector<16xi32> to vector<16x1xi32>
      %gather3A_59 = vector.shape_cast %broadcast_in_dim3A_58 : vector<16x1xi32> to vector<16xi32>
      %gather3A_60 = tpu.dynamic_gather %max3A[%gather3A_59] in [0] : vector<16xf32>, vector<16xi32> -> vector<16xf32>
      %max3A_61 = arith.maximumf %max3A, %gather3A_60 : vector<16xf32>
      %xor3A_62 = arith.constant 2 : i32
      %xor3A_63 = vector.broadcast %xor3A_62 : i32 to vector<16xi32>
      %xor3A_64 = arith.xori %iota3A, %xor3A_63 : vector<16xi32>
      %lt3A_65 = arith.constant 0 : i32
      %lt3A_66 = vector.broadcast %lt3A_65 : i32 to vector<16xi32>
      %lt3A_67 = arith.cmpi slt, %xor3A_64, %lt3A_66 : vector<16xi32>
      %add3A_68 = arith.constant 16 : i32
      %add3A_69 = vector.broadcast %add3A_68 : i32 to vector<16xi32>
      %add3A_70 = arith.addi %xor3A_64, %add3A_69 : vector<16xi32>
      %select_n3A_71 = arith.select %lt3A_67, %add3A_70, %xor3A_64 : vector<16xi1>, vector<16xi32>
      %broadcast_in_dim3A_72 = vector.shape_cast %select_n3A_71 : vector<16xi32> to vector<16x1xi32>
      %gather3A_73 = vector.shape_cast %broadcast_in_dim3A_72 : vector<16x1xi32> to vector<16xi32>
      %gather3A_74 = tpu.dynamic_gather %max3A_61[%gather3A_73] in [0] : vector<16xf32>, vector<16xi32> -> vector<16xf32>
      %max3A_75 = arith.maximumf %max3A_61, %gather3A_74 : vector<16xf32>
      %xor3A_76 = arith.constant 1 : i32
      %xor3A_77 = vector.broadcast %xor3A_76 : i32 to vector<16xi32>
      %xor3A_78 = arith.xori %iota3A, %xor3A_77 : vector<16xi32>
      %lt3A_79 = arith.constant 0 : i32
      %lt3A_80 = vector.broadcast %lt3A_79 : i32 to vector<16xi32>
      %lt3A_81 = arith.cmpi slt, %xor3A_78, %lt3A_80 : vector<16xi32>
      %add3A_82 = arith.constant 16 : i32
      %add3A_83 = vector.broadcast %add3A_82 : i32 to vector<16xi32>
      %add3A_84 = arith.addi %xor3A_78, %add3A_83 : vector<16xi32>
      %select_n3A_85 = arith.select %lt3A_81, %add3A_84, %xor3A_78 : vector<16xi1>, vector<16xi32>
      %broadcast_in_dim3A_86 = vector.shape_cast %select_n3A_85 : vector<16xi32> to vector<16x1xi32>
      %gather3A_87 = vector.shape_cast %broadcast_in_dim3A_86 : vector<16x1xi32> to vector<16xi32>
      %gather3A_88 = tpu.dynamic_gather %max3A_75[%gather3A_87] in [0] : vector<16xf32>, vector<16xi32> -> vector<16xf32>
      %max3A_89 = arith.maximumf %max3A_75, %gather3A_88 : vector<16xf32>
      %xor3A_90 = arith.constant 8 : i32
      %xor3A_91 = vector.broadcast %xor3A_90 : i32 to vector<16xi32>
      %xor3A_92 = arith.xori %iota3A, %xor3A_91 : vector<16xi32>
      %lt3A_93 = arith.constant 0 : i32
      %lt3A_94 = vector.broadcast %lt3A_93 : i32 to vector<16xi32>
      %lt3A_95 = arith.cmpi slt, %xor3A_92, %lt3A_94 : vector<16xi32>
      %add3A_96 = arith.constant 16 : i32
      %add3A_97 = vector.broadcast %add3A_96 : i32 to vector<16xi32>
      %add3A_98 = arith.addi %xor3A_92, %add3A_97 : vector<16xi32>
      %select_n3A_99 = arith.select %lt3A_95, %add3A_98, %xor3A_92 : vector<16xi1>, vector<16xi32>
      %broadcast_in_dim3A_100 = vector.shape_cast %select_n3A_99 : vector<16xi32> to vector<16x1xi32>
      %gather3A_101 = vector.shape_cast %broadcast_in_dim3A_100 : vector<16x1xi32> to vector<16xi32>
      %gather3A_102 = tpu.dynamic_gather %scan3A_37#1[%gather3A_101] in [0] : vector<16xf32>, vector<16xi32> -> vector<16xf32>
      %min3A = arith.minimumf %scan3A_37#1, %gather3A_102 : vector<16xf32>
      %xor3A_103 = arith.constant 4 : i32
      %xor3A_104 = vector.broadcast %xor3A_103 : i32 to vector<16xi32>
      %xor3A_105 = arith.xori %iota3A, %xor3A_104 : vector<16xi32>
      %lt3A_106 = arith.constant 0 : i32
      %lt3A_107 = vector.broadcast %lt3A_106 : i32 to vector<16xi32>
      %lt3A_108 = arith.cmpi slt, %xor3A_105, %lt3A_107 : vector<16xi32>
      %add3A_109 = arith.constant 16 : i32
      %add3A_110 = vector.broadcast %add3A_109 : i32 to vector<16xi32>
      %add3A_111 = arith.addi %xor3A_105, %add3A_110 : vector<16xi32>
      %select_n3A_112 = arith.select %lt3A_108, %add3A_111, %xor3A_105 : vector<16xi1>, vector<16xi32>
      %broadcast_in_dim3A_113 = vector.shape_cast %select_n3A_112 : vector<16xi32> to vector<16x1xi32>
      %gather3A_114 = vector.shape_cast %broadcast_in_dim3A_113 : vector<16x1xi32> to vector<16xi32>
      %gather3A_115 = tpu.dynamic_gather %min3A[%gather3A_114] in [0] : vector<16xf32>, vector<16xi32> -> vector<16xf32>
      %min3A_116 = arith.minimumf %min3A, %gather3A_115 : vector<16xf32>
      %xor3A_117 = arith.constant 2 : i32
      %xor3A_118 = vector.broadcast %xor3A_117 : i32 to vector<16xi32>
      %xor3A_119 = arith.xori %iota3A, %xor3A_118 : vector<16xi32>
      %lt3A_120 = arith.constant 0 : i32
      %lt3A_121 = vector.broadcast %lt3A_120 : i32 to vector<16xi32>
      %lt3A_122 = arith.cmpi slt, %xor3A_119, %lt3A_121 : vector<16xi32>
      %add3A_123 = arith.constant 16 : i32
      %add3A_124 = vector.broadcast %add3A_123 : i32 to vector<16xi32>
      %add3A_125 = arith.addi %xor3A_119, %add3A_124 : vector<16xi32>
      %select_n3A_126 = arith.select %lt3A_122, %add3A_125, %xor3A_119 : vector<16xi1>, vector<16xi32>
      %broadcast_in_dim3A_127 = vector.shape_cast %select_n3A_126 : vector<16xi32> to vector<16x1xi32>
      %gather3A_128 = vector.shape_cast %broadcast_in_dim3A_127 : vector<16x1xi32> to vector<16xi32>
      %gather3A_129 = tpu.dynamic_gather %min3A_116[%gather3A_128] in [0] : vector<16xf32>, vector<16xi32> -> vector<16xf32>
      %min3A_130 = arith.minimumf %min3A_116, %gather3A_129 : vector<16xf32>
      %xor3A_131 = arith.constant 1 : i32
      %xor3A_132 = vector.broadcast %xor3A_131 : i32 to vector<16xi32>
      %xor3A_133 = arith.xori %iota3A, %xor3A_132 : vector<16xi32>
      %lt3A_134 = arith.constant 0 : i32
      %lt3A_135 = vector.broadcast %lt3A_134 : i32 to vector<16xi32>
      %lt3A_136 = arith.cmpi slt, %xor3A_133, %lt3A_135 : vector<16xi32>
      %add3A_137 = arith.constant 16 : i32
      %add3A_138 = vector.broadcast %add3A_137 : i32 to vector<16xi32>
      %add3A_139 = arith.addi %xor3A_133, %add3A_138 : vector<16xi32>
      %select_n3A_140 = arith.select %lt3A_136, %add3A_139, %xor3A_133 : vector<16xi1>, vector<16xi32>
      %broadcast_in_dim3A_141 = vector.shape_cast %select_n3A_140 : vector<16xi32> to vector<16x1xi32>
      %gather3A_142 = vector.shape_cast %broadcast_in_dim3A_141 : vector<16x1xi32> to vector<16xi32>
      %gather3A_143 = tpu.dynamic_gather %min3A_130[%gather3A_142] in [0] : vector<16xf32>, vector<16xi32> -> vector<16xf32>
      %min3A_144 = arith.minimumf %min3A_130, %gather3A_143 : vector<16xf32>
      %sub3A = arith.subf %max3A_89, %min3A_144 : vector<16xf32>
      %max3A_145 = arith.constant 1.000000e-35 : f32
      %max3A_146 = vector.broadcast %max3A_145 : f32 to vector<16xf32>
      %max3A_147 = arith.maximumf %sub3A, %max3A_146 : vector<16xf32>
      %div3A = arith.constant 5.120000e+02 : f32
      %div3A_148 = vector.broadcast %div3A : f32 to vector<16xf32>
      %div3A_149 = arith.divf %div3A_148, %max3A_147 : vector<16xf32>
      "tpu.region"() ({
        %run_scoped3A = tpu.sem_alloc : memref<!tpu.dma_semaphore, #tpu.memory_space<semaphore_mem>>
        %dma_start3A = tpu.memref_slice %arg11[%mul3A_4] : memref<8192xf32, #tpu.memory_space<vmem_shared>> -> memref<512xf32, #tpu.memory_space<vmem_shared>>
        %dma_start3A_436 = tpu.memref_slice %arg11[%mul3A_4] : memref<8192xf32, #tpu.memory_space<vmem_shared>> -> memref<512xf32, #tpu.memory_space<vmem_shared>>
        tpu.enqueue_dma source(%arg8 : memref<512xf32, #tpu.memory_space<vmem>>) target(%dma_start3A_436 : memref<512xf32, #tpu.memory_space<vmem_shared>>) target_semaphore(%run_scoped3A : memref<!tpu.dma_semaphore, #tpu.memory_space<semaphore_mem>>)
        %dma_wait3A = tpu.memref_slice %arg11[%mul3A_4] : memref<8192xf32, #tpu.memory_space<vmem_shared>> -> memref<512xf32, #tpu.memory_space<vmem_shared>>
        %dma_wait3A_437 = tpu.memref_slice %arg11[%mul3A_4] : memref<8192xf32, #tpu.memory_space<vmem_shared>> -> memref<512xf32, #tpu.memory_space<vmem_shared>>
        tpu.wait_dma2 semaphore(%run_scoped3A : memref<!tpu.dma_semaphore, #tpu.memory_space<semaphore_mem>>) src(%arg8 : memref<512xf32, #tpu.memory_space<vmem>>) dst(%dma_wait3A_437 : memref<512xf32, #tpu.memory_space<vmem_shared>>)
        tpu.yield
      }) : () -> ()
      %scan3A_150 = arith.constant 0 : i32
      %scan3A_151 = arith.constant 0 : i32
      %scan3A_152 = arith.constant 32 : i32
      %scan3A_153 = arith.addi %scan3A_151, %scan3A_152 : i32
      %scan3A_154 = arith.constant 1 : i32
      scf.for %scan3A_436 = %scan3A_151 to %scan3A_153 step %scan3A_154  : i32 {
        %mul3A_437 = arith.constant 16 : i32
        %mul3A_438 = arith.muli %scan3A_436, %mul3A_437 : i32
        %add3A_439 = arith.constant 0 : i32
        %add3A_440 = arith.addi %mul3A_438, %add3A_439 : i32
        %mul3A_441 = arith.constant 16 : i32
        %mul3A_442 = arith.muli %add3A_440, %mul3A_441 : i32
        %get3A_443 = arith.index_cast %mul3A_442 : i32 to index
        %get3A_444 = tpu.vector_load %arg4[%get3A_443] {strides = array<i32>} : memref<8192xf32, #tpu.memory_space<vmem>>, vector<16xf32>,
        %get3A_445 = vector.shape_cast %get3A_444 : vector<16xf32> to vector<16xf32>
        %sub3A_446 = arith.subf %max3A_89, %get3A_445 : vector<16xf32>
        %mul3A_447 = arith.mulf %sub3A_446, %div3A_149 : vector<16xf32>
        %convert_element_type3A_448 = arith.fptosi %mul3A_447 : vector<16xf32> to vector<16xi32>
        %min3A_449 = arith.constant 511 : i32
        %min3A_450 = vector.broadcast %min3A_449 : i32 to vector<16xi32>
        %min3A_451 = arith.minsi %convert_element_type3A_448, %min3A_450 : vector<16xi32>
        %add3A_452 = vector.broadcast %mul3A_4 : i32 to vector<16xi32>
        %add3A_453 = arith.addi %min3A_451, %add3A_452 : vector<16xi32>
        %mul3A_454 = arith.constant 16 : i32
        %mul3A_455 = arith.muli %scan3A_436, %mul3A_454 : i32
        %add3A_456 = arith.constant 0 : i32
        %add3A_457 = arith.addi %mul3A_455, %add3A_456 : i32
        %mul3A_458 = arith.constant 16 : i32
        %mul3A_459 = arith.muli %add3A_457, %mul3A_458 : i32
        %swap3A = arith.index_cast %mul3A_459 : i32 to index
        %swap3A_460 = tpu.vector_load %arg5[%swap3A] {strides = array<i32>} : memref<8192xi32, #tpu.memory_space<vmem>>, vector<16xi32>,
        %swap3A_461 = vector.shape_cast %swap3A_460 : vector<16xi32> to vector<16xi32>
        %swap3A_462 = vector.shape_cast %add3A_453 : vector<16xi32> to vector<16xi32>
        tpu.vector_store %arg5[%swap3A], %swap3A_462 {strides = array<i32>} : memref<8192xi32, #tpu.memory_space<vmem>>, vector<16xi32>,
        %mul3A_463 = arith.constant 16 : i32
        %mul3A_464 = arith.muli %scan3A_436, %mul3A_463 : i32
        %add3A_465 = arith.constant 1 : i32
        %add3A_466 = arith.addi %mul3A_464, %add3A_465 : i32
        %mul3A_467 = arith.constant 16 : i32
        %mul3A_468 = arith.muli %add3A_466, %mul3A_467 : i32
        %get3A_469 = arith.index_cast %mul3A_468 : i32 to index
        %get3A_470 = tpu.vector_load %arg4[%get3A_469] {strides = array<i32>} : memref<8192xf32, #tpu.memory_space<vmem>>, vector<16xf32>,
        %get3A_471 = vector.shape_cast %get3A_470 : vector<16xf32> to vector<16xf32>
        %sub3A_472 = arith.subf %max3A_89, %get3A_471 : vector<16xf32>
        %mul3A_473 = arith.mulf %sub3A_472, %div3A_149 : vector<16xf32>
        %convert_element_type3A_474 = arith.fptosi %mul3A_473 : vector<16xf32> to vector<16xi32>
        %min3A_475 = arith.constant 511 : i32
        %min3A_476 = vector.broadcast %min3A_475 : i32 to vector<16xi32>
        %min3A_477 = arith.minsi %convert_element_type3A_474, %min3A_476 : vector<16xi32>
        %add3A_478 = vector.broadcast %mul3A_4 : i32 to vector<16xi32>
        %add3A_479 = arith.addi %min3A_477, %add3A_478 : vector<16xi32>
        %mul3A_480 = arith.constant 16 : i32
        %mul3A_481 = arith.muli %scan3A_436, %mul3A_480 : i32
        %add3A_482 = arith.constant 1 : i32
        %add3A_483 = arith.addi %mul3A_481, %add3A_482 : i32
        %mul3A_484 = arith.constant 16 : i32
        %mul3A_485 = arith.muli %add3A_483, %mul3A_484 : i32
        %swap3A_486 = arith.index_cast %mul3A_485 : i32 to index
        %swap3A_487 = tpu.vector_load %arg5[%swap3A_486] {strides = array<i32>} : memref<8192xi32, #tpu.memory_space<vmem>>, vector<16xi32>,
        %swap3A_488 = vector.shape_cast %swap3A_487 : vector<16xi32> to vector<16xi32>
        %swap3A_489 = vector.shape_cast %add3A_479 : vector<16xi32> to vector<16xi32>
        tpu.vector_store %arg5[%swap3A_486], %swap3A_489 {strides = array<i32>} : memref<8192xi32, #tpu.memory_space<vmem>>, vector<16xi32>,
        %mul3A_490 = arith.constant 16 : i32
        %mul3A_491 = arith.muli %scan3A_436, %mul3A_490 : i32
        %add3A_492 = arith.constant 2 : i32
        %add3A_493 = arith.addi %mul3A_491, %add3A_492 : i32
        %mul3A_494 = arith.constant 16 : i32
        %mul3A_495 = arith.muli %add3A_493, %mul3A_494 : i32
        %get3A_496 = arith.index_cast %mul3A_495 : i32 to index
        %get3A_497 = tpu.vector_load %arg4[%get3A_496] {strides = array<i32>} : memref<8192xf32, #tpu.memory_space<vmem>>, vector<16xf32>,
        %get3A_498 = vector.shape_cast %get3A_497 : vector<16xf32> to vector<16xf32>
        %sub3A_499 = arith.subf %max3A_89, %get3A_498 : vector<16xf32>
        %mul3A_500 = arith.mulf %sub3A_499, %div3A_149 : vector<16xf32>
        %convert_element_type3A_501 = arith.fptosi %mul3A_500 : vector<16xf32> to vector<16xi32>
        %min3A_502 = arith.constant 511 : i32
        %min3A_503 = vector.broadcast %min3A_502 : i32 to vector<16xi32>
        %min3A_504 = arith.minsi %convert_element_type3A_501, %min3A_503 : vector<16xi32>
        %add3A_505 = vector.broadcast %mul3A_4 : i32 to vector<16xi32>
        %add3A_506 = arith.addi %min3A_504, %add3A_505 : vector<16xi32>
        %mul3A_507 = arith.constant 16 : i32
        %mul3A_508 = arith.muli %scan3A_436, %mul3A_507 : i32
        %add3A_509 = arith.constant 2 : i32
        %add3A_510 = arith.addi %mul3A_508, %add3A_509 : i32
        %mul3A_511 = arith.constant 16 : i32
        %mul3A_512 = arith.muli %add3A_510, %mul3A_511 : i32
        %swap3A_513 = arith.index_cast %mul3A_512 : i32 to index
        %swap3A_514 = tpu.vector_load %arg5[%swap3A_513] {strides = array<i32>} : memref<8192xi32, #tpu.memory_space<vmem>>, vector<16xi32>,
        %swap3A_515 = vector.shape_cast %swap3A_514 : vector<16xi32> to vector<16xi32>
        %swap3A_516 = vector.shape_cast %add3A_506 : vector<16xi32> to vector<16xi32>
        tpu.vector_store %arg5[%swap3A_513], %swap3A_516 {strides = array<i32>} : memref<8192xi32, #tpu.memory_space<vmem>>, vector<16xi32>,
        %mul3A_517 = arith.constant 16 : i32
        %mul3A_518 = arith.muli %scan3A_436, %mul3A_517 : i32
        %add3A_519 = arith.constant 3 : i32
        %add3A_520 = arith.addi %mul3A_518, %add3A_519 : i32
        %mul3A_521 = arith.constant 16 : i32
        %mul3A_522 = arith.muli %add3A_520, %mul3A_521 : i32
        %get3A_523 = arith.index_cast %mul3A_522 : i32 to index
        %get3A_524 = tpu.vector_load %arg4[%get3A_523] {strides = array<i32>} : memref<8192xf32, #tpu.memory_space<vmem>>, vector<16xf32>,
        %get3A_525 = vector.shape_cast %get3A_524 : vector<16xf32> to vector<16xf32>
        %sub3A_526 = arith.subf %max3A_89, %get3A_525 : vector<16xf32>
        %mul3A_527 = arith.mulf %sub3A_526, %div3A_149 : vector<16xf32>
        %convert_element_type3A_528 = arith.fptosi %mul3A_527 : vector<16xf32> to vector<16xi32>
        %min3A_529 = arith.constant 511 : i32
        %min3A_530 = vector.broadcast %min3A_529 : i32 to vector<16xi32>
        %min3A_531 = arith.minsi %convert_element_type3A_528, %min3A_530 : vector<16xi32>
        %add3A_532 = vector.broadcast %mul3A_4 : i32 to vector<16xi32>
        %add3A_533 = arith.addi %min3A_531, %add3A_532 : vector<16xi32>
        %mul3A_534 = arith.constant 16 : i32
        %mul3A_535 = arith.muli %scan3A_436, %mul3A_534 : i32
        %add3A_536 = arith.constant 3 : i32
        %add3A_537 = arith.addi %mul3A_535, %add3A_536 : i32
        %mul3A_538 = arith.constant 16 : i32
        %mul3A_539 = arith.muli %add3A_537, %mul3A_538 : i32
        %swap3A_540 = arith.index_cast %mul3A_539 : i32 to index
        %swap3A_541 = tpu.vector_load %arg5[%swap3A_540] {strides = array<i32>} : memref<8192xi32, #tpu.memory_space<vmem>>, vector<16xi32>,
        %swap3A_542 = vector.shape_cast %swap3A_541 : vector<16xi32> to vector<16xi32>
        %swap3A_543 = vector.shape_cast %add3A_533 : vector<16xi32> to vector<16xi32>
        tpu.vector_store %arg5[%swap3A_540], %swap3A_543 {strides = array<i32>} : memref<8192xi32, #tpu.memory_space<vmem>>, vector<16xi32>,
        %mul3A_544 = arith.constant 16 : i32
        %mul3A_545 = arith.muli %scan3A_436, %mul3A_544 : i32
        %add3A_546 = arith.constant 4 : i32
        %add3A_547 = arith.addi %mul3A_545, %add3A_546 : i32
        %mul3A_548 = arith.constant 16 : i32
        %mul3A_549 = arith.muli %add3A_547, %mul3A_548 : i32
        %get3A_550 = arith.index_cast %mul3A_549 : i32 to index
        %get3A_551 = tpu.vector_load %arg4[%get3A_550] {strides = array<i32>} : memref<8192xf32, #tpu.memory_space<vmem>>, vector<16xf32>,
        %get3A_552 = vector.shape_cast %get3A_551 : vector<16xf32> to vector<16xf32>
        %sub3A_553 = arith.subf %max3A_89, %get3A_552 : vector<16xf32>
        %mul3A_554 = arith.mulf %sub3A_553, %div3A_149 : vector<16xf32>
        %convert_element_type3A_555 = arith.fptosi %mul3A_554 : vector<16xf32> to vector<16xi32>
        %min3A_556 = arith.constant 511 : i32
        %min3A_557 = vector.broadcast %min3A_556 : i32 to vector<16xi32>
        %min3A_558 = arith.minsi %convert_element_type3A_555, %min3A_557 : vector<16xi32>
        %add3A_559 = vector.broadcast %mul3A_4 : i32 to vector<16xi32>
        %add3A_560 = arith.addi %min3A_558, %add3A_559 : vector<16xi32>
        %mul3A_561 = arith.constant 16 : i32
        %mul3A_562 = arith.muli %scan3A_436, %mul3A_561 : i32
        %add3A_563 = arith.constant 4 : i32
        %add3A_564 = arith.addi %mul3A_562, %add3A_563 : i32
        %mul3A_565 = arith.constant 16 : i32
        %mul3A_566 = arith.muli %add3A_564, %mul3A_565 : i32
        %swap3A_567 = arith.index_cast %mul3A_566 : i32 to index
        %swap3A_568 = tpu.vector_load %arg5[%swap3A_567] {strides = array<i32>} : memref<8192xi32, #tpu.memory_space<vmem>>, vector<16xi32>,
        %swap3A_569 = vector.shape_cast %swap3A_568 : vector<16xi32> to vector<16xi32>
        %swap3A_570 = vector.shape_cast %add3A_560 : vector<16xi32> to vector<16xi32>
        tpu.vector_store %arg5[%swap3A_567], %swap3A_570 {strides = array<i32>} : memref<8192xi32, #tpu.memory_space<vmem>>, vector<16xi32>,
        %mul3A_571 = arith.constant 16 : i32
        %mul3A_572 = arith.muli %scan3A_436, %mul3A_571 : i32
        %add3A_573 = arith.constant 5 : i32
        %add3A_574 = arith.addi %mul3A_572, %add3A_573 : i32
        %mul3A_575 = arith.constant 16 : i32
        %mul3A_576 = arith.muli %add3A_574, %mul3A_575 : i32
        %get3A_577 = arith.index_cast %mul3A_576 : i32 to index
        %get3A_578 = tpu.vector_load %arg4[%get3A_577] {strides = array<i32>} : memref<8192xf32, #tpu.memory_space<vmem>>, vector<16xf32>,
        %get3A_579 = vector.shape_cast %get3A_578 : vector<16xf32> to vector<16xf32>
        %sub3A_580 = arith.subf %max3A_89, %get3A_579 : vector<16xf32>
        %mul3A_581 = arith.mulf %sub3A_580, %div3A_149 : vector<16xf32>
        %convert_element_type3A_582 = arith.fptosi %mul3A_581 : vector<16xf32> to vector<16xi32>
        %min3A_583 = arith.constant 511 : i32
        %min3A_584 = vector.broadcast %min3A_583 : i32 to vector<16xi32>
        %min3A_585 = arith.minsi %convert_element_type3A_582, %min3A_584 : vector<16xi32>
        %add3A_586 = vector.broadcast %mul3A_4 : i32 to vector<16xi32>
        %add3A_587 = arith.addi %min3A_585, %add3A_586 : vector<16xi32>
        %mul3A_588 = arith.constant 16 : i32
        %mul3A_589 = arith.muli %scan3A_436, %mul3A_588 : i32
        %add3A_590 = arith.constant 5 : i32
        %add3A_591 = arith.addi %mul3A_589, %add3A_590 : i32
        %mul3A_592 = arith.constant 16 : i32
        %mul3A_593 = arith.muli %add3A_591, %mul3A_592 : i32
        %swap3A_594 = arith.index_cast %mul3A_593 : i32 to index
        %swap3A_595 = tpu.vector_load %arg5[%swap3A_594] {strides = array<i32>} : memref<8192xi32, #tpu.memory_space<vmem>>, vector<16xi32>,
        %swap3A_596 = vector.shape_cast %swap3A_595 : vector<16xi32> to vector<16xi32>
        %swap3A_597 = vector.shape_cast %add3A_587 : vector<16xi32> to vector<16xi32>
        tpu.vector_store %arg5[%swap3A_594], %swap3A_597 {strides = array<i32>} : memref<8192xi32, #tpu.memory_space<vmem>>, vector<16xi32>,
        %mul3A_598 = arith.constant 16 : i32
        %mul3A_599 = arith.muli %scan3A_436, %mul3A_598 : i32
        %add3A_600 = arith.constant 6 : i32
        %add3A_601 = arith.addi %mul3A_599, %add3A_600 : i32
        %mul3A_602 = arith.constant 16 : i32
        %mul3A_603 = arith.muli %add3A_601, %mul3A_602 : i32
        %get3A_604 = arith.index_cast %mul3A_603 : i32 to index
        %get3A_605 = tpu.vector_load %arg4[%get3A_604] {strides = array<i32>} : memref<8192xf32, #tpu.memory_space<vmem>>, vector<16xf32>,
        %get3A_606 = vector.shape_cast %get3A_605 : vector<16xf32> to vector<16xf32>
        %sub3A_607 = arith.subf %max3A_89, %get3A_606 : vector<16xf32>
        %mul3A_608 = arith.mulf %sub3A_607, %div3A_149 : vector<16xf32>
        %convert_element_type3A_609 = arith.fptosi %mul3A_608 : vector<16xf32> to vector<16xi32>
        %min3A_610 = arith.constant 511 : i32
        %min3A_611 = vector.broadcast %min3A_610 : i32 to vector<16xi32>
        %min3A_612 = arith.minsi %convert_element_type3A_609, %min3A_611 : vector<16xi32>
        %add3A_613 = vector.broadcast %mul3A_4 : i32 to vector<16xi32>
        %add3A_614 = arith.addi %min3A_612, %add3A_613 : vector<16xi32>
        %mul3A_615 = arith.constant 16 : i32
        %mul3A_616 = arith.muli %scan3A_436, %mul3A_615 : i32
        %add3A_617 = arith.constant 6 : i32
        %add3A_618 = arith.addi %mul3A_616, %add3A_617 : i32
        %mul3A_619 = arith.constant 16 : i32
        %mul3A_620 = arith.muli %add3A_618, %mul3A_619 : i32
        %swap3A_621 = arith.index_cast %mul3A_620 : i32 to index
        %swap3A_622 = tpu.vector_load %arg5[%swap3A_621] {strides = array<i32>} : memref<8192xi32, #tpu.memory_space<vmem>>, vector<16xi32>,
        %swap3A_623 = vector.shape_cast %swap3A_622 : vector<16xi32> to vector<16xi32>
        %swap3A_624 = vector.shape_cast %add3A_614 : vector<16xi32> to vector<16xi32>
        tpu.vector_store %arg5[%swap3A_621], %swap3A_624 {strides = array<i32>} : memref<8192xi32, #tpu.memory_space<vmem>>, vector<16xi32>,
        %mul3A_625 = arith.constant 16 : i32
        %mul3A_626 = arith.muli %scan3A_436, %mul3A_625 : i32
        %add3A_627 = arith.constant 7 : i32
        %add3A_628 = arith.addi %mul3A_626, %add3A_627 : i32
        %mul3A_629 = arith.constant 16 : i32
        %mul3A_630 = arith.muli %add3A_628, %mul3A_629 : i32
        %get3A_631 = arith.index_cast %mul3A_630 : i32 to index
        %get3A_632 = tpu.vector_load %arg4[%get3A_631] {strides = array<i32>} : memref<8192xf32, #tpu.memory_space<vmem>>, vector<16xf32>,
        %get3A_633 = vector.shape_cast %get3A_632 : vector<16xf32> to vector<16xf32>
        %sub3A_634 = arith.subf %max3A_89, %get3A_633 : vector<16xf32>
        %mul3A_635 = arith.mulf %sub3A_634, %div3A_149 : vector<16xf32>
        %convert_element_type3A_636 = arith.fptosi %mul3A_635 : vector<16xf32> to vector<16xi32>
        %min3A_637 = arith.constant 511 : i32
        %min3A_638 = vector.broadcast %min3A_637 : i32 to vector<16xi32>
        %min3A_639 = arith.minsi %convert_element_type3A_636, %min3A_638 : vector<16xi32>
        %add3A_640 = vector.broadcast %mul3A_4 : i32 to vector<16xi32>
        %add3A_641 = arith.addi %min3A_639, %add3A_640 : vector<16xi32>
        %mul3A_642 = arith.constant 16 : i32
        %mul3A_643 = arith.muli %scan3A_436, %mul3A_642 : i32
        %add3A_644 = arith.constant 7 : i32
        %add3A_645 = arith.addi %mul3A_643, %add3A_644 : i32
        %mul3A_646 = arith.constant 16 : i32
        %mul3A_647 = arith.muli %add3A_645, %mul3A_646 : i32
        %swap3A_648 = arith.index_cast %mul3A_647 : i32 to index
        %swap3A_649 = tpu.vector_load %arg5[%swap3A_648] {strides = array<i32>} : memref<8192xi32, #tpu.memory_space<vmem>>, vector<16xi32>,
        %swap3A_650 = vector.shape_cast %swap3A_649 : vector<16xi32> to vector<16xi32>
        %swap3A_651 = vector.shape_cast %add3A_641 : vector<16xi32> to vector<16xi32>
        tpu.vector_store %arg5[%swap3A_648], %swap3A_651 {strides = array<i32>} : memref<8192xi32, #tpu.memory_space<vmem>>, vector<16xi32>,
        %mul3A_652 = arith.constant 16 : i32
        %mul3A_653 = arith.muli %scan3A_436, %mul3A_652 : i32
        %add3A_654 = arith.constant 8 : i32
        %add3A_655 = arith.addi %mul3A_653, %add3A_654 : i32
        %mul3A_656 = arith.constant 16 : i32
        %mul3A_657 = arith.muli %add3A_655, %mul3A_656 : i32
        %get3A_658 = arith.index_cast %mul3A_657 : i32 to index
        %get3A_659 = tpu.vector_load %arg4[%get3A_658] {strides = array<i32>} : memref<8192xf32, #tpu.memory_space<vmem>>, vector<16xf32>,
        %get3A_660 = vector.shape_cast %get3A_659 : vector<16xf32> to vector<16xf32>
        %sub3A_661 = arith.subf %max3A_89, %get3A_660 : vector<16xf32>
        %mul3A_662 = arith.mulf %sub3A_661, %div3A_149 : vector<16xf32>
        %convert_element_type3A_663 = arith.fptosi %mul3A_662 : vector<16xf32> to vector<16xi32>
        %min3A_664 = arith.constant 511 : i32
        %min3A_665 = vector.broadcast %min3A_664 : i32 to vector<16xi32>
        %min3A_666 = arith.minsi %convert_element_type3A_663, %min3A_665 : vector<16xi32>
        %add3A_667 = vector.broadcast %mul3A_4 : i32 to vector<16xi32>
        %add3A_668 = arith.addi %min3A_666, %add3A_667 : vector<16xi32>
        %mul3A_669 = arith.constant 16 : i32
        %mul3A_670 = arith.muli %scan3A_436, %mul3A_669 : i32
        %add3A_671 = arith.constant 8 : i32
        %add3A_672 = arith.addi %mul3A_670, %add3A_671 : i32
        %mul3A_673 = arith.constant 16 : i32
        %mul3A_674 = arith.muli %add3A_672, %mul3A_673 : i32
        %swap3A_675 = arith.index_cast %mul3A_674 : i32 to index
        %swap3A_676 = tpu.vector_load %arg5[%swap3A_675] {strides = array<i32>} : memref<8192xi32, #tpu.memory_space<vmem>>, vector<16xi32>,
        %swap3A_677 = vector.shape_cast %swap3A_676 : vector<16xi32> to vector<16xi32>
        %swap3A_678 = vector.shape_cast %add3A_668 : vector<16xi32> to vector<16xi32>
        tpu.vector_store %arg5[%swap3A_675], %swap3A_678 {strides = array<i32>} : memref<8192xi32, #tpu.memory_space<vmem>>, vector<16xi32>,
        %mul3A_679 = arith.constant 16 : i32
        %mul3A_680 = arith.muli %scan3A_436, %mul3A_679 : i32
        %add3A_681 = arith.constant 9 : i32
        %add3A_682 = arith.addi %mul3A_680, %add3A_681 : i32
        %mul3A_683 = arith.constant 16 : i32
        %mul3A_684 = arith.muli %add3A_682, %mul3A_683 : i32
        %get3A_685 = arith.index_cast %mul3A_684 : i32 to index
        %get3A_686 = tpu.vector_load %arg4[%get3A_685] {strides = array<i32>} : memref<8192xf32, #tpu.memory_space<vmem>>, vector<16xf32>,
        %get3A_687 = vector.shape_cast %get3A_686 : vector<16xf32> to vector<16xf32>
        %sub3A_688 = arith.subf %max3A_89, %get3A_687 : vector<16xf32>
        %mul3A_689 = arith.mulf %sub3A_688, %div3A_149 : vector<16xf32>
        %convert_element_type3A_690 = arith.fptosi %mul3A_689 : vector<16xf32> to vector<16xi32>
        %min3A_691 = arith.constant 511 : i32
        %min3A_692 = vector.broadcast %min3A_691 : i32 to vector<16xi32>
        %min3A_693 = arith.minsi %convert_element_type3A_690, %min3A_692 : vector<16xi32>
        %add3A_694 = vector.broadcast %mul3A_4 : i32 to vector<16xi32>
        %add3A_695 = arith.addi %min3A_693, %add3A_694 : vector<16xi32>
        %mul3A_696 = arith.constant 16 : i32
        %mul3A_697 = arith.muli %scan3A_436, %mul3A_696 : i32
        %add3A_698 = arith.constant 9 : i32
        %add3A_699 = arith.addi %mul3A_697, %add3A_698 : i32
        %mul3A_700 = arith.constant 16 : i32
        %mul3A_701 = arith.muli %add3A_699, %mul3A_700 : i32
        %swap3A_702 = arith.index_cast %mul3A_701 : i32 to index
        %swap3A_703 = tpu.vector_load %arg5[%swap3A_702] {strides = array<i32>} : memref<8192xi32, #tpu.memory_space<vmem>>, vector<16xi32>,
        %swap3A_704 = vector.shape_cast %swap3A_703 : vector<16xi32> to vector<16xi32>
        %swap3A_705 = vector.shape_cast %add3A_695 : vector<16xi32> to vector<16xi32>
        tpu.vector_store %arg5[%swap3A_702], %swap3A_705 {strides = array<i32>} : memref<8192xi32, #tpu.memory_space<vmem>>, vector<16xi32>,
        %mul3A_706 = arith.constant 16 : i32
        %mul3A_707 = arith.muli %scan3A_436, %mul3A_706 : i32
        %add3A_708 = arith.constant 10 : i32
        %add3A_709 = arith.addi %mul3A_707, %add3A_708 : i32
        %mul3A_710 = arith.constant 16 : i32
        %mul3A_711 = arith.muli %add3A_709, %mul3A_710 : i32
        %get3A_712 = arith.index_cast %mul3A_711 : i32 to index
        %get3A_713 = tpu.vector_load %arg4[%get3A_712] {strides = array<i32>} : memref<8192xf32, #tpu.memory_space<vmem>>, vector<16xf32>,
        %get3A_714 = vector.shape_cast %get3A_713 : vector<16xf32> to vector<16xf32>
        %sub3A_715 = arith.subf %max3A_89, %get3A_714 : vector<16xf32>
        %mul3A_716 = arith.mulf %sub3A_715, %div3A_149 : vector<16xf32>
        %convert_element_type3A_717 = arith.fptosi %mul3A_716 : vector<16xf32> to vector<16xi32>
        %min3A_718 = arith.constant 511 : i32
        %min3A_719 = vector.broadcast %min3A_718 : i32 to vector<16xi32>
        %min3A_720 = arith.minsi %convert_element_type3A_717, %min3A_719 : vector<16xi32>
        %add3A_721 = vector.broadcast %mul3A_4 : i32 to vector<16xi32>
        %add3A_722 = arith.addi %min3A_720, %add3A_721 : vector<16xi32>
        %mul3A_723 = arith.constant 16 : i32
        %mul3A_724 = arith.muli %scan3A_436, %mul3A_723 : i32
        %add3A_725 = arith.constant 10 : i32
        %add3A_726 = arith.addi %mul3A_724, %add3A_725 : i32
        %mul3A_727 = arith.constant 16 : i32
        %mul3A_728 = arith.muli %add3A_726, %mul3A_727 : i32
        %swap3A_729 = arith.index_cast %mul3A_728 : i32 to index
        %swap3A_730 = tpu.vector_load %arg5[%swap3A_729] {strides = array<i32>} : memref<8192xi32, #tpu.memory_space<vmem>>, vector<16xi32>,
        %swap3A_731 = vector.shape_cast %swap3A_730 : vector<16xi32> to vector<16xi32>
        %swap3A_732 = vector.shape_cast %add3A_722 : vector<16xi32> to vector<16xi32>
        tpu.vector_store %arg5[%swap3A_729], %swap3A_732 {strides = array<i32>} : memref<8192xi32, #tpu.memory_space<vmem>>, vector<16xi32>,
        %mul3A_733 = arith.constant 16 : i32
        %mul3A_734 = arith.muli %scan3A_436, %mul3A_733 : i32
        %add3A_735 = arith.constant 11 : i32
        %add3A_736 = arith.addi %mul3A_734, %add3A_735 : i32
        %mul3A_737 = arith.constant 16 : i32
        %mul3A_738 = arith.muli %add3A_736, %mul3A_737 : i32
        %get3A_739 = arith.index_cast %mul3A_738 : i32 to index
        %get3A_740 = tpu.vector_load %arg4[%get3A_739] {strides = array<i32>} : memref<8192xf32, #tpu.memory_space<vmem>>, vector<16xf32>,
        %get3A_741 = vector.shape_cast %get3A_740 : vector<16xf32> to vector<16xf32>
        %sub3A_742 = arith.subf %max3A_89, %get3A_741 : vector<16xf32>
        %mul3A_743 = arith.mulf %sub3A_742, %div3A_149 : vector<16xf32>
        %convert_element_type3A_744 = arith.fptosi %mul3A_743 : vector<16xf32> to vector<16xi32>
        %min3A_745 = arith.constant 511 : i32
        %min3A_746 = vector.broadcast %min3A_745 : i32 to vector<16xi32>
        %min3A_747 = arith.minsi %convert_element_type3A_744, %min3A_746 : vector<16xi32>
        %add3A_748 = vector.broadcast %mul3A_4 : i32 to vector<16xi32>
        %add3A_749 = arith.addi %min3A_747, %add3A_748 : vector<16xi32>
        %mul3A_750 = arith.constant 16 : i32
        %mul3A_751 = arith.muli %scan3A_436, %mul3A_750 : i32
        %add3A_752 = arith.constant 11 : i32
        %add3A_753 = arith.addi %mul3A_751, %add3A_752 : i32
        %mul3A_754 = arith.constant 16 : i32
        %mul3A_755 = arith.muli %add3A_753, %mul3A_754 : i32
        %swap3A_756 = arith.index_cast %mul3A_755 : i32 to index
        %swap3A_757 = tpu.vector_load %arg5[%swap3A_756] {strides = array<i32>} : memref<8192xi32, #tpu.memory_space<vmem>>, vector<16xi32>,
        %swap3A_758 = vector.shape_cast %swap3A_757 : vector<16xi32> to vector<16xi32>
        %swap3A_759 = vector.shape_cast %add3A_749 : vector<16xi32> to vector<16xi32>
        tpu.vector_store %arg5[%swap3A_756], %swap3A_759 {strides = array<i32>} : memref<8192xi32, #tpu.memory_space<vmem>>, vector<16xi32>,
        %mul3A_760 = arith.constant 16 : i32
        %mul3A_761 = arith.muli %scan3A_436, %mul3A_760 : i32
        %add3A_762 = arith.constant 12 : i32
        %add3A_763 = arith.addi %mul3A_761, %add3A_762 : i32
        %mul3A_764 = arith.constant 16 : i32
        %mul3A_765 = arith.muli %add3A_763, %mul3A_764 : i32
        %get3A_766 = arith.index_cast %mul3A_765 : i32 to index
        %get3A_767 = tpu.vector_load %arg4[%get3A_766] {strides = array<i32>} : memref<8192xf32, #tpu.memory_space<vmem>>, vector<16xf32>,
        %get3A_768 = vector.shape_cast %get3A_767 : vector<16xf32> to vector<16xf32>
        %sub3A_769 = arith.subf %max3A_89, %get3A_768 : vector<16xf32>
        %mul3A_770 = arith.mulf %sub3A_769, %div3A_149 : vector<16xf32>
        %convert_element_type3A_771 = arith.fptosi %mul3A_770 : vector<16xf32> to vector<16xi32>
        %min3A_772 = arith.constant 511 : i32
        %min3A_773 = vector.broadcast %min3A_772 : i32 to vector<16xi32>
        %min3A_774 = arith.minsi %convert_element_type3A_771, %min3A_773 : vector<16xi32>
        %add3A_775 = vector.broadcast %mul3A_4 : i32 to vector<16xi32>
        %add3A_776 = arith.addi %min3A_774, %add3A_775 : vector<16xi32>
        %mul3A_777 = arith.constant 16 : i32
        %mul3A_778 = arith.muli %scan3A_436, %mul3A_777 : i32
        %add3A_779 = arith.constant 12 : i32
        %add3A_780 = arith.addi %mul3A_778, %add3A_779 : i32
        %mul3A_781 = arith.constant 16 : i32
        %mul3A_782 = arith.muli %add3A_780, %mul3A_781 : i32
        %swap3A_783 = arith.index_cast %mul3A_782 : i32 to index
        %swap3A_784 = tpu.vector_load %arg5[%swap3A_783] {strides = array<i32>} : memref<8192xi32, #tpu.memory_space<vmem>>, vector<16xi32>,
        %swap3A_785 = vector.shape_cast %swap3A_784 : vector<16xi32> to vector<16xi32>
        %swap3A_786 = vector.shape_cast %add3A_776 : vector<16xi32> to vector<16xi32>
        tpu.vector_store %arg5[%swap3A_783], %swap3A_786 {strides = array<i32>} : memref<8192xi32, #tpu.memory_space<vmem>>, vector<16xi32>,
        %mul3A_787 = arith.constant 16 : i32
        %mul3A_788 = arith.muli %scan3A_436, %mul3A_787 : i32
        %add3A_789 = arith.constant 13 : i32
        %add3A_790 = arith.addi %mul3A_788, %add3A_789 : i32
        %mul3A_791 = arith.constant 16 : i32
        %mul3A_792 = arith.muli %add3A_790, %mul3A_791 : i32
        %get3A_793 = arith.index_cast %mul3A_792 : i32 to index
        %get3A_794 = tpu.vector_load %arg4[%get3A_793] {strides = array<i32>} : memref<8192xf32, #tpu.memory_space<vmem>>, vector<16xf32>,
        %get3A_795 = vector.shape_cast %get3A_794 : vector<16xf32> to vector<16xf32>
        %sub3A_796 = arith.subf %max3A_89, %get3A_795 : vector<16xf32>
        %mul3A_797 = arith.mulf %sub3A_796, %div3A_149 : vector<16xf32>
        %convert_element_type3A_798 = arith.fptosi %mul3A_797 : vector<16xf32> to vector<16xi32>
        %min3A_799 = arith.constant 511 : i32
        %min3A_800 = vector.broadcast %min3A_799 : i32 to vector<16xi32>
        %min3A_801 = arith.minsi %convert_element_type3A_798, %min3A_800 : vector<16xi32>
        %add3A_802 = vector.broadcast %mul3A_4 : i32 to vector<16xi32>
        %add3A_803 = arith.addi %min3A_801, %add3A_802 : vector<16xi32>
        %mul3A_804 = arith.constant 16 : i32
        %mul3A_805 = arith.muli %scan3A_436, %mul3A_804 : i32
        %add3A_806 = arith.constant 13 : i32
        %add3A_807 = arith.addi %mul3A_805, %add3A_806 : i32
        %mul3A_808 = arith.constant 16 : i32
        %mul3A_809 = arith.muli %add3A_807, %mul3A_808 : i32
        %swap3A_810 = arith.index_cast %mul3A_809 : i32 to index
        %swap3A_811 = tpu.vector_load %arg5[%swap3A_810] {strides = array<i32>} : memref<8192xi32, #tpu.memory_space<vmem>>, vector<16xi32>,
        %swap3A_812 = vector.shape_cast %swap3A_811 : vector<16xi32> to vector<16xi32>
        %swap3A_813 = vector.shape_cast %add3A_803 : vector<16xi32> to vector<16xi32>
        tpu.vector_store %arg5[%swap3A_810], %swap3A_813 {strides = array<i32>} : memref<8192xi32, #tpu.memory_space<vmem>>, vector<16xi32>,
        %mul3A_814 = arith.constant 16 : i32
        %mul3A_815 = arith.muli %scan3A_436, %mul3A_814 : i32
        %add3A_816 = arith.constant 14 : i32
        %add3A_817 = arith.addi %mul3A_815, %add3A_816 : i32
        %mul3A_818 = arith.constant 16 : i32
        %mul3A_819 = arith.muli %add3A_817, %mul3A_818 : i32
        %get3A_820 = arith.index_cast %mul3A_819 : i32 to index
        %get3A_821 = tpu.vector_load %arg4[%get3A_820] {strides = array<i32>} : memref<8192xf32, #tpu.memory_space<vmem>>, vector<16xf32>,
        %get3A_822 = vector.shape_cast %get3A_821 : vector<16xf32> to vector<16xf32>
        %sub3A_823 = arith.subf %max3A_89, %get3A_822 : vector<16xf32>
        %mul3A_824 = arith.mulf %sub3A_823, %div3A_149 : vector<16xf32>
        %convert_element_type3A_825 = arith.fptosi %mul3A_824 : vector<16xf32> to vector<16xi32>
        %min3A_826 = arith.constant 511 : i32
        %min3A_827 = vector.broadcast %min3A_826 : i32 to vector<16xi32>
        %min3A_828 = arith.minsi %convert_element_type3A_825, %min3A_827 : vector<16xi32>
        %add3A_829 = vector.broadcast %mul3A_4 : i32 to vector<16xi32>
        %add3A_830 = arith.addi %min3A_828, %add3A_829 : vector<16xi32>
        %mul3A_831 = arith.constant 16 : i32
        %mul3A_832 = arith.muli %scan3A_436, %mul3A_831 : i32
        %add3A_833 = arith.constant 14 : i32
        %add3A_834 = arith.addi %mul3A_832, %add3A_833 : i32
        %mul3A_835 = arith.constant 16 : i32
        %mul3A_836 = arith.muli %add3A_834, %mul3A_835 : i32
        %swap3A_837 = arith.index_cast %mul3A_836 : i32 to index
        %swap3A_838 = tpu.vector_load %arg5[%swap3A_837] {strides = array<i32>} : memref<8192xi32, #tpu.memory_space<vmem>>, vector<16xi32>,
        %swap3A_839 = vector.shape_cast %swap3A_838 : vector<16xi32> to vector<16xi32>
        %swap3A_840 = vector.shape_cast %add3A_830 : vector<16xi32> to vector<16xi32>
        tpu.vector_store %arg5[%swap3A_837], %swap3A_840 {strides = array<i32>} : memref<8192xi32, #tpu.memory_space<vmem>>, vector<16xi32>,
        %mul3A_841 = arith.constant 16 : i32
        %mul3A_842 = arith.muli %scan3A_436, %mul3A_841 : i32
        %add3A_843 = arith.constant 15 : i32
        %add3A_844 = arith.addi %mul3A_842, %add3A_843 : i32
        %mul3A_845 = arith.constant 16 : i32
        %mul3A_846 = arith.muli %add3A_844, %mul3A_845 : i32
        %get3A_847 = arith.index_cast %mul3A_846 : i32 to index
        %get3A_848 = tpu.vector_load %arg4[%get3A_847] {strides = array<i32>} : memref<8192xf32, #tpu.memory_space<vmem>>, vector<16xf32>,
        %get3A_849 = vector.shape_cast %get3A_848 : vector<16xf32> to vector<16xf32>
        %sub3A_850 = arith.subf %max3A_89, %get3A_849 : vector<16xf32>
        %mul3A_851 = arith.mulf %sub3A_850, %div3A_149 : vector<16xf32>
        %convert_element_type3A_852 = arith.fptosi %mul3A_851 : vector<16xf32> to vector<16xi32>
        %min3A_853 = arith.constant 511 : i32
        %min3A_854 = vector.broadcast %min3A_853 : i32 to vector<16xi32>
        %min3A_855 = arith.minsi %convert_element_type3A_852, %min3A_854 : vector<16xi32>
        %add3A_856 = vector.broadcast %mul3A_4 : i32 to vector<16xi32>
        %add3A_857 = arith.addi %min3A_855, %add3A_856 : vector<16xi32>
        %mul3A_858 = arith.constant 16 : i32
        %mul3A_859 = arith.muli %scan3A_436, %mul3A_858 : i32
        %add3A_860 = arith.constant 15 : i32
        %add3A_861 = arith.addi %mul3A_859, %add3A_860 : i32
        %mul3A_862 = arith.constant 16 : i32
        %mul3A_863 = arith.muli %add3A_861, %mul3A_862 : i32
        %swap3A_864 = arith.index_cast %mul3A_863 : i32 to index
        %swap3A_865 = tpu.vector_load %arg5[%swap3A_864] {strides = array<i32>} : memref<8192xi32, #tpu.memory_space<vmem>>, vector<16xi32>,
        %swap3A_866 = vector.shape_cast %swap3A_865 : vector<16xi32> to vector<16xi32>
        %swap3A_867 = vector.shape_cast %add3A_857 : vector<16xi32> to vector<16xi32>
        tpu.vector_store %arg5[%swap3A_864], %swap3A_867 {strides = array<i32>} : memref<8192xi32, #tpu.memory_space<vmem>>, vector<16xi32>,
      }
      %scan3A_155 = arith.constant 32 : i32
      "tpu.region"() ({
        %run_scoped3A = tpu.sem_alloc : memref<!tpu.dma_semaphore, #tpu.memory_space<semaphore_mem>>
        %dma_start3A = arith.constant 0 : i32
        %dma_start3A_436 = tpu.memref_slice %arg11[%dma_start3A] : memref<8192xf32, #tpu.memory_space<vmem_shared>> -> memref<8192xf32, #tpu.memory_space<vmem_shared>>
        tpu.enqueue_indirect_dma source(%arg6 : memref<8192xf32, #tpu.memory_space<vmem>>) target(%dma_start3A_436 : memref<8192xf32, #tpu.memory_space<vmem_shared>>) offsets(%arg5 : memref<8192xi32, #tpu.memory_space<vmem>>) semaphore(%run_scoped3A : memref<!tpu.dma_semaphore, #tpu.memory_space<semaphore_mem>>) {add = true}
        %dma_wait3A = arith.constant 0 : i32
        %dma_wait3A_437 = tpu.memref_slice %arg11[%dma_wait3A] : memref<8192xf32, #tpu.memory_space<vmem_shared>> -> memref<8192xf32, #tpu.memory_space<vmem_shared>>
        tpu.wait_indirect_dma semaphore(%run_scoped3A : memref<!tpu.dma_semaphore, #tpu.memory_space<semaphore_mem>>) src(%arg6 : memref<8192xf32, #tpu.memory_space<vmem>>) dst(%dma_wait3A_437 : memref<8192xf32, #tpu.memory_space<vmem_shared>>)
        tpu.yield
      }) : () -> ()
      "tpu.region"() ({
        %run_scoped3A = tpu.sem_alloc : memref<!tpu.dma_semaphore, #tpu.memory_space<semaphore_mem>>
        %dma_start3A = tpu.memref_slice %arg11[%mul3A_4] : memref<8192xf32, #tpu.memory_space<vmem_shared>> -> memref<512xf32, #tpu.memory_space<vmem_shared>>
        %dma_start3A_436 = tpu.memref_slice %arg11[%mul3A_4] : memref<8192xf32, #tpu.memory_space<vmem_shared>> -> memref<512xf32, #tpu.memory_space<vmem_shared>>
        tpu.enqueue_dma source(%dma_start3A_436 : memref<512xf32, #tpu.memory_space<vmem_shared>>) target(%arg7 : memref<512xf32, #tpu.memory_space<vmem>>) target_semaphore(%run_scoped3A : memref<!tpu.dma_semaphore, #tpu.memory_space<semaphore_mem>>)
        %dma_wait3A = tpu.memref_slice %arg11[%mul3A_4] : memref<8192xf32, #tpu.memory_space<vmem_shared>> -> memref<512xf32, #tpu.memory_space<vmem_shared>>
        %dma_wait3A_437 = tpu.memref_slice %arg11[%mul3A_4] : memref<8192xf32, #tpu.memory_space<vmem_shared>> -> memref<512xf32, #tpu.memory_space<vmem_shared>>
        tpu.wait_dma2 semaphore(%run_scoped3A : memref<!tpu.dma_semaphore, #tpu.memory_space<semaphore_mem>>) src(%dma_wait3A_437 : memref<512xf32, #tpu.memory_space<vmem_shared>>) dst(%arg7 : memref<512xf32, #tpu.memory_space<vmem>>)
        tpu.yield
      }) : () -> ()
      %scan3A_156 = arith.constant 0.000000e+00 : f32
      %scan3A_157 = arith.constant 0 : i32
      %scan3A_158 = arith.constant 0 : i32
      %scan3A_159 = arith.constant 0.000000e+00 : f32
      %scan3A_160 = arith.constant 0 : i32
      %scan3A_161 = arith.constant 32 : i32
      %scan3A_162 = arith.addi %scan3A_160, %scan3A_161 : i32
      %scan3A_163 = arith.constant 1 : i32
      %scan3A_164:4 = scf.for %scan3A_436 = %scan3A_160 to %scan3A_162 step %scan3A_163 iter_args(%scan3A_437 = %scan3A_156, %scan3A_438 = %scan3A_157, %scan3A_439 = %scan3A_158, %scan3A_440 = %scan3A_159) -> (f32, i32, i32, f32)  : i32 {
        %mul3A_441 = arith.constant 16 : i32
        %mul3A_442 = arith.muli %scan3A_436, %mul3A_441 : i32
        %get3A_443 = arith.index_cast %mul3A_442 : i32 to index
        %get3A_444 = tpu.vector_load %arg7[%get3A_443] {strides = array<i32>} : memref<512xf32, #tpu.memory_space<vmem>>, vector<16xf32>,
        %get3A_445 = vector.shape_cast %get3A_444 : vector<16xf32> to vector<16xf32>
        %xor3A_446 = arith.constant 8 : i32
        %xor3A_447 = vector.broadcast %xor3A_446 : i32 to vector<16xi32>
        %xor3A_448 = arith.xori %iota3A, %xor3A_447 : vector<16xi32>
        %lt3A_449 = arith.constant 0 : i32
        %lt3A_450 = vector.broadcast %lt3A_449 : i32 to vector<16xi32>
        %lt3A_451 = arith.cmpi slt, %xor3A_448, %lt3A_450 : vector<16xi32>
        %add3A_452 = arith.constant 16 : i32
        %add3A_453 = vector.broadcast %add3A_452 : i32 to vector<16xi32>
        %add3A_454 = arith.addi %xor3A_448, %add3A_453 : vector<16xi32>
        %select_n3A_455 = arith.select %lt3A_451, %add3A_454, %xor3A_448 : vector<16xi1>, vector<16xi32>
        %broadcast_in_dim3A_456 = vector.shape_cast %select_n3A_455 : vector<16xi32> to vector<16x1xi32>
        %gather3A_457 = vector.shape_cast %broadcast_in_dim3A_456 : vector<16x1xi32> to vector<16xi32>
        %gather3A_458 = tpu.dynamic_gather %get3A_445[%gather3A_457] in [0] : vector<16xf32>, vector<16xi32> -> vector<16xf32>
        %add3A_459 = arith.addf %get3A_445, %gather3A_458 : vector<16xf32>
        %xor3A_460 = arith.constant 4 : i32
        %xor3A_461 = vector.broadcast %xor3A_460 : i32 to vector<16xi32>
        %xor3A_462 = arith.xori %iota3A, %xor3A_461 : vector<16xi32>
        %lt3A_463 = arith.constant 0 : i32
        %lt3A_464 = vector.broadcast %lt3A_463 : i32 to vector<16xi32>
        %lt3A_465 = arith.cmpi slt, %xor3A_462, %lt3A_464 : vector<16xi32>
        %add3A_466 = arith.constant 16 : i32
        %add3A_467 = vector.broadcast %add3A_466 : i32 to vector<16xi32>
        %add3A_468 = arith.addi %xor3A_462, %add3A_467 : vector<16xi32>
        %select_n3A_469 = arith.select %lt3A_465, %add3A_468, %xor3A_462 : vector<16xi1>, vector<16xi32>
        %broadcast_in_dim3A_470 = vector.shape_cast %select_n3A_469 : vector<16xi32> to vector<16x1xi32>
        %gather3A_471 = vector.shape_cast %broadcast_in_dim3A_470 : vector<16x1xi32> to vector<16xi32>
        %gather3A_472 = tpu.dynamic_gather %add3A_459[%gather3A_471] in [0] : vector<16xf32>, vector<16xi32> -> vector<16xf32>
        %add3A_473 = arith.addf %add3A_459, %gather3A_472 : vector<16xf32>
        %xor3A_474 = arith.constant 2 : i32
        %xor3A_475 = vector.broadcast %xor3A_474 : i32 to vector<16xi32>
        %xor3A_476 = arith.xori %iota3A, %xor3A_475 : vector<16xi32>
        %lt3A_477 = arith.constant 0 : i32
        %lt3A_478 = vector.broadcast %lt3A_477 : i32 to vector<16xi32>
        %lt3A_479 = arith.cmpi slt, %xor3A_476, %lt3A_478 : vector<16xi32>
        %add3A_480 = arith.constant 16 : i32
        %add3A_481 = vector.broadcast %add3A_480 : i32 to vector<16xi32>
        %add3A_482 = arith.addi %xor3A_476, %add3A_481 : vector<16xi32>
        %select_n3A_483 = arith.select %lt3A_479, %add3A_482, %xor3A_476 : vector<16xi1>, vector<16xi32>
        %broadcast_in_dim3A_484 = vector.shape_cast %select_n3A_483 : vector<16xi32> to vector<16x1xi32>
        %gather3A_485 = vector.shape_cast %broadcast_in_dim3A_484 : vector<16x1xi32> to vector<16xi32>
        %gather3A_486 = tpu.dynamic_gather %add3A_473[%gather3A_485] in [0] : vector<16xf32>, vector<16xi32> -> vector<16xf32>
        %add3A_487 = arith.addf %add3A_473, %gather3A_486 : vector<16xf32>
        %xor3A_488 = arith.constant 1 : i32
        %xor3A_489 = vector.broadcast %xor3A_488 : i32 to vector<16xi32>
        %xor3A_490 = arith.xori %iota3A, %xor3A_489 : vector<16xi32>
        %lt3A_491 = arith.constant 0 : i32
        %lt3A_492 = vector.broadcast %lt3A_491 : i32 to vector<16xi32>
        %lt3A_493 = arith.cmpi slt, %xor3A_490, %lt3A_492 : vector<16xi32>
        %add3A_494 = arith.constant 16 : i32
        %add3A_495 = vector.broadcast %add3A_494 : i32 to vector<16xi32>
        %add3A_496 = arith.addi %xor3A_490, %add3A_495 : vector<16xi32>
        %select_n3A_497 = arith.select %lt3A_493, %add3A_496, %xor3A_490 : vector<16xi1>, vector<16xi32>
        %broadcast_in_dim3A_498 = vector.shape_cast %select_n3A_497 : vector<16xi32> to vector<16x1xi32>
        %gather3A_499 = vector.shape_cast %broadcast_in_dim3A_498 : vector<16x1xi32> to vector<16xi32>
        %gather3A_500 = tpu.dynamic_gather %add3A_487[%gather3A_499] in [0] : vector<16xf32>, vector<16xi32> -> vector<16xf32>
        %add3A_501 = arith.addf %add3A_487, %gather3A_500 : vector<16xf32>
        %slice3A_502 = vector.extract_strided_slice %add3A_501 {offsets = [0], sizes = [1], strides = [1]} : vector<16xf32> to vector<1xf32>
        %squeeze3A_503 = vector.extract %slice3A_502[0] : f32 from vector<1xf32>
        %eq3A_504 = arith.constant 0 : i32
        %eq3A_505 = arith.cmpi eq, %scan3A_438, %eq3A_504 : i32
        %add3A_506 = arith.addf %scan3A_437, %squeeze3A_503 : f32
        %ge3A_507 = arith.constant 3.200000e+01 : f32
        %ge3A_508 = arith.cmpf oge, %add3A_506, %ge3A_507 : f32
        %and3A_509 = arith.andi %eq3A_505, %ge3A_508 : i1
        %select_n3A_510 = arith.select %and3A_509, %scan3A_436, %scan3A_439 : i32
        %select_n3A_511 = arith.select %and3A_509, %scan3A_437, %scan3A_440 : f32
        %jit3A_512 = arith.constant 1 : i32
        %select_n3A_513 = arith.select %and3A_509, %jit3A_512, %scan3A_438 : i32
        %add3A_514 = arith.addf %scan3A_437, %squeeze3A_503 : f32
        scf.yield %add3A_514, %select_n3A_513, %select_n3A_510, %select_n3A_511 : f32, i32, i32, f32
      }
      %scan3A_165 = arith.constant 32 : i32
      %mul3A_166 = arith.constant 16 : i32
      %mul3A_167 = arith.muli %scan3A_164#2, %mul3A_166 : i32
      %get3A = arith.index_cast %mul3A_167 : i32 to index
      %get3A_168 = tpu.vector_load %arg7[%get3A] {strides = array<i32>} : memref<512xf32, #tpu.memory_space<vmem>>, vector<16xf32>,
      %get3A_169 = vector.shape_cast %get3A_168 : vector<16xf32> to vector<16xf32>
      %sub3A_170 = arith.constant 1 : i32
      %sub3A_171 = vector.broadcast %sub3A_170 : i32 to vector<16xi32>
      %sub3A_172 = arith.subi %iota3A, %sub3A_171 : vector<16xi32>
      %max3A_173 = arith.constant 0 : i32
      %max3A_174 = vector.broadcast %max3A_173 : i32 to vector<16xi32>
      %max3A_175 = arith.maxsi %sub3A_172, %max3A_174 : vector<16xi32>
      %lt3A_176 = arith.constant 0 : i32
      %lt3A_177 = vector.broadcast %lt3A_176 : i32 to vector<16xi32>
      %lt3A_178 = arith.cmpi slt, %max3A_175, %lt3A_177 : vector<16xi32>
      %add3A_179 = arith.constant 16 : i32
      %add3A_180 = vector.broadcast %add3A_179 : i32 to vector<16xi32>
      %add3A_181 = arith.addi %max3A_175, %add3A_180 : vector<16xi32>
      %select_n3A_182 = arith.select %lt3A_178, %add3A_181, %max3A_175 : vector<16xi1>, vector<16xi32>
      %broadcast_in_dim3A_183 = vector.shape_cast %select_n3A_182 : vector<16xi32> to vector<16x1xi32>
      %gather3A_184 = vector.shape_cast %broadcast_in_dim3A_183 : vector<16x1xi32> to vector<16xi32>
      %gather3A_185 = tpu.dynamic_gather %get3A_169[%gather3A_184] in [0] : vector<16xf32>, vector<16xi32> -> vector<16xf32>
      %ge3A = arith.constant 1 : i32
      %ge3A_186 = vector.broadcast %ge3A : i32 to vector<16xi32>
      %ge3A_187 = arith.cmpi sge, %iota3A, %ge3A_186 : vector<16xi32>
      %jit3A = arith.constant 0.000000e+00 : f32
      %broadcast_in_dim3A_188 = vector.broadcast %jit3A : f32 to vector<16xf32>
      %select_n3A_189 = arith.select %ge3A_187, %gather3A_185, %broadcast_in_dim3A_188 : vector<16xi1>, vector<16xf32>
      %add3A_190 = arith.addf %get3A_169, %select_n3A_189 : vector<16xf32>
      %sub3A_191 = arith.constant 2 : i32
      %sub3A_192 = vector.broadcast %sub3A_191 : i32 to vector<16xi32>
      %sub3A_193 = arith.subi %iota3A, %sub3A_192 : vector<16xi32>
      %max3A_194 = arith.constant 0 : i32
      %max3A_195 = vector.broadcast %max3A_194 : i32 to vector<16xi32>
      %max3A_196 = arith.maxsi %sub3A_193, %max3A_195 : vector<16xi32>
      %lt3A_197 = arith.constant 0 : i32
      %lt3A_198 = vector.broadcast %lt3A_197 : i32 to vector<16xi32>
      %lt3A_199 = arith.cmpi slt, %max3A_196, %lt3A_198 : vector<16xi32>
      %add3A_200 = arith.constant 16 : i32
      %add3A_201 = vector.broadcast %add3A_200 : i32 to vector<16xi32>
      %add3A_202 = arith.addi %max3A_196, %add3A_201 : vector<16xi32>
      %select_n3A_203 = arith.select %lt3A_199, %add3A_202, %max3A_196 : vector<16xi1>, vector<16xi32>
      %broadcast_in_dim3A_204 = vector.shape_cast %select_n3A_203 : vector<16xi32> to vector<16x1xi32>
      %gather3A_205 = vector.shape_cast %broadcast_in_dim3A_204 : vector<16x1xi32> to vector<16xi32>
      %gather3A_206 = tpu.dynamic_gather %add3A_190[%gather3A_205] in [0] : vector<16xf32>, vector<16xi32> -> vector<16xf32>
      %ge3A_207 = arith.constant 2 : i32
      %ge3A_208 = vector.broadcast %ge3A_207 : i32 to vector<16xi32>
      %ge3A_209 = arith.cmpi sge, %iota3A, %ge3A_208 : vector<16xi32>
      %jit3A_210 = arith.constant 0.000000e+00 : f32
      %broadcast_in_dim3A_211 = vector.broadcast %jit3A_210 : f32 to vector<16xf32>
      %select_n3A_212 = arith.select %ge3A_209, %gather3A_206, %broadcast_in_dim3A_211 : vector<16xi1>, vector<16xf32>
      %add3A_213 = arith.addf %add3A_190, %select_n3A_212 : vector<16xf32>
      %sub3A_214 = arith.constant 4 : i32
      %sub3A_215 = vector.broadcast %sub3A_214 : i32 to vector<16xi32>
      %sub3A_216 = arith.subi %iota3A, %sub3A_215 : vector<16xi32>
      %max3A_217 = arith.constant 0 : i32
      %max3A_218 = vector.broadcast %max3A_217 : i32 to vector<16xi32>
      %max3A_219 = arith.maxsi %sub3A_216, %max3A_218 : vector<16xi32>
      %lt3A_220 = arith.constant 0 : i32
      %lt3A_221 = vector.broadcast %lt3A_220 : i32 to vector<16xi32>
      %lt3A_222 = arith.cmpi slt, %max3A_219, %lt3A_221 : vector<16xi32>
      %add3A_223 = arith.constant 16 : i32
      %add3A_224 = vector.broadcast %add3A_223 : i32 to vector<16xi32>
      %add3A_225 = arith.addi %max3A_219, %add3A_224 : vector<16xi32>
      %select_n3A_226 = arith.select %lt3A_222, %add3A_225, %max3A_219 : vector<16xi1>, vector<16xi32>
      %broadcast_in_dim3A_227 = vector.shape_cast %select_n3A_226 : vector<16xi32> to vector<16x1xi32>
      %gather3A_228 = vector.shape_cast %broadcast_in_dim3A_227 : vector<16x1xi32> to vector<16xi32>
      %gather3A_229 = tpu.dynamic_gather %add3A_213[%gather3A_228] in [0] : vector<16xf32>, vector<16xi32> -> vector<16xf32>
      %ge3A_230 = arith.constant 4 : i32
      %ge3A_231 = vector.broadcast %ge3A_230 : i32 to vector<16xi32>
      %ge3A_232 = arith.cmpi sge, %iota3A, %ge3A_231 : vector<16xi32>
      %jit3A_233 = arith.constant 0.000000e+00 : f32
      %broadcast_in_dim3A_234 = vector.broadcast %jit3A_233 : f32 to vector<16xf32>
      %select_n3A_235 = arith.select %ge3A_232, %gather3A_229, %broadcast_in_dim3A_234 : vector<16xi1>, vector<16xf32>
      %add3A_236 = arith.addf %add3A_213, %select_n3A_235 : vector<16xf32>
      %sub3A_237 = arith.constant 8 : i32
      %sub3A_238 = vector.broadcast %sub3A_237 : i32 to vector<16xi32>
      %sub3A_239 = arith.subi %iota3A, %sub3A_238 : vector<16xi32>
      %max3A_240 = arith.constant 0 : i32
      %max3A_241 = vector.broadcast %max3A_240 : i32 to vector<16xi32>
      %max3A_242 = arith.maxsi %sub3A_239, %max3A_241 : vector<16xi32>
      %lt3A_243 = arith.constant 0 : i32
      %lt3A_244 = vector.broadcast %lt3A_243 : i32 to vector<16xi32>
      %lt3A_245 = arith.cmpi slt, %max3A_242, %lt3A_244 : vector<16xi32>
      %add3A_246 = arith.constant 16 : i32
      %add3A_247 = vector.broadcast %add3A_246 : i32 to vector<16xi32>
      %add3A_248 = arith.addi %max3A_242, %add3A_247 : vector<16xi32>
      %select_n3A_249 = arith.select %lt3A_245, %add3A_248, %max3A_242 : vector<16xi1>, vector<16xi32>
      %broadcast_in_dim3A_250 = vector.shape_cast %select_n3A_249 : vector<16xi32> to vector<16x1xi32>
      %gather3A_251 = vector.shape_cast %broadcast_in_dim3A_250 : vector<16x1xi32> to vector<16xi32>
      %gather3A_252 = tpu.dynamic_gather %add3A_236[%gather3A_251] in [0] : vector<16xf32>, vector<16xi32> -> vector<16xf32>
      %ge3A_253 = arith.constant 8 : i32
      %ge3A_254 = vector.broadcast %ge3A_253 : i32 to vector<16xi32>
      %ge3A_255 = arith.cmpi sge, %iota3A, %ge3A_254 : vector<16xi32>
      %jit3A_256 = arith.constant 0.000000e+00 : f32
      %broadcast_in_dim3A_257 = vector.broadcast %jit3A_256 : f32 to vector<16xf32>
      %select_n3A_258 = arith.select %ge3A_255, %gather3A_252, %broadcast_in_dim3A_257 : vector<16xi1>, vector<16xf32>
      %add3A_259 = arith.addf %add3A_236, %select_n3A_258 : vector<16xf32>
      %add3A_260 = vector.broadcast %scan3A_164#3 : f32 to vector<16xf32>
      %add3A_261 = arith.addf %add3A_260, %add3A_259 : vector<16xf32>
      %ge3A_262 = arith.constant 3.200000e+01 : f32
      %ge3A_263 = vector.broadcast %ge3A_262 : f32 to vector<16xf32>
      %ge3A_264 = arith.cmpf oge, %add3A_261, %ge3A_263 : vector<16xf32>
      %jit3A_265 = arith.constant 16 : i32
      %broadcast_in_dim3A_266 = vector.broadcast %jit3A_265 : i32 to vector<16xi32>
      %select_n3A_267 = arith.select %ge3A_264, %iota3A, %broadcast_in_dim3A_266 : vector<16xi1>, vector<16xi32>
      %xor3A_268 = arith.constant 8 : i32
      %xor3A_269 = vector.broadcast %xor3A_268 : i32 to vector<16xi32>
      %xor3A_270 = arith.xori %iota3A, %xor3A_269 : vector<16xi32>
      %lt3A_271 = arith.constant 0 : i32
      %lt3A_272 = vector.broadcast %lt3A_271 : i32 to vector<16xi32>
      %lt3A_273 = arith.cmpi slt, %xor3A_270, %lt3A_272 : vector<16xi32>
      %add3A_274 = arith.constant 16 : i32
      %add3A_275 = vector.broadcast %add3A_274 : i32 to vector<16xi32>
      %add3A_276 = arith.addi %xor3A_270, %add3A_275 : vector<16xi32>
      %select_n3A_277 = arith.select %lt3A_273, %add3A_276, %xor3A_270 : vector<16xi1>, vector<16xi32>
      %broadcast_in_dim3A_278 = vector.shape_cast %select_n3A_277 : vector<16xi32> to vector<16x1xi32>
      %gather3A_279 = vector.shape_cast %broadcast_in_dim3A_278 : vector<16x1xi32> to vector<16xi32>
      %gather3A_280 = tpu.dynamic_gather %select_n3A_267[%gather3A_279] in [0] : vector<16xi32>, vector<16xi32> -> vector<16xi32>
      %min3A_281 = arith.minsi %select_n3A_267, %gather3A_280 : vector<16xi32>
      %xor3A_282 = arith.constant 4 : i32
      %xor3A_283 = vector.broadcast %xor3A_282 : i32 to vector<16xi32>
      %xor3A_284 = arith.xori %iota3A, %xor3A_283 : vector<16xi32>
      %lt3A_285 = arith.constant 0 : i32
      %lt3A_286 = vector.broadcast %lt3A_285 : i32 to vector<16xi32>
      %lt3A_287 = arith.cmpi slt, %xor3A_284, %lt3A_286 : vector<16xi32>
      %add3A_288 = arith.constant 16 : i32
      %add3A_289 = vector.broadcast %add3A_288 : i32 to vector<16xi32>
      %add3A_290 = arith.addi %xor3A_284, %add3A_289 : vector<16xi32>
      %select_n3A_291 = arith.select %lt3A_287, %add3A_290, %xor3A_284 : vector<16xi1>, vector<16xi32>
      %broadcast_in_dim3A_292 = vector.shape_cast %select_n3A_291 : vector<16xi32> to vector<16x1xi32>
      %gather3A_293 = vector.shape_cast %broadcast_in_dim3A_292 : vector<16x1xi32> to vector<16xi32>
      %gather3A_294 = tpu.dynamic_gather %min3A_281[%gather3A_293] in [0] : vector<16xi32>, vector<16xi32> -> vector<16xi32>
      %min3A_295 = arith.minsi %min3A_281, %gather3A_294 : vector<16xi32>
      %xor3A_296 = arith.constant 2 : i32
      %xor3A_297 = vector.broadcast %xor3A_296 : i32 to vector<16xi32>
      %xor3A_298 = arith.xori %iota3A, %xor3A_297 : vector<16xi32>
      %lt3A_299 = arith.constant 0 : i32
      %lt3A_300 = vector.broadcast %lt3A_299 : i32 to vector<16xi32>
      %lt3A_301 = arith.cmpi slt, %xor3A_298, %lt3A_300 : vector<16xi32>
      %add3A_302 = arith.constant 16 : i32
      %add3A_303 = vector.broadcast %add3A_302 : i32 to vector<16xi32>
      %add3A_304 = arith.addi %xor3A_298, %add3A_303 : vector<16xi32>
      %select_n3A_305 = arith.select %lt3A_301, %add3A_304, %xor3A_298 : vector<16xi1>, vector<16xi32>
      %broadcast_in_dim3A_306 = vector.shape_cast %select_n3A_305 : vector<16xi32> to vector<16x1xi32>
      %gather3A_307 = vector.shape_cast %broadcast_in_dim3A_306 : vector<16x1xi32> to vector<16xi32>
      %gather3A_308 = tpu.dynamic_gather %min3A_295[%gather3A_307] in [0] : vector<16xi32>, vector<16xi32> -> vector<16xi32>
      %min3A_309 = arith.minsi %min3A_295, %gather3A_308 : vector<16xi32>
      %xor3A_310 = arith.constant 1 : i32
      %xor3A_311 = vector.broadcast %xor3A_310 : i32 to vector<16xi32>
      %xor3A_312 = arith.xori %iota3A, %xor3A_311 : vector<16xi32>
      %lt3A_313 = arith.constant 0 : i32
      %lt3A_314 = vector.broadcast %lt3A_313 : i32 to vector<16xi32>
      %lt3A_315 = arith.cmpi slt, %xor3A_312, %lt3A_314 : vector<16xi32>
      %add3A_316 = arith.constant 16 : i32
      %add3A_317 = vector.broadcast %add3A_316 : i32 to vector<16xi32>
      %add3A_318 = arith.addi %xor3A_312, %add3A_317 : vector<16xi32>
      %select_n3A_319 = arith.select %lt3A_315, %add3A_318, %xor3A_312 : vector<16xi1>, vector<16xi32>
      %broadcast_in_dim3A_320 = vector.shape_cast %select_n3A_319 : vector<16xi32> to vector<16x1xi32>
      %gather3A_321 = vector.shape_cast %broadcast_in_dim3A_320 : vector<16x1xi32> to vector<16xi32>
      %gather3A_322 = tpu.dynamic_gather %min3A_309[%gather3A_321] in [0] : vector<16xi32>, vector<16xi32> -> vector<16xi32>
      %min3A_323 = arith.minsi %min3A_309, %gather3A_322 : vector<16xi32>
      %lt3A_324 = arith.cmpi slt, %iota3A, %min3A_323 : vector<16xi32>
      %jit3A_325 = arith.constant 0.000000e+00 : f32
      %broadcast_in_dim3A_326 = vector.broadcast %jit3A_325 : f32 to vector<16xf32>
      %select_n3A_327 = arith.select %lt3A_324, %get3A_169, %broadcast_in_dim3A_326 : vector<16xi1>, vector<16xf32>
      %xor3A_328 = arith.constant 8 : i32
      %xor3A_329 = vector.broadcast %xor3A_328 : i32 to vector<16xi32>
      %xor3A_330 = arith.xori %iota3A, %xor3A_329 : vector<16xi32>
      %lt3A_331 = arith.constant 0 : i32
      %lt3A_332 = vector.broadcast %lt3A_331 : i32 to vector<16xi32>
      %lt3A_333 = arith.cmpi slt, %xor3A_330, %lt3A_332 : vector<16xi32>
      %add3A_334 = arith.constant 16 : i32
      %add3A_335 = vector.broadcast %add3A_334 : i32 to vector<16xi32>
      %add3A_336 = arith.addi %xor3A_330, %add3A_335 : vector<16xi32>
      %select_n3A_337 = arith.select %lt3A_333, %add3A_336, %xor3A_330 : vector<16xi1>, vector<16xi32>
      %broadcast_in_dim3A_338 = vector.shape_cast %select_n3A_337 : vector<16xi32> to vector<16x1xi32>
      %gather3A_339 = vector.shape_cast %broadcast_in_dim3A_338 : vector<16x1xi32> to vector<16xi32>
      %gather3A_340 = tpu.dynamic_gather %select_n3A_327[%gather3A_339] in [0] : vector<16xf32>, vector<16xi32> -> vector<16xf32>
      %add3A_341 = arith.addf %select_n3A_327, %gather3A_340 : vector<16xf32>
      %xor3A_342 = arith.constant 4 : i32
      %xor3A_343 = vector.broadcast %xor3A_342 : i32 to vector<16xi32>
      %xor3A_344 = arith.xori %iota3A, %xor3A_343 : vector<16xi32>
      %lt3A_345 = arith.constant 0 : i32
      %lt3A_346 = vector.broadcast %lt3A_345 : i32 to vector<16xi32>
      %lt3A_347 = arith.cmpi slt, %xor3A_344, %lt3A_346 : vector<16xi32>
      %add3A_348 = arith.constant 16 : i32
      %add3A_349 = vector.broadcast %add3A_348 : i32 to vector<16xi32>
      %add3A_350 = arith.addi %xor3A_344, %add3A_349 : vector<16xi32>
      %select_n3A_351 = arith.select %lt3A_347, %add3A_350, %xor3A_344 : vector<16xi1>, vector<16xi32>
      %broadcast_in_dim3A_352 = vector.shape_cast %select_n3A_351 : vector<16xi32> to vector<16x1xi32>
      %gather3A_353 = vector.shape_cast %broadcast_in_dim3A_352 : vector<16x1xi32> to vector<16xi32>
      %gather3A_354 = tpu.dynamic_gather %add3A_341[%gather3A_353] in [0] : vector<16xf32>, vector<16xi32> -> vector<16xf32>
      %add3A_355 = arith.addf %add3A_341, %gather3A_354 : vector<16xf32>
      %xor3A_356 = arith.constant 2 : i32
      %xor3A_357 = vector.broadcast %xor3A_356 : i32 to vector<16xi32>
      %xor3A_358 = arith.xori %iota3A, %xor3A_357 : vector<16xi32>
      %lt3A_359 = arith.constant 0 : i32
      %lt3A_360 = vector.broadcast %lt3A_359 : i32 to vector<16xi32>
      %lt3A_361 = arith.cmpi slt, %xor3A_358, %lt3A_360 : vector<16xi32>
      %add3A_362 = arith.constant 16 : i32
      %add3A_363 = vector.broadcast %add3A_362 : i32 to vector<16xi32>
      %add3A_364 = arith.addi %xor3A_358, %add3A_363 : vector<16xi32>
      %select_n3A_365 = arith.select %lt3A_361, %add3A_364, %xor3A_358 : vector<16xi1>, vector<16xi32>
      %broadcast_in_dim3A_366 = vector.shape_cast %select_n3A_365 : vector<16xi32> to vector<16x1xi32>
      %gather3A_367 = vector.shape_cast %broadcast_in_dim3A_366 : vector<16x1xi32> to vector<16xi32>
      %gather3A_368 = tpu.dynamic_gather %add3A_355[%gather3A_367] in [0] : vector<16xf32>, vector<16xi32> -> vector<16xf32>
      %add3A_369 = arith.addf %add3A_355, %gather3A_368 : vector<16xf32>
      %xor3A_370 = arith.constant 1 : i32
      %xor3A_371 = vector.broadcast %xor3A_370 : i32 to vector<16xi32>
      %xor3A_372 = arith.xori %iota3A, %xor3A_371 : vector<16xi32>
      %lt3A_373 = arith.constant 0 : i32
      %lt3A_374 = vector.broadcast %lt3A_373 : i32 to vector<16xi32>
      %lt3A_375 = arith.cmpi slt, %xor3A_372, %lt3A_374 : vector<16xi32>
      %add3A_376 = arith.constant 16 : i32
      %add3A_377 = vector.broadcast %add3A_376 : i32 to vector<16xi32>
      %add3A_378 = arith.addi %xor3A_372, %add3A_377 : vector<16xi32>
      %select_n3A_379 = arith.select %lt3A_375, %add3A_378, %xor3A_372 : vector<16xi1>, vector<16xi32>
      %broadcast_in_dim3A_380 = vector.shape_cast %select_n3A_379 : vector<16xi32> to vector<16x1xi32>
      %gather3A_381 = vector.shape_cast %broadcast_in_dim3A_380 : vector<16x1xi32> to vector<16xi32>
      %gather3A_382 = tpu.dynamic_gather %add3A_369[%gather3A_381] in [0] : vector<16xf32>, vector<16xi32> -> vector<16xf32>
      %add3A_383 = arith.addf %add3A_369, %gather3A_382 : vector<16xf32>
      %slice3A = vector.extract_strided_slice %add3A_383 {offsets = [0], sizes = [1], strides = [1]} : vector<16xf32> to vector<1xf32>
      %squeeze3A = vector.extract %slice3A[0] : f32 from vector<1xf32>
      %add3A_384 = arith.addf %scan3A_164#3, %squeeze3A : f32
      %sub3A_385 = arith.constant 3.200000e+01 : f32
      %sub3A_386 = arith.subf %sub3A_385, %add3A_384 : f32
      %mul3A_387 = arith.constant 16 : i32
      %mul3A_388 = arith.muli %scan3A_164#2, %mul3A_387 : i32
      %add3A_389 = vector.broadcast %mul3A_388 : i32 to vector<16xi32>
      %add3A_390 = arith.addi %add3A_389, %min3A_323 : vector<16xi32>
      %add3A_391 = vector.broadcast %mul3A_4 : i32 to vector<16xi32>
      %add3A_392 = arith.addi %add3A_390, %add3A_391 : vector<16xi32>
      %scan3A_393 = arith.constant 0x7F800000 : f32
      %scan3A_394 = arith.constant 0.000000e+00 : f32
      %scan3A_395 = arith.constant 0 : i32
      %scan3A_396 = arith.constant 32 : i32
      %scan3A_397 = arith.addi %scan3A_395, %scan3A_396 : i32
      %scan3A_398 = arith.constant 1 : i32
      %scan3A_399:3 = scf.for %scan3A_436 = %scan3A_395 to %scan3A_397 step %scan3A_398 iter_args(%scan3A_437 = %sub3A_386, %scan3A_438 = %scan3A_393, %scan3A_439 = %scan3A_394) -> (f32, f32, f32)  : i32 {
        %gt3A = arith.constant 0.000000e+00 : f32
        %gt3A_440 = arith.cmpf ogt, %scan3A_437, %gt3A : f32
        %convert_element_type3A_441 = arith.extui %gt3A_440 : i1 to i32
        %cond3A_442 = arith.constant 0 : i32
        %cond3A_443 = arith.cmpi ne, %convert_element_type3A_441, %cond3A_442 : i32
        scf.if %cond3A_443 {
          %broadcast_in_dim3A_575 = arith.constant 0xFF800000 : f32
          %broadcast_in_dim3A_576 = vector.broadcast %broadcast_in_dim3A_575 : f32 to vector<16xf32>
          %scan3A_577 = arith.constant 0 : i32
          %scan3A_578 = arith.constant 32 : i32
          %scan3A_579 = arith.addi %scan3A_577, %scan3A_578 : i32
          %scan3A_580 = arith.constant 1 : i32
          %scan3A_581:2 = scf.for %scan3A_590 = %scan3A_577 to %scan3A_579 step %scan3A_580 iter_args(%scan3A_591 = %broadcast_in_dim3A_576, %scan3A_592 = %broadcast_in_dim3A_5) -> (vector<16xf32>, vector<16xf32>)  : i32 {
            %mul3A_593 = arith.constant 16 : i32
            %mul3A_594 = arith.muli %scan3A_590, %mul3A_593 : i32
            %add3A_595 = arith.constant 0 : i32
            %add3A_596 = arith.addi %mul3A_594, %add3A_595 : i32
            %mul3A_597 = arith.constant 16 : i32
            %mul3A_598 = arith.muli %add3A_596, %mul3A_597 : i32
            %get3A_599 = arith.index_cast %mul3A_598 : i32 to index
            %get3A_600 = tpu.vector_load %arg4[%get3A_599] {strides = array<i32>} : memref<8192xf32, #tpu.memory_space<vmem>>, vector<16xf32>,
            %get3A_601 = vector.shape_cast %get3A_600 : vector<16xf32> to vector<16xf32>
            %mul3A_602 = arith.constant 16 : i32
            %mul3A_603 = arith.muli %scan3A_590, %mul3A_602 : i32
            %add3A_604 = arith.constant 0 : i32
            %add3A_605 = arith.addi %mul3A_603, %add3A_604 : i32
            %mul3A_606 = arith.constant 16 : i32
            %mul3A_607 = arith.muli %add3A_605, %mul3A_606 : i32
            %get3A_608 = arith.index_cast %mul3A_607 : i32 to index
            %get3A_609 = tpu.vector_load %arg5[%get3A_608] {strides = array<i32>} : memref<8192xi32, #tpu.memory_space<vmem>>, vector<16xi32>,
            %get3A_610 = vector.shape_cast %get3A_609 : vector<16xi32> to vector<16xi32>
            %eq3A_611 = arith.cmpi eq, %get3A_610, %add3A_392 : vector<16xi32>
            %lt3A_612 = vector.broadcast %scan3A_438 : f32 to vector<16xf32>
            %lt3A_613 = arith.cmpf olt, %get3A_601, %lt3A_612 : vector<16xf32>
            %and3A_614 = arith.andi %eq3A_611, %lt3A_613 : vector<16xi1>
            %broadcast_in_dim3A_615 = vector.broadcast %scan3A_19 : f32 to vector<16xf32>
            %select_n3A_616 = arith.select %and3A_614, %get3A_601, %broadcast_in_dim3A_615 : vector<16xi1>, vector<16xf32>
            %max3A_617 = arith.maximumf %scan3A_591, %select_n3A_616 : vector<16xf32>
            %eq3A_618 = arith.cmpf oeq, %select_n3A_616, %max3A_617 : vector<16xf32>
            %and3A_619 = arith.andi %and3A_614, %eq3A_618 : vector<16xi1>
            %gt3A_620 = arith.cmpf ogt, %select_n3A_616, %scan3A_591 : vector<16xf32>
            %jit3A_621 = arith.constant 0.000000e+00 : f32
            %broadcast_in_dim3A_622 = vector.broadcast %jit3A_621 : f32 to vector<16xf32>
            %select_n3A_623 = arith.select %gt3A_620, %broadcast_in_dim3A_622, %scan3A_592 : vector<16xi1>, vector<16xf32>
            %jit3A_624 = arith.constant 1.000000e+00 : f32
            %jit3A_625 = arith.constant 0.000000e+00 : f32
            %broadcast_in_dim3A_626 = vector.broadcast %jit3A_624 : f32 to vector<16xf32>
            %broadcast_in_dim3A_627 = vector.broadcast %jit3A_625 : f32 to vector<16xf32>
            %select_n3A_628 = arith.select %and3A_619, %broadcast_in_dim3A_626, %broadcast_in_dim3A_627 : vector<16xi1>, vector<16xf32>
            %add3A_629 = arith.addf %select_n3A_623, %select_n3A_628 : vector<16xf32>
            %mul3A_630 = arith.constant 16 : i32
            %mul3A_631 = arith.muli %scan3A_590, %mul3A_630 : i32
            %add3A_632 = arith.constant 1 : i32
            %add3A_633 = arith.addi %mul3A_631, %add3A_632 : i32
            %mul3A_634 = arith.constant 16 : i32
            %mul3A_635 = arith.muli %add3A_633, %mul3A_634 : i32
            %get3A_636 = arith.index_cast %mul3A_635 : i32 to index
            %get3A_637 = tpu.vector_load %arg4[%get3A_636] {strides = array<i32>} : memref<8192xf32, #tpu.memory_space<vmem>>, vector<16xf32>,
            %get3A_638 = vector.shape_cast %get3A_637 : vector<16xf32> to vector<16xf32>
            %mul3A_639 = arith.constant 16 : i32
            %mul3A_640 = arith.muli %scan3A_590, %mul3A_639 : i32
            %add3A_641 = arith.constant 1 : i32
            %add3A_642 = arith.addi %mul3A_640, %add3A_641 : i32
            %mul3A_643 = arith.constant 16 : i32
            %mul3A_644 = arith.muli %add3A_642, %mul3A_643 : i32
            %get3A_645 = arith.index_cast %mul3A_644 : i32 to index
            %get3A_646 = tpu.vector_load %arg5[%get3A_645] {strides = array<i32>} : memref<8192xi32, #tpu.memory_space<vmem>>, vector<16xi32>,
            %get3A_647 = vector.shape_cast %get3A_646 : vector<16xi32> to vector<16xi32>
            %eq3A_648 = arith.cmpi eq, %get3A_647, %add3A_392 : vector<16xi32>
            %lt3A_649 = vector.broadcast %scan3A_438 : f32 to vector<16xf32>
            %lt3A_650 = arith.cmpf olt, %get3A_638, %lt3A_649 : vector<16xf32>
            %and3A_651 = arith.andi %eq3A_648, %lt3A_650 : vector<16xi1>
            %broadcast_in_dim3A_652 = vector.broadcast %scan3A_19 : f32 to vector<16xf32>
            %select_n3A_653 = arith.select %and3A_651, %get3A_638, %broadcast_in_dim3A_652 : vector<16xi1>, vector<16xf32>
            %max3A_654 = arith.maximumf %max3A_617, %select_n3A_653 : vector<16xf32>
            %eq3A_655 = arith.cmpf oeq, %select_n3A_653, %max3A_654 : vector<16xf32>
            %and3A_656 = arith.andi %and3A_651, %eq3A_655 : vector<16xi1>
            %gt3A_657 = arith.cmpf ogt, %select_n3A_653, %max3A_617 : vector<16xf32>
            %jit3A_658 = arith.constant 0.000000e+00 : f32
            %broadcast_in_dim3A_659 = vector.broadcast %jit3A_658 : f32 to vector<16xf32>
            %select_n3A_660 = arith.select %gt3A_657, %broadcast_in_dim3A_659, %add3A_629 : vector<16xi1>, vector<16xf32>
            %jit3A_661 = arith.constant 1.000000e+00 : f32
            %jit3A_662 = arith.constant 0.000000e+00 : f32
            %broadcast_in_dim3A_663 = vector.broadcast %jit3A_661 : f32 to vector<16xf32>
            %broadcast_in_dim3A_664 = vector.broadcast %jit3A_662 : f32 to vector<16xf32>
            %select_n3A_665 = arith.select %and3A_656, %broadcast_in_dim3A_663, %broadcast_in_dim3A_664 : vector<16xi1>, vector<16xf32>
            %add3A_666 = arith.addf %select_n3A_660, %select_n3A_665 : vector<16xf32>
            %mul3A_667 = arith.constant 16 : i32
            %mul3A_668 = arith.muli %scan3A_590, %mul3A_667 : i32
            %add3A_669 = arith.constant 2 : i32
            %add3A_670 = arith.addi %mul3A_668, %add3A_669 : i32
            %mul3A_671 = arith.constant 16 : i32
            %mul3A_672 = arith.muli %add3A_670, %mul3A_671 : i32
            %get3A_673 = arith.index_cast %mul3A_672 : i32 to index
            %get3A_674 = tpu.vector_load %arg4[%get3A_673] {strides = array<i32>} : memref<8192xf32, #tpu.memory_space<vmem>>, vector<16xf32>,
            %get3A_675 = vector.shape_cast %get3A_674 : vector<16xf32> to vector<16xf32>
            %mul3A_676 = arith.constant 16 : i32
            %mul3A_677 = arith.muli %scan3A_590, %mul3A_676 : i32
            %add3A_678 = arith.constant 2 : i32
            %add3A_679 = arith.addi %mul3A_677, %add3A_678 : i32
            %mul3A_680 = arith.constant 16 : i32
            %mul3A_681 = arith.muli %add3A_679, %mul3A_680 : i32
            %get3A_682 = arith.index_cast %mul3A_681 : i32 to index
            %get3A_683 = tpu.vector_load %arg5[%get3A_682] {strides = array<i32>} : memref<8192xi32, #tpu.memory_space<vmem>>, vector<16xi32>,
            %get3A_684 = vector.shape_cast %get3A_683 : vector<16xi32> to vector<16xi32>
            %eq3A_685 = arith.cmpi eq, %get3A_684, %add3A_392 : vector<16xi32>
            %lt3A_686 = vector.broadcast %scan3A_438 : f32 to vector<16xf32>
            %lt3A_687 = arith.cmpf olt, %get3A_675, %lt3A_686 : vector<16xf32>
            %and3A_688 = arith.andi %eq3A_685, %lt3A_687 : vector<16xi1>
            %broadcast_in_dim3A_689 = vector.broadcast %scan3A_19 : f32 to vector<16xf32>
            %select_n3A_690 = arith.select %and3A_688, %get3A_675, %broadcast_in_dim3A_689 : vector<16xi1>, vector<16xf32>
            %max3A_691 = arith.maximumf %max3A_654, %select_n3A_690 : vector<16xf32>
            %eq3A_692 = arith.cmpf oeq, %select_n3A_690, %max3A_691 : vector<16xf32>
            %and3A_693 = arith.andi %and3A_688, %eq3A_692 : vector<16xi1>
            %gt3A_694 = arith.cmpf ogt, %select_n3A_690, %max3A_654 : vector<16xf32>
            %jit3A_695 = arith.constant 0.000000e+00 : f32
            %broadcast_in_dim3A_696 = vector.broadcast %jit3A_695 : f32 to vector<16xf32>
            %select_n3A_697 = arith.select %gt3A_694, %broadcast_in_dim3A_696, %add3A_666 : vector<16xi1>, vector<16xf32>
            %jit3A_698 = arith.constant 1.000000e+00 : f32
            %jit3A_699 = arith.constant 0.000000e+00 : f32
            %broadcast_in_dim3A_700 = vector.broadcast %jit3A_698 : f32 to vector<16xf32>
            %broadcast_in_dim3A_701 = vector.broadcast %jit3A_699 : f32 to vector<16xf32>
            %select_n3A_702 = arith.select %and3A_693, %broadcast_in_dim3A_700, %broadcast_in_dim3A_701 : vector<16xi1>, vector<16xf32>
            %add3A_703 = arith.addf %select_n3A_697, %select_n3A_702 : vector<16xf32>
            %mul3A_704 = arith.constant 16 : i32
            %mul3A_705 = arith.muli %scan3A_590, %mul3A_704 : i32
            %add3A_706 = arith.constant 3 : i32
            %add3A_707 = arith.addi %mul3A_705, %add3A_706 : i32
            %mul3A_708 = arith.constant 16 : i32
            %mul3A_709 = arith.muli %add3A_707, %mul3A_708 : i32
            %get3A_710 = arith.index_cast %mul3A_709 : i32 to index
            %get3A_711 = tpu.vector_load %arg4[%get3A_710] {strides = array<i32>} : memref<8192xf32, #tpu.memory_space<vmem>>, vector<16xf32>,
            %get3A_712 = vector.shape_cast %get3A_711 : vector<16xf32> to vector<16xf32>
            %mul3A_713 = arith.constant 16 : i32
            %mul3A_714 = arith.muli %scan3A_590, %mul3A_713 : i32
            %add3A_715 = arith.constant 3 : i32
            %add3A_716 = arith.addi %mul3A_714, %add3A_715 : i32
            %mul3A_717 = arith.constant 16 : i32
            %mul3A_718 = arith.muli %add3A_716, %mul3A_717 : i32
            %get3A_719 = arith.index_cast %mul3A_718 : i32 to index
            %get3A_720 = tpu.vector_load %arg5[%get3A_719] {strides = array<i32>} : memref<8192xi32, #tpu.memory_space<vmem>>, vector<16xi32>,
            %get3A_721 = vector.shape_cast %get3A_720 : vector<16xi32> to vector<16xi32>
            %eq3A_722 = arith.cmpi eq, %get3A_721, %add3A_392 : vector<16xi32>
            %lt3A_723 = vector.broadcast %scan3A_438 : f32 to vector<16xf32>
            %lt3A_724 = arith.cmpf olt, %get3A_712, %lt3A_723 : vector<16xf32>
            %and3A_725 = arith.andi %eq3A_722, %lt3A_724 : vector<16xi1>
            %broadcast_in_dim3A_726 = vector.broadcast %scan3A_19 : f32 to vector<16xf32>
            %select_n3A_727 = arith.select %and3A_725, %get3A_712, %broadcast_in_dim3A_726 : vector<16xi1>, vector<16xf32>
            %max3A_728 = arith.maximumf %max3A_691, %select_n3A_727 : vector<16xf32>
            %eq3A_729 = arith.cmpf oeq, %select_n3A_727, %max3A_728 : vector<16xf32>
            %and3A_730 = arith.andi %and3A_725, %eq3A_729 : vector<16xi1>
            %gt3A_731 = arith.cmpf ogt, %select_n3A_727, %max3A_691 : vector<16xf32>
            %jit3A_732 = arith.constant 0.000000e+00 : f32
            %broadcast_in_dim3A_733 = vector.broadcast %jit3A_732 : f32 to vector<16xf32>
            %select_n3A_734 = arith.select %gt3A_731, %broadcast_in_dim3A_733, %add3A_703 : vector<16xi1>, vector<16xf32>
            %jit3A_735 = arith.constant 1.000000e+00 : f32
            %jit3A_736 = arith.constant 0.000000e+00 : f32
            %broadcast_in_dim3A_737 = vector.broadcast %jit3A_735 : f32 to vector<16xf32>
            %broadcast_in_dim3A_738 = vector.broadcast %jit3A_736 : f32 to vector<16xf32>
            %select_n3A_739 = arith.select %and3A_730, %broadcast_in_dim3A_737, %broadcast_in_dim3A_738 : vector<16xi1>, vector<16xf32>
            %add3A_740 = arith.addf %select_n3A_734, %select_n3A_739 : vector<16xf32>
            %mul3A_741 = arith.constant 16 : i32
            %mul3A_742 = arith.muli %scan3A_590, %mul3A_741 : i32
            %add3A_743 = arith.constant 4 : i32
            %add3A_744 = arith.addi %mul3A_742, %add3A_743 : i32
            %mul3A_745 = arith.constant 16 : i32
            %mul3A_746 = arith.muli %add3A_744, %mul3A_745 : i32
            %get3A_747 = arith.index_cast %mul3A_746 : i32 to index
            %get3A_748 = tpu.vector_load %arg4[%get3A_747] {strides = array<i32>} : memref<8192xf32, #tpu.memory_space<vmem>>, vector<16xf32>,
            %get3A_749 = vector.shape_cast %get3A_748 : vector<16xf32> to vector<16xf32>
            %mul3A_750 = arith.constant 16 : i32
            %mul3A_751 = arith.muli %scan3A_590, %mul3A_750 : i32
            %add3A_752 = arith.constant 4 : i32
            %add3A_753 = arith.addi %mul3A_751, %add3A_752 : i32
            %mul3A_754 = arith.constant 16 : i32
            %mul3A_755 = arith.muli %add3A_753, %mul3A_754 : i32
            %get3A_756 = arith.index_cast %mul3A_755 : i32 to index
            %get3A_757 = tpu.vector_load %arg5[%get3A_756] {strides = array<i32>} : memref<8192xi32, #tpu.memory_space<vmem>>, vector<16xi32>,
            %get3A_758 = vector.shape_cast %get3A_757 : vector<16xi32> to vector<16xi32>
            %eq3A_759 = arith.cmpi eq, %get3A_758, %add3A_392 : vector<16xi32>
            %lt3A_760 = vector.broadcast %scan3A_438 : f32 to vector<16xf32>
            %lt3A_761 = arith.cmpf olt, %get3A_749, %lt3A_760 : vector<16xf32>
            %and3A_762 = arith.andi %eq3A_759, %lt3A_761 : vector<16xi1>
            %broadcast_in_dim3A_763 = vector.broadcast %scan3A_19 : f32 to vector<16xf32>
            %select_n3A_764 = arith.select %and3A_762, %get3A_749, %broadcast_in_dim3A_763 : vector<16xi1>, vector<16xf32>
            %max3A_765 = arith.maximumf %max3A_728, %select_n3A_764 : vector<16xf32>
            %eq3A_766 = arith.cmpf oeq, %select_n3A_764, %max3A_765 : vector<16xf32>
            %and3A_767 = arith.andi %and3A_762, %eq3A_766 : vector<16xi1>
            %gt3A_768 = arith.cmpf ogt, %select_n3A_764, %max3A_728 : vector<16xf32>
            %jit3A_769 = arith.constant 0.000000e+00 : f32
            %broadcast_in_dim3A_770 = vector.broadcast %jit3A_769 : f32 to vector<16xf32>
            %select_n3A_771 = arith.select %gt3A_768, %broadcast_in_dim3A_770, %add3A_740 : vector<16xi1>, vector<16xf32>
            %jit3A_772 = arith.constant 1.000000e+00 : f32
            %jit3A_773 = arith.constant 0.000000e+00 : f32
            %broadcast_in_dim3A_774 = vector.broadcast %jit3A_772 : f32 to vector<16xf32>
            %broadcast_in_dim3A_775 = vector.broadcast %jit3A_773 : f32 to vector<16xf32>
            %select_n3A_776 = arith.select %and3A_767, %broadcast_in_dim3A_774, %broadcast_in_dim3A_775 : vector<16xi1>, vector<16xf32>
            %add3A_777 = arith.addf %select_n3A_771, %select_n3A_776 : vector<16xf32>
            %mul3A_778 = arith.constant 16 : i32
            %mul3A_779 = arith.muli %scan3A_590, %mul3A_778 : i32
            %add3A_780 = arith.constant 5 : i32
            %add3A_781 = arith.addi %mul3A_779, %add3A_780 : i32
            %mul3A_782 = arith.constant 16 : i32
            %mul3A_783 = arith.muli %add3A_781, %mul3A_782 : i32
            %get3A_784 = arith.index_cast %mul3A_783 : i32 to index
            %get3A_785 = tpu.vector_load %arg4[%get3A_784] {strides = array<i32>} : memref<8192xf32, #tpu.memory_space<vmem>>, vector<16xf32>,
            %get3A_786 = vector.shape_cast %get3A_785 : vector<16xf32> to vector<16xf32>
            %mul3A_787 = arith.constant 16 : i32
            %mul3A_788 = arith.muli %scan3A_590, %mul3A_787 : i32
            %add3A_789 = arith.constant 5 : i32
            %add3A_790 = arith.addi %mul3A_788, %add3A_789 : i32
            %mul3A_791 = arith.constant 16 : i32
            %mul3A_792 = arith.muli %add3A_790, %mul3A_791 : i32
            %get3A_793 = arith.index_cast %mul3A_792 : i32 to index
            %get3A_794 = tpu.vector_load %arg5[%get3A_793] {strides = array<i32>} : memref<8192xi32, #tpu.memory_space<vmem>>, vector<16xi32>,
            %get3A_795 = vector.shape_cast %get3A_794 : vector<16xi32> to vector<16xi32>
            %eq3A_796 = arith.cmpi eq, %get3A_795, %add3A_392 : vector<16xi32>
            %lt3A_797 = vector.broadcast %scan3A_438 : f32 to vector<16xf32>
            %lt3A_798 = arith.cmpf olt, %get3A_786, %lt3A_797 : vector<16xf32>
            %and3A_799 = arith.andi %eq3A_796, %lt3A_798 : vector<16xi1>
            %broadcast_in_dim3A_800 = vector.broadcast %scan3A_19 : f32 to vector<16xf32>
            %select_n3A_801 = arith.select %and3A_799, %get3A_786, %broadcast_in_dim3A_800 : vector<16xi1>, vector<16xf32>
            %max3A_802 = arith.maximumf %max3A_765, %select_n3A_801 : vector<16xf32>
            %eq3A_803 = arith.cmpf oeq, %select_n3A_801, %max3A_802 : vector<16xf32>
            %and3A_804 = arith.andi %and3A_799, %eq3A_803 : vector<16xi1>
            %gt3A_805 = arith.cmpf ogt, %select_n3A_801, %max3A_765 : vector<16xf32>
            %jit3A_806 = arith.constant 0.000000e+00 : f32
            %broadcast_in_dim3A_807 = vector.broadcast %jit3A_806 : f32 to vector<16xf32>
            %select_n3A_808 = arith.select %gt3A_805, %broadcast_in_dim3A_807, %add3A_777 : vector<16xi1>, vector<16xf32>
            %jit3A_809 = arith.constant 1.000000e+00 : f32
            %jit3A_810 = arith.constant 0.000000e+00 : f32
            %broadcast_in_dim3A_811 = vector.broadcast %jit3A_809 : f32 to vector<16xf32>
            %broadcast_in_dim3A_812 = vector.broadcast %jit3A_810 : f32 to vector<16xf32>
            %select_n3A_813 = arith.select %and3A_804, %broadcast_in_dim3A_811, %broadcast_in_dim3A_812 : vector<16xi1>, vector<16xf32>
            %add3A_814 = arith.addf %select_n3A_808, %select_n3A_813 : vector<16xf32>
            %mul3A_815 = arith.constant 16 : i32
            %mul3A_816 = arith.muli %scan3A_590, %mul3A_815 : i32
            %add3A_817 = arith.constant 6 : i32
            %add3A_818 = arith.addi %mul3A_816, %add3A_817 : i32
            %mul3A_819 = arith.constant 16 : i32
            %mul3A_820 = arith.muli %add3A_818, %mul3A_819 : i32
            %get3A_821 = arith.index_cast %mul3A_820 : i32 to index
            %get3A_822 = tpu.vector_load %arg4[%get3A_821] {strides = array<i32>} : memref<8192xf32, #tpu.memory_space<vmem>>, vector<16xf32>,
            %get3A_823 = vector.shape_cast %get3A_822 : vector<16xf32> to vector<16xf32>
            %mul3A_824 = arith.constant 16 : i32
            %mul3A_825 = arith.muli %scan3A_590, %mul3A_824 : i32
            %add3A_826 = arith.constant 6 : i32
            %add3A_827 = arith.addi %mul3A_825, %add3A_826 : i32
            %mul3A_828 = arith.constant 16 : i32
            %mul3A_829 = arith.muli %add3A_827, %mul3A_828 : i32
            %get3A_830 = arith.index_cast %mul3A_829 : i32 to index
            %get3A_831 = tpu.vector_load %arg5[%get3A_830] {strides = array<i32>} : memref<8192xi32, #tpu.memory_space<vmem>>, vector<16xi32>,
            %get3A_832 = vector.shape_cast %get3A_831 : vector<16xi32> to vector<16xi32>
            %eq3A_833 = arith.cmpi eq, %get3A_832, %add3A_392 : vector<16xi32>
            %lt3A_834 = vector.broadcast %scan3A_438 : f32 to vector<16xf32>
            %lt3A_835 = arith.cmpf olt, %get3A_823, %lt3A_834 : vector<16xf32>
            %and3A_836 = arith.andi %eq3A_833, %lt3A_835 : vector<16xi1>
            %broadcast_in_dim3A_837 = vector.broadcast %scan3A_19 : f32 to vector<16xf32>
            %select_n3A_838 = arith.select %and3A_836, %get3A_823, %broadcast_in_dim3A_837 : vector<16xi1>, vector<16xf32>
            %max3A_839 = arith.maximumf %max3A_802, %select_n3A_838 : vector<16xf32>
            %eq3A_840 = arith.cmpf oeq, %select_n3A_838, %max3A_839 : vector<16xf32>
            %and3A_841 = arith.andi %and3A_836, %eq3A_840 : vector<16xi1>
            %gt3A_842 = arith.cmpf ogt, %select_n3A_838, %max3A_802 : vector<16xf32>
            %jit3A_843 = arith.constant 0.000000e+00 : f32
            %broadcast_in_dim3A_844 = vector.broadcast %jit3A_843 : f32 to vector<16xf32>
            %select_n3A_845 = arith.select %gt3A_842, %broadcast_in_dim3A_844, %add3A_814 : vector<16xi1>, vector<16xf32>
            %jit3A_846 = arith.constant 1.000000e+00 : f32
            %jit3A_847 = arith.constant 0.000000e+00 : f32
            %broadcast_in_dim3A_848 = vector.broadcast %jit3A_846 : f32 to vector<16xf32>
            %broadcast_in_dim3A_849 = vector.broadcast %jit3A_847 : f32 to vector<16xf32>
            %select_n3A_850 = arith.select %and3A_841, %broadcast_in_dim3A_848, %broadcast_in_dim3A_849 : vector<16xi1>, vector<16xf32>
            %add3A_851 = arith.addf %select_n3A_845, %select_n3A_850 : vector<16xf32>
            %mul3A_852 = arith.constant 16 : i32
            %mul3A_853 = arith.muli %scan3A_590, %mul3A_852 : i32
            %add3A_854 = arith.constant 7 : i32
            %add3A_855 = arith.addi %mul3A_853, %add3A_854 : i32
            %mul3A_856 = arith.constant 16 : i32
            %mul3A_857 = arith.muli %add3A_855, %mul3A_856 : i32
            %get3A_858 = arith.index_cast %mul3A_857 : i32 to index
            %get3A_859 = tpu.vector_load %arg4[%get3A_858] {strides = array<i32>} : memref<8192xf32, #tpu.memory_space<vmem>>, vector<16xf32>,
            %get3A_860 = vector.shape_cast %get3A_859 : vector<16xf32> to vector<16xf32>
            %mul3A_861 = arith.constant 16 : i32
            %mul3A_862 = arith.muli %scan3A_590, %mul3A_861 : i32
            %add3A_863 = arith.constant 7 : i32
            %add3A_864 = arith.addi %mul3A_862, %add3A_863 : i32
            %mul3A_865 = arith.constant 16 : i32
            %mul3A_866 = arith.muli %add3A_864, %mul3A_865 : i32
            %get3A_867 = arith.index_cast %mul3A_866 : i32 to index
            %get3A_868 = tpu.vector_load %arg5[%get3A_867] {strides = array<i32>} : memref<8192xi32, #tpu.memory_space<vmem>>, vector<16xi32>,
            %get3A_869 = vector.shape_cast %get3A_868 : vector<16xi32> to vector<16xi32>
            %eq3A_870 = arith.cmpi eq, %get3A_869, %add3A_392 : vector<16xi32>
            %lt3A_871 = vector.broadcast %scan3A_438 : f32 to vector<16xf32>
            %lt3A_872 = arith.cmpf olt, %get3A_860, %lt3A_871 : vector<16xf32>
            %and3A_873 = arith.andi %eq3A_870, %lt3A_872 : vector<16xi1>
            %broadcast_in_dim3A_874 = vector.broadcast %scan3A_19 : f32 to vector<16xf32>
            %select_n3A_875 = arith.select %and3A_873, %get3A_860, %broadcast_in_dim3A_874 : vector<16xi1>, vector<16xf32>
            %max3A_876 = arith.maximumf %max3A_839, %select_n3A_875 : vector<16xf32>
            %eq3A_877 = arith.cmpf oeq, %select_n3A_875, %max3A_876 : vector<16xf32>
            %and3A_878 = arith.andi %and3A_873, %eq3A_877 : vector<16xi1>
            %gt3A_879 = arith.cmpf ogt, %select_n3A_875, %max3A_839 : vector<16xf32>
            %jit3A_880 = arith.constant 0.000000e+00 : f32
            %broadcast_in_dim3A_881 = vector.broadcast %jit3A_880 : f32 to vector<16xf32>
            %select_n3A_882 = arith.select %gt3A_879, %broadcast_in_dim3A_881, %add3A_851 : vector<16xi1>, vector<16xf32>
            %jit3A_883 = arith.constant 1.000000e+00 : f32
            %jit3A_884 = arith.constant 0.000000e+00 : f32
            %broadcast_in_dim3A_885 = vector.broadcast %jit3A_883 : f32 to vector<16xf32>
            %broadcast_in_dim3A_886 = vector.broadcast %jit3A_884 : f32 to vector<16xf32>
            %select_n3A_887 = arith.select %and3A_878, %broadcast_in_dim3A_885, %broadcast_in_dim3A_886 : vector<16xi1>, vector<16xf32>
            %add3A_888 = arith.addf %select_n3A_882, %select_n3A_887 : vector<16xf32>
            %mul3A_889 = arith.constant 16 : i32
            %mul3A_890 = arith.muli %scan3A_590, %mul3A_889 : i32
            %add3A_891 = arith.constant 8 : i32
            %add3A_892 = arith.addi %mul3A_890, %add3A_891 : i32
            %mul3A_893 = arith.constant 16 : i32
            %mul3A_894 = arith.muli %add3A_892, %mul3A_893 : i32
            %get3A_895 = arith.index_cast %mul3A_894 : i32 to index
            %get3A_896 = tpu.vector_load %arg4[%get3A_895] {strides = array<i32>} : memref<8192xf32, #tpu.memory_space<vmem>>, vector<16xf32>,
            %get3A_897 = vector.shape_cast %get3A_896 : vector<16xf32> to vector<16xf32>
            %mul3A_898 = arith.constant 16 : i32
            %mul3A_899 = arith.muli %scan3A_590, %mul3A_898 : i32
            %add3A_900 = arith.constant 8 : i32
            %add3A_901 = arith.addi %mul3A_899, %add3A_900 : i32
            %mul3A_902 = arith.constant 16 : i32
            %mul3A_903 = arith.muli %add3A_901, %mul3A_902 : i32
            %get3A_904 = arith.index_cast %mul3A_903 : i32 to index
            %get3A_905 = tpu.vector_load %arg5[%get3A_904] {strides = array<i32>} : memref<8192xi32, #tpu.memory_space<vmem>>, vector<16xi32>,
            %get3A_906 = vector.shape_cast %get3A_905 : vector<16xi32> to vector<16xi32>
            %eq3A_907 = arith.cmpi eq, %get3A_906, %add3A_392 : vector<16xi32>
            %lt3A_908 = vector.broadcast %scan3A_438 : f32 to vector<16xf32>
            %lt3A_909 = arith.cmpf olt, %get3A_897, %lt3A_908 : vector<16xf32>
            %and3A_910 = arith.andi %eq3A_907, %lt3A_909 : vector<16xi1>
            %broadcast_in_dim3A_911 = vector.broadcast %scan3A_19 : f32 to vector<16xf32>
            %select_n3A_912 = arith.select %and3A_910, %get3A_897, %broadcast_in_dim3A_911 : vector<16xi1>, vector<16xf32>
            %max3A_913 = arith.maximumf %max3A_876, %select_n3A_912 : vector<16xf32>
            %eq3A_914 = arith.cmpf oeq, %select_n3A_912, %max3A_913 : vector<16xf32>
            %and3A_915 = arith.andi %and3A_910, %eq3A_914 : vector<16xi1>
            %gt3A_916 = arith.cmpf ogt, %select_n3A_912, %max3A_876 : vector<16xf32>
            %jit3A_917 = arith.constant 0.000000e+00 : f32
            %broadcast_in_dim3A_918 = vector.broadcast %jit3A_917 : f32 to vector<16xf32>
            %select_n3A_919 = arith.select %gt3A_916, %broadcast_in_dim3A_918, %add3A_888 : vector<16xi1>, vector<16xf32>
            %jit3A_920 = arith.constant 1.000000e+00 : f32
            %jit3A_921 = arith.constant 0.000000e+00 : f32
            %broadcast_in_dim3A_922 = vector.broadcast %jit3A_920 : f32 to vector<16xf32>
            %broadcast_in_dim3A_923 = vector.broadcast %jit3A_921 : f32 to vector<16xf32>
            %select_n3A_924 = arith.select %and3A_915, %broadcast_in_dim3A_922, %broadcast_in_dim3A_923 : vector<16xi1>, vector<16xf32>
            %add3A_925 = arith.addf %select_n3A_919, %select_n3A_924 : vector<16xf32>
            %mul3A_926 = arith.constant 16 : i32
            %mul3A_927 = arith.muli %scan3A_590, %mul3A_926 : i32
            %add3A_928 = arith.constant 9 : i32
            %add3A_929 = arith.addi %mul3A_927, %add3A_928 : i32
            %mul3A_930 = arith.constant 16 : i32
            %mul3A_931 = arith.muli %add3A_929, %mul3A_930 : i32
            %get3A_932 = arith.index_cast %mul3A_931 : i32 to index
            %get3A_933 = tpu.vector_load %arg4[%get3A_932] {strides = array<i32>} : memref<8192xf32, #tpu.memory_space<vmem>>, vector<16xf32>,
            %get3A_934 = vector.shape_cast %get3A_933 : vector<16xf32> to vector<16xf32>
            %mul3A_935 = arith.constant 16 : i32
            %mul3A_936 = arith.muli %scan3A_590, %mul3A_935 : i32
            %add3A_937 = arith.constant 9 : i32
            %add3A_938 = arith.addi %mul3A_936, %add3A_937 : i32
            %mul3A_939 = arith.constant 16 : i32
            %mul3A_940 = arith.muli %add3A_938, %mul3A_939 : i32
            %get3A_941 = arith.index_cast %mul3A_940 : i32 to index
            %get3A_942 = tpu.vector_load %arg5[%get3A_941] {strides = array<i32>} : memref<8192xi32, #tpu.memory_space<vmem>>, vector<16xi32>,
            %get3A_943 = vector.shape_cast %get3A_942 : vector<16xi32> to vector<16xi32>
            %eq3A_944 = arith.cmpi eq, %get3A_943, %add3A_392 : vector<16xi32>
            %lt3A_945 = vector.broadcast %scan3A_438 : f32 to vector<16xf32>
            %lt3A_946 = arith.cmpf olt, %get3A_934, %lt3A_945 : vector<16xf32>
            %and3A_947 = arith.andi %eq3A_944, %lt3A_946 : vector<16xi1>
            %broadcast_in_dim3A_948 = vector.broadcast %scan3A_19 : f32 to vector<16xf32>
            %select_n3A_949 = arith.select %and3A_947, %get3A_934, %broadcast_in_dim3A_948 : vector<16xi1>, vector<16xf32>
            %max3A_950 = arith.maximumf %max3A_913, %select_n3A_949 : vector<16xf32>
            %eq3A_951 = arith.cmpf oeq, %select_n3A_949, %max3A_950 : vector<16xf32>
            %and3A_952 = arith.andi %and3A_947, %eq3A_951 : vector<16xi1>
            %gt3A_953 = arith.cmpf ogt, %select_n3A_949, %max3A_913 : vector<16xf32>
            %jit3A_954 = arith.constant 0.000000e+00 : f32
            %broadcast_in_dim3A_955 = vector.broadcast %jit3A_954 : f32 to vector<16xf32>
            %select_n3A_956 = arith.select %gt3A_953, %broadcast_in_dim3A_955, %add3A_925 : vector<16xi1>, vector<16xf32>
            %jit3A_957 = arith.constant 1.000000e+00 : f32
            %jit3A_958 = arith.constant 0.000000e+00 : f32
            %broadcast_in_dim3A_959 = vector.broadcast %jit3A_957 : f32 to vector<16xf32>
            %broadcast_in_dim3A_960 = vector.broadcast %jit3A_958 : f32 to vector<16xf32>
            %select_n3A_961 = arith.select %and3A_952, %broadcast_in_dim3A_959, %broadcast_in_dim3A_960 : vector<16xi1>, vector<16xf32>
            %add3A_962 = arith.addf %select_n3A_956, %select_n3A_961 : vector<16xf32>
            %mul3A_963 = arith.constant 16 : i32
            %mul3A_964 = arith.muli %scan3A_590, %mul3A_963 : i32
            %add3A_965 = arith.constant 10 : i32
            %add3A_966 = arith.addi %mul3A_964, %add3A_965 : i32
            %mul3A_967 = arith.constant 16 : i32
            %mul3A_968 = arith.muli %add3A_966, %mul3A_967 : i32
            %get3A_969 = arith.index_cast %mul3A_968 : i32 to index
            %get3A_970 = tpu.vector_load %arg4[%get3A_969] {strides = array<i32>} : memref<8192xf32, #tpu.memory_space<vmem>>, vector<16xf32>,
            %get3A_971 = vector.shape_cast %get3A_970 : vector<16xf32> to vector<16xf32>
            %mul3A_972 = arith.constant 16 : i32
            %mul3A_973 = arith.muli %scan3A_590, %mul3A_972 : i32
            %add3A_974 = arith.constant 10 : i32
            %add3A_975 = arith.addi %mul3A_973, %add3A_974 : i32
            %mul3A_976 = arith.constant 16 : i32
            %mul3A_977 = arith.muli %add3A_975, %mul3A_976 : i32
            %get3A_978 = arith.index_cast %mul3A_977 : i32 to index
            %get3A_979 = tpu.vector_load %arg5[%get3A_978] {strides = array<i32>} : memref<8192xi32, #tpu.memory_space<vmem>>, vector<16xi32>,
            %get3A_980 = vector.shape_cast %get3A_979 : vector<16xi32> to vector<16xi32>
            %eq3A_981 = arith.cmpi eq, %get3A_980, %add3A_392 : vector<16xi32>
            %lt3A_982 = vector.broadcast %scan3A_438 : f32 to vector<16xf32>
            %lt3A_983 = arith.cmpf olt, %get3A_971, %lt3A_982 : vector<16xf32>
            %and3A_984 = arith.andi %eq3A_981, %lt3A_983 : vector<16xi1>
            %broadcast_in_dim3A_985 = vector.broadcast %scan3A_19 : f32 to vector<16xf32>
            %select_n3A_986 = arith.select %and3A_984, %get3A_971, %broadcast_in_dim3A_985 : vector<16xi1>, vector<16xf32>
            %max3A_987 = arith.maximumf %max3A_950, %select_n3A_986 : vector<16xf32>
            %eq3A_988 = arith.cmpf oeq, %select_n3A_986, %max3A_987 : vector<16xf32>
            %and3A_989 = arith.andi %and3A_984, %eq3A_988 : vector<16xi1>
            %gt3A_990 = arith.cmpf ogt, %select_n3A_986, %max3A_950 : vector<16xf32>
            %jit3A_991 = arith.constant 0.000000e+00 : f32
            %broadcast_in_dim3A_992 = vector.broadcast %jit3A_991 : f32 to vector<16xf32>
            %select_n3A_993 = arith.select %gt3A_990, %broadcast_in_dim3A_992, %add3A_962 : vector<16xi1>, vector<16xf32>
            %jit3A_994 = arith.constant 1.000000e+00 : f32
            %jit3A_995 = arith.constant 0.000000e+00 : f32
            %broadcast_in_dim3A_996 = vector.broadcast %jit3A_994 : f32 to vector<16xf32>
            %broadcast_in_dim3A_997 = vector.broadcast %jit3A_995 : f32 to vector<16xf32>
            %select_n3A_998 = arith.select %and3A_989, %broadcast_in_dim3A_996, %broadcast_in_dim3A_997 : vector<16xi1>, vector<16xf32>
            %add3A_999 = arith.addf %select_n3A_993, %select_n3A_998 : vector<16xf32>
            %mul3A_1000 = arith.constant 16 : i32
            %mul3A_1001 = arith.muli %scan3A_590, %mul3A_1000 : i32
            %add3A_1002 = arith.constant 11 : i32
            %add3A_1003 = arith.addi %mul3A_1001, %add3A_1002 : i32
            %mul3A_1004 = arith.constant 16 : i32
            %mul3A_1005 = arith.muli %add3A_1003, %mul3A_1004 : i32
            %get3A_1006 = arith.index_cast %mul3A_1005 : i32 to index
            %get3A_1007 = tpu.vector_load %arg4[%get3A_1006] {strides = array<i32>} : memref<8192xf32, #tpu.memory_space<vmem>>, vector<16xf32>,
            %get3A_1008 = vector.shape_cast %get3A_1007 : vector<16xf32> to vector<16xf32>
            %mul3A_1009 = arith.constant 16 : i32
            %mul3A_1010 = arith.muli %scan3A_590, %mul3A_1009 : i32
            %add3A_1011 = arith.constant 11 : i32
            %add3A_1012 = arith.addi %mul3A_1010, %add3A_1011 : i32
            %mul3A_1013 = arith.constant 16 : i32
            %mul3A_1014 = arith.muli %add3A_1012, %mul3A_1013 : i32
            %get3A_1015 = arith.index_cast %mul3A_1014 : i32 to index
            %get3A_1016 = tpu.vector_load %arg5[%get3A_1015] {strides = array<i32>} : memref<8192xi32, #tpu.memory_space<vmem>>, vector<16xi32>,
            %get3A_1017 = vector.shape_cast %get3A_1016 : vector<16xi32> to vector<16xi32>
            %eq3A_1018 = arith.cmpi eq, %get3A_1017, %add3A_392 : vector<16xi32>
            %lt3A_1019 = vector.broadcast %scan3A_438 : f32 to vector<16xf32>
            %lt3A_1020 = arith.cmpf olt, %get3A_1008, %lt3A_1019 : vector<16xf32>
            %and3A_1021 = arith.andi %eq3A_1018, %lt3A_1020 : vector<16xi1>
            %broadcast_in_dim3A_1022 = vector.broadcast %scan3A_19 : f32 to vector<16xf32>
            %select_n3A_1023 = arith.select %and3A_1021, %get3A_1008, %broadcast_in_dim3A_1022 : vector<16xi1>, vector<16xf32>
            %max3A_1024 = arith.maximumf %max3A_987, %select_n3A_1023 : vector<16xf32>
            %eq3A_1025 = arith.cmpf oeq, %select_n3A_1023, %max3A_1024 : vector<16xf32>
            %and3A_1026 = arith.andi %and3A_1021, %eq3A_1025 : vector<16xi1>
            %gt3A_1027 = arith.cmpf ogt, %select_n3A_1023, %max3A_987 : vector<16xf32>
            %jit3A_1028 = arith.constant 0.000000e+00 : f32
            %broadcast_in_dim3A_1029 = vector.broadcast %jit3A_1028 : f32 to vector<16xf32>
            %select_n3A_1030 = arith.select %gt3A_1027, %broadcast_in_dim3A_1029, %add3A_999 : vector<16xi1>, vector<16xf32>
            %jit3A_1031 = arith.constant 1.000000e+00 : f32
            %jit3A_1032 = arith.constant 0.000000e+00 : f32
            %broadcast_in_dim3A_1033 = vector.broadcast %jit3A_1031 : f32 to vector<16xf32>
            %broadcast_in_dim3A_1034 = vector.broadcast %jit3A_1032 : f32 to vector<16xf32>
            %select_n3A_1035 = arith.select %and3A_1026, %broadcast_in_dim3A_1033, %broadcast_in_dim3A_1034 : vector<16xi1>, vector<16xf32>
            %add3A_1036 = arith.addf %select_n3A_1030, %select_n3A_1035 : vector<16xf32>
            %mul3A_1037 = arith.constant 16 : i32
            %mul3A_1038 = arith.muli %scan3A_590, %mul3A_1037 : i32
            %add3A_1039 = arith.constant 12 : i32
            %add3A_1040 = arith.addi %mul3A_1038, %add3A_1039 : i32
            %mul3A_1041 = arith.constant 16 : i32
            %mul3A_1042 = arith.muli %add3A_1040, %mul3A_1041 : i32
            %get3A_1043 = arith.index_cast %mul3A_1042 : i32 to index
            %get3A_1044 = tpu.vector_load %arg4[%get3A_1043] {strides = array<i32>} : memref<8192xf32, #tpu.memory_space<vmem>>, vector<16xf32>,
            %get3A_1045 = vector.shape_cast %get3A_1044 : vector<16xf32> to vector<16xf32>
            %mul3A_1046 = arith.constant 16 : i32
            %mul3A_1047 = arith.muli %scan3A_590, %mul3A_1046 : i32
            %add3A_1048 = arith.constant 12 : i32
            %add3A_1049 = arith.addi %mul3A_1047, %add3A_1048 : i32
            %mul3A_1050 = arith.constant 16 : i32
            %mul3A_1051 = arith.muli %add3A_1049, %mul3A_1050 : i32
            %get3A_1052 = arith.index_cast %mul3A_1051 : i32 to index
            %get3A_1053 = tpu.vector_load %arg5[%get3A_1052] {strides = array<i32>} : memref<8192xi32, #tpu.memory_space<vmem>>, vector<16xi32>,
            %get3A_1054 = vector.shape_cast %get3A_1053 : vector<16xi32> to vector<16xi32>
            %eq3A_1055 = arith.cmpi eq, %get3A_1054, %add3A_392 : vector<16xi32>
            %lt3A_1056 = vector.broadcast %scan3A_438 : f32 to vector<16xf32>
            %lt3A_1057 = arith.cmpf olt, %get3A_1045, %lt3A_1056 : vector<16xf32>
            %and3A_1058 = arith.andi %eq3A_1055, %lt3A_1057 : vector<16xi1>
            %broadcast_in_dim3A_1059 = vector.broadcast %scan3A_19 : f32 to vector<16xf32>
            %select_n3A_1060 = arith.select %and3A_1058, %get3A_1045, %broadcast_in_dim3A_1059 : vector<16xi1>, vector<16xf32>
            %max3A_1061 = arith.maximumf %max3A_1024, %select_n3A_1060 : vector<16xf32>
            %eq3A_1062 = arith.cmpf oeq, %select_n3A_1060, %max3A_1061 : vector<16xf32>
            %and3A_1063 = arith.andi %and3A_1058, %eq3A_1062 : vector<16xi1>
            %gt3A_1064 = arith.cmpf ogt, %select_n3A_1060, %max3A_1024 : vector<16xf32>
            %jit3A_1065 = arith.constant 0.000000e+00 : f32
            %broadcast_in_dim3A_1066 = vector.broadcast %jit3A_1065 : f32 to vector<16xf32>
            %select_n3A_1067 = arith.select %gt3A_1064, %broadcast_in_dim3A_1066, %add3A_1036 : vector<16xi1>, vector<16xf32>
            %jit3A_1068 = arith.constant 1.000000e+00 : f32
            %jit3A_1069 = arith.constant 0.000000e+00 : f32
            %broadcast_in_dim3A_1070 = vector.broadcast %jit3A_1068 : f32 to vector<16xf32>
            %broadcast_in_dim3A_1071 = vector.broadcast %jit3A_1069 : f32 to vector<16xf32>
            %select_n3A_1072 = arith.select %and3A_1063, %broadcast_in_dim3A_1070, %broadcast_in_dim3A_1071 : vector<16xi1>, vector<16xf32>
            %add3A_1073 = arith.addf %select_n3A_1067, %select_n3A_1072 : vector<16xf32>
            %mul3A_1074 = arith.constant 16 : i32
            %mul3A_1075 = arith.muli %scan3A_590, %mul3A_1074 : i32
            %add3A_1076 = arith.constant 13 : i32
            %add3A_1077 = arith.addi %mul3A_1075, %add3A_1076 : i32
            %mul3A_1078 = arith.constant 16 : i32
            %mul3A_1079 = arith.muli %add3A_1077, %mul3A_1078 : i32
            %get3A_1080 = arith.index_cast %mul3A_1079 : i32 to index
            %get3A_1081 = tpu.vector_load %arg4[%get3A_1080] {strides = array<i32>} : memref<8192xf32, #tpu.memory_space<vmem>>, vector<16xf32>,
            %get3A_1082 = vector.shape_cast %get3A_1081 : vector<16xf32> to vector<16xf32>
            %mul3A_1083 = arith.constant 16 : i32
            %mul3A_1084 = arith.muli %scan3A_590, %mul3A_1083 : i32
            %add3A_1085 = arith.constant 13 : i32
            %add3A_1086 = arith.addi %mul3A_1084, %add3A_1085 : i32
            %mul3A_1087 = arith.constant 16 : i32
            %mul3A_1088 = arith.muli %add3A_1086, %mul3A_1087 : i32
            %get3A_1089 = arith.index_cast %mul3A_1088 : i32 to index
            %get3A_1090 = tpu.vector_load %arg5[%get3A_1089] {strides = array<i32>} : memref<8192xi32, #tpu.memory_space<vmem>>, vector<16xi32>,
            %get3A_1091 = vector.shape_cast %get3A_1090 : vector<16xi32> to vector<16xi32>
            %eq3A_1092 = arith.cmpi eq, %get3A_1091, %add3A_392 : vector<16xi32>
            %lt3A_1093 = vector.broadcast %scan3A_438 : f32 to vector<16xf32>
            %lt3A_1094 = arith.cmpf olt, %get3A_1082, %lt3A_1093 : vector<16xf32>
            %and3A_1095 = arith.andi %eq3A_1092, %lt3A_1094 : vector<16xi1>
            %broadcast_in_dim3A_1096 = vector.broadcast %scan3A_19 : f32 to vector<16xf32>
            %select_n3A_1097 = arith.select %and3A_1095, %get3A_1082, %broadcast_in_dim3A_1096 : vector<16xi1>, vector<16xf32>
            %max3A_1098 = arith.maximumf %max3A_1061, %select_n3A_1097 : vector<16xf32>
            %eq3A_1099 = arith.cmpf oeq, %select_n3A_1097, %max3A_1098 : vector<16xf32>
            %and3A_1100 = arith.andi %and3A_1095, %eq3A_1099 : vector<16xi1>
            %gt3A_1101 = arith.cmpf ogt, %select_n3A_1097, %max3A_1061 : vector<16xf32>
            %jit3A_1102 = arith.constant 0.000000e+00 : f32
            %broadcast_in_dim3A_1103 = vector.broadcast %jit3A_1102 : f32 to vector<16xf32>
            %select_n3A_1104 = arith.select %gt3A_1101, %broadcast_in_dim3A_1103, %add3A_1073 : vector<16xi1>, vector<16xf32>
            %jit3A_1105 = arith.constant 1.000000e+00 : f32
            %jit3A_1106 = arith.constant 0.000000e+00 : f32
            %broadcast_in_dim3A_1107 = vector.broadcast %jit3A_1105 : f32 to vector<16xf32>
            %broadcast_in_dim3A_1108 = vector.broadcast %jit3A_1106 : f32 to vector<16xf32>
            %select_n3A_1109 = arith.select %and3A_1100, %broadcast_in_dim3A_1107, %broadcast_in_dim3A_1108 : vector<16xi1>, vector<16xf32>
            %add3A_1110 = arith.addf %select_n3A_1104, %select_n3A_1109 : vector<16xf32>
            %mul3A_1111 = arith.constant 16 : i32
            %mul3A_1112 = arith.muli %scan3A_590, %mul3A_1111 : i32
            %add3A_1113 = arith.constant 14 : i32
            %add3A_1114 = arith.addi %mul3A_1112, %add3A_1113 : i32
            %mul3A_1115 = arith.constant 16 : i32
            %mul3A_1116 = arith.muli %add3A_1114, %mul3A_1115 : i32
            %get3A_1117 = arith.index_cast %mul3A_1116 : i32 to index
            %get3A_1118 = tpu.vector_load %arg4[%get3A_1117] {strides = array<i32>} : memref<8192xf32, #tpu.memory_space<vmem>>, vector<16xf32>,
            %get3A_1119 = vector.shape_cast %get3A_1118 : vector<16xf32> to vector<16xf32>
            %mul3A_1120 = arith.constant 16 : i32
            %mul3A_1121 = arith.muli %scan3A_590, %mul3A_1120 : i32
            %add3A_1122 = arith.constant 14 : i32
            %add3A_1123 = arith.addi %mul3A_1121, %add3A_1122 : i32
            %mul3A_1124 = arith.constant 16 : i32
            %mul3A_1125 = arith.muli %add3A_1123, %mul3A_1124 : i32
            %get3A_1126 = arith.index_cast %mul3A_1125 : i32 to index
            %get3A_1127 = tpu.vector_load %arg5[%get3A_1126] {strides = array<i32>} : memref<8192xi32, #tpu.memory_space<vmem>>, vector<16xi32>,
            %get3A_1128 = vector.shape_cast %get3A_1127 : vector<16xi32> to vector<16xi32>
            %eq3A_1129 = arith.cmpi eq, %get3A_1128, %add3A_392 : vector<16xi32>
            %lt3A_1130 = vector.broadcast %scan3A_438 : f32 to vector<16xf32>
            %lt3A_1131 = arith.cmpf olt, %get3A_1119, %lt3A_1130 : vector<16xf32>
            %and3A_1132 = arith.andi %eq3A_1129, %lt3A_1131 : vector<16xi1>
            %broadcast_in_dim3A_1133 = vector.broadcast %scan3A_19 : f32 to vector<16xf32>
            %select_n3A_1134 = arith.select %and3A_1132, %get3A_1119, %broadcast_in_dim3A_1133 : vector<16xi1>, vector<16xf32>
            %max3A_1135 = arith.maximumf %max3A_1098, %select_n3A_1134 : vector<16xf32>
            %eq3A_1136 = arith.cmpf oeq, %select_n3A_1134, %max3A_1135 : vector<16xf32>
            %and3A_1137 = arith.andi %and3A_1132, %eq3A_1136 : vector<16xi1>
            %gt3A_1138 = arith.cmpf ogt, %select_n3A_1134, %max3A_1098 : vector<16xf32>
            %jit3A_1139 = arith.constant 0.000000e+00 : f32
            %broadcast_in_dim3A_1140 = vector.broadcast %jit3A_1139 : f32 to vector<16xf32>
            %select_n3A_1141 = arith.select %gt3A_1138, %broadcast_in_dim3A_1140, %add3A_1110 : vector<16xi1>, vector<16xf32>
            %jit3A_1142 = arith.constant 1.000000e+00 : f32
            %jit3A_1143 = arith.constant 0.000000e+00 : f32
            %broadcast_in_dim3A_1144 = vector.broadcast %jit3A_1142 : f32 to vector<16xf32>
            %broadcast_in_dim3A_1145 = vector.broadcast %jit3A_1143 : f32 to vector<16xf32>
            %select_n3A_1146 = arith.select %and3A_1137, %broadcast_in_dim3A_1144, %broadcast_in_dim3A_1145 : vector<16xi1>, vector<16xf32>
            %add3A_1147 = arith.addf %select_n3A_1141, %select_n3A_1146 : vector<16xf32>
            %mul3A_1148 = arith.constant 16 : i32
            %mul3A_1149 = arith.muli %scan3A_590, %mul3A_1148 : i32
            %add3A_1150 = arith.constant 15 : i32
            %add3A_1151 = arith.addi %mul3A_1149, %add3A_1150 : i32
            %mul3A_1152 = arith.constant 16 : i32
            %mul3A_1153 = arith.muli %add3A_1151, %mul3A_1152 : i32
            %get3A_1154 = arith.index_cast %mul3A_1153 : i32 to index
            %get3A_1155 = tpu.vector_load %arg4[%get3A_1154] {strides = array<i32>} : memref<8192xf32, #tpu.memory_space<vmem>>, vector<16xf32>,
            %get3A_1156 = vector.shape_cast %get3A_1155 : vector<16xf32> to vector<16xf32>
            %mul3A_1157 = arith.constant 16 : i32
            %mul3A_1158 = arith.muli %scan3A_590, %mul3A_1157 : i32
            %add3A_1159 = arith.constant 15 : i32
            %add3A_1160 = arith.addi %mul3A_1158, %add3A_1159 : i32
            %mul3A_1161 = arith.constant 16 : i32
            %mul3A_1162 = arith.muli %add3A_1160, %mul3A_1161 : i32
            %get3A_1163 = arith.index_cast %mul3A_1162 : i32 to index
            %get3A_1164 = tpu.vector_load %arg5[%get3A_1163] {strides = array<i32>} : memref<8192xi32, #tpu.memory_space<vmem>>, vector<16xi32>,
            %get3A_1165 = vector.shape_cast %get3A_1164 : vector<16xi32> to vector<16xi32>
            %eq3A_1166 = arith.cmpi eq, %get3A_1165, %add3A_392 : vector<16xi32>
            %lt3A_1167 = vector.broadcast %scan3A_438 : f32 to vector<16xf32>
            %lt3A_1168 = arith.cmpf olt, %get3A_1156, %lt3A_1167 : vector<16xf32>
            %and3A_1169 = arith.andi %eq3A_1166, %lt3A_1168 : vector<16xi1>
            %broadcast_in_dim3A_1170 = vector.broadcast %scan3A_19 : f32 to vector<16xf32>
            %select_n3A_1171 = arith.select %and3A_1169, %get3A_1156, %broadcast_in_dim3A_1170 : vector<16xi1>, vector<16xf32>
            %max3A_1172 = arith.maximumf %max3A_1135, %select_n3A_1171 : vector<16xf32>
            %eq3A_1173 = arith.cmpf oeq, %select_n3A_1171, %max3A_1172 : vector<16xf32>
            %and3A_1174 = arith.andi %and3A_1169, %eq3A_1173 : vector<16xi1>
            %gt3A_1175 = arith.cmpf ogt, %select_n3A_1171, %max3A_1135 : vector<16xf32>
            %jit3A_1176 = arith.constant 0.000000e+00 : f32
            %broadcast_in_dim3A_1177 = vector.broadcast %jit3A_1176 : f32 to vector<16xf32>
            %select_n3A_1178 = arith.select %gt3A_1175, %broadcast_in_dim3A_1177, %add3A_1147 : vector<16xi1>, vector<16xf32>
            %jit3A_1179 = arith.constant 1.000000e+00 : f32
            %jit3A_1180 = arith.constant 0.000000e+00 : f32
            %broadcast_in_dim3A_1181 = vector.broadcast %jit3A_1179 : f32 to vector<16xf32>
            %broadcast_in_dim3A_1182 = vector.broadcast %jit3A_1180 : f32 to vector<16xf32>
            %select_n3A_1183 = arith.select %and3A_1174, %broadcast_in_dim3A_1181, %broadcast_in_dim3A_1182 : vector<16xi1>, vector<16xf32>
            %add3A_1184 = arith.addf %select_n3A_1178, %select_n3A_1183 : vector<16xf32>
            scf.yield %max3A_1172, %add3A_1184 : vector<16xf32>, vector<16xf32>
          }
          %scan3A_582 = arith.constant 32 : i32
          %swap3A = arith.constant 0 : index
          %swap3A_583 = tpu.vector_load %arg10[%swap3A] {strides = array<i32>} : memref<32xf32, #tpu.memory_space<vmem>>, vector<16xf32>,
          %swap3A_584 = vector.shape_cast %swap3A_583 : vector<16xf32> to vector<16xf32>
          %swap3A_585 = vector.shape_cast %scan3A_581#0 : vector<16xf32> to vector<16xf32>
          tpu.vector_store %arg10[%swap3A], %swap3A_585 {strides = array<i32>} : memref<32xf32, #tpu.memory_space<vmem>>, vector<16xf32>,
          %swap3A_586 = arith.constant 16 : index
          %swap3A_587 = tpu.vector_load %arg10[%swap3A_586] {strides = array<i32>} : memref<32xf32, #tpu.memory_space<vmem>>, vector<16xf32>,
          %swap3A_588 = vector.shape_cast %swap3A_587 : vector<16xf32> to vector<16xf32>
          %swap3A_589 = vector.shape_cast %scan3A_581#1 : vector<16xf32> to vector<16xf32>
          tpu.vector_store %arg10[%swap3A_586], %swap3A_589 {strides = array<i32>} : memref<32xf32, #tpu.memory_space<vmem>>, vector<16xf32>,
        } else {
        }
        %get3A_444 = arith.constant 0 : index
        %get3A_445 = tpu.vector_load %arg10[%get3A_444] {strides = array<i32>} : memref<32xf32, #tpu.memory_space<vmem>>, vector<16xf32>,
        %get3A_446 = vector.shape_cast %get3A_445 : vector<16xf32> to vector<16xf32>
        %get3A_447 = arith.constant 16 : index
        %get3A_448 = tpu.vector_load %arg10[%get3A_447] {strides = array<i32>} : memref<32xf32, #tpu.memory_space<vmem>>, vector<16xf32>,
        %get3A_449 = vector.shape_cast %get3A_448 : vector<16xf32> to vector<16xf32>
        %xor3A_450 = arith.constant 8 : i32
        %xor3A_451 = vector.broadcast %xor3A_450 : i32 to vector<16xi32>
        %xor3A_452 = arith.xori %iota3A, %xor3A_451 : vector<16xi32>
        %lt3A_453 = arith.constant 0 : i32
        %lt3A_454 = vector.broadcast %lt3A_453 : i32 to vector<16xi32>
        %lt3A_455 = arith.cmpi slt, %xor3A_452, %lt3A_454 : vector<16xi32>
        %add3A_456 = arith.constant 16 : i32
        %add3A_457 = vector.broadcast %add3A_456 : i32 to vector<16xi32>
        %add3A_458 = arith.addi %xor3A_452, %add3A_457 : vector<16xi32>
        %select_n3A_459 = arith.select %lt3A_455, %add3A_458, %xor3A_452 : vector<16xi1>, vector<16xi32>
        %broadcast_in_dim3A_460 = vector.shape_cast %select_n3A_459 : vector<16xi32> to vector<16x1xi32>
        %gather3A_461 = vector.shape_cast %broadcast_in_dim3A_460 : vector<16x1xi32> to vector<16xi32>
        %gather3A_462 = tpu.dynamic_gather %get3A_446[%gather3A_461] in [0] : vector<16xf32>, vector<16xi32> -> vector<16xf32>
        %max3A_463 = arith.maximumf %get3A_446, %gather3A_462 : vector<16xf32>
        %xor3A_464 = arith.constant 4 : i32
        %xor3A_465 = vector.broadcast %xor3A_464 : i32 to vector<16xi32>
        %xor3A_466 = arith.xori %iota3A, %xor3A_465 : vector<16xi32>
        %lt3A_467 = arith.constant 0 : i32
        %lt3A_468 = vector.broadcast %lt3A_467 : i32 to vector<16xi32>
        %lt3A_469 = arith.cmpi slt, %xor3A_466, %lt3A_468 : vector<16xi32>
        %add3A_470 = arith.constant 16 : i32
        %add3A_471 = vector.broadcast %add3A_470 : i32 to vector<16xi32>
        %add3A_472 = arith.addi %xor3A_466, %add3A_471 : vector<16xi32>
        %select_n3A_473 = arith.select %lt3A_469, %add3A_472, %xor3A_466 : vector<16xi1>, vector<16xi32>
        %broadcast_in_dim3A_474 = vector.shape_cast %select_n3A_473 : vector<16xi32> to vector<16x1xi32>
        %gather3A_475 = vector.shape_cast %broadcast_in_dim3A_474 : vector<16x1xi32> to vector<16xi32>
        %gather3A_476 = tpu.dynamic_gather %max3A_463[%gather3A_475] in [0] : vector<16xf32>, vector<16xi32> -> vector<16xf32>
        %max3A_477 = arith.maximumf %max3A_463, %gather3A_476 : vector<16xf32>
        %xor3A_478 = arith.constant 2 : i32
        %xor3A_479 = vector.broadcast %xor3A_478 : i32 to vector<16xi32>
        %xor3A_480 = arith.xori %iota3A, %xor3A_479 : vector<16xi32>
        %lt3A_481 = arith.constant 0 : i32
        %lt3A_482 = vector.broadcast %lt3A_481 : i32 to vector<16xi32>
        %lt3A_483 = arith.cmpi slt, %xor3A_480, %lt3A_482 : vector<16xi32>
        %add3A_484 = arith.constant 16 : i32
        %add3A_485 = vector.broadcast %add3A_484 : i32 to vector<16xi32>
        %add3A_486 = arith.addi %xor3A_480, %add3A_485 : vector<16xi32>
        %select_n3A_487 = arith.select %lt3A_483, %add3A_486, %xor3A_480 : vector<16xi1>, vector<16xi32>
        %broadcast_in_dim3A_488 = vector.shape_cast %select_n3A_487 : vector<16xi32> to vector<16x1xi32>
        %gather3A_489 = vector.shape_cast %broadcast_in_dim3A_488 : vector<16x1xi32> to vector<16xi32>
        %gather3A_490 = tpu.dynamic_gather %max3A_477[%gather3A_489] in [0] : vector<16xf32>, vector<16xi32> -> vector<16xf32>
        %max3A_491 = arith.maximumf %max3A_477, %gather3A_490 : vector<16xf32>
        %xor3A_492 = arith.constant 1 : i32
        %xor3A_493 = vector.broadcast %xor3A_492 : i32 to vector<16xi32>
        %xor3A_494 = arith.xori %iota3A, %xor3A_493 : vector<16xi32>
        %lt3A_495 = arith.constant 0 : i32
        %lt3A_496 = vector.broadcast %lt3A_495 : i32 to vector<16xi32>
        %lt3A_497 = arith.cmpi slt, %xor3A_494, %lt3A_496 : vector<16xi32>
        %add3A_498 = arith.constant 16 : i32
        %add3A_499 = vector.broadcast %add3A_498 : i32 to vector<16xi32>
        %add3A_500 = arith.addi %xor3A_494, %add3A_499 : vector<16xi32>
        %select_n3A_501 = arith.select %lt3A_497, %add3A_500, %xor3A_494 : vector<16xi1>, vector<16xi32>
        %broadcast_in_dim3A_502 = vector.shape_cast %select_n3A_501 : vector<16xi32> to vector<16x1xi32>
        %gather3A_503 = vector.shape_cast %broadcast_in_dim3A_502 : vector<16x1xi32> to vector<16xi32>
        %gather3A_504 = tpu.dynamic_gather %max3A_491[%gather3A_503] in [0] : vector<16xf32>, vector<16xi32> -> vector<16xf32>
        %max3A_505 = arith.maximumf %max3A_491, %gather3A_504 : vector<16xf32>
        %slice3A_506 = vector.extract_strided_slice %max3A_505 {offsets = [0], sizes = [1], strides = [1]} : vector<16xf32> to vector<1xf32>
        %squeeze3A_507 = vector.extract %slice3A_506[0] : f32 from vector<1xf32>
        %eq3A_508 = arith.cmpf oeq, %get3A_446, %max3A_505 : vector<16xf32>
        %jit3A_509 = arith.constant 0.000000e+00 : f32
        %broadcast_in_dim3A_510 = vector.broadcast %jit3A_509 : f32 to vector<16xf32>
        %select_n3A_511 = arith.select %eq3A_508, %get3A_449, %broadcast_in_dim3A_510 : vector<16xi1>, vector<16xf32>
        %xor3A_512 = arith.constant 8 : i32
        %xor3A_513 = vector.broadcast %xor3A_512 : i32 to vector<16xi32>
        %xor3A_514 = arith.xori %iota3A, %xor3A_513 : vector<16xi32>
        %lt3A_515 = arith.constant 0 : i32
        %lt3A_516 = vector.broadcast %lt3A_515 : i32 to vector<16xi32>
        %lt3A_517 = arith.cmpi slt, %xor3A_514, %lt3A_516 : vector<16xi32>
        %add3A_518 = arith.constant 16 : i32
        %add3A_519 = vector.broadcast %add3A_518 : i32 to vector<16xi32>
        %add3A_520 = arith.addi %xor3A_514, %add3A_519 : vector<16xi32>
        %select_n3A_521 = arith.select %lt3A_517, %add3A_520, %xor3A_514 : vector<16xi1>, vector<16xi32>
        %broadcast_in_dim3A_522 = vector.shape_cast %select_n3A_521 : vector<16xi32> to vector<16x1xi32>
        %gather3A_523 = vector.shape_cast %broadcast_in_dim3A_522 : vector<16x1xi32> to vector<16xi32>
        %gather3A_524 = tpu.dynamic_gather %select_n3A_511[%gather3A_523] in [0] : vector<16xf32>, vector<16xi32> -> vector<16xf32>
        %add3A_525 = arith.addf %select_n3A_511, %gather3A_524 : vector<16xf32>
        %xor3A_526 = arith.constant 4 : i32
        %xor3A_527 = vector.broadcast %xor3A_526 : i32 to vector<16xi32>
        %xor3A_528 = arith.xori %iota3A, %xor3A_527 : vector<16xi32>
        %lt3A_529 = arith.constant 0 : i32
        %lt3A_530 = vector.broadcast %lt3A_529 : i32 to vector<16xi32>
        %lt3A_531 = arith.cmpi slt, %xor3A_528, %lt3A_530 : vector<16xi32>
        %add3A_532 = arith.constant 16 : i32
        %add3A_533 = vector.broadcast %add3A_532 : i32 to vector<16xi32>
        %add3A_534 = arith.addi %xor3A_528, %add3A_533 : vector<16xi32>
        %select_n3A_535 = arith.select %lt3A_531, %add3A_534, %xor3A_528 : vector<16xi1>, vector<16xi32>
        %broadcast_in_dim3A_536 = vector.shape_cast %select_n3A_535 : vector<16xi32> to vector<16x1xi32>
        %gather3A_537 = vector.shape_cast %broadcast_in_dim3A_536 : vector<16x1xi32> to vector<16xi32>
        %gather3A_538 = tpu.dynamic_gather %add3A_525[%gather3A_537] in [0] : vector<16xf32>, vector<16xi32> -> vector<16xf32>
        %add3A_539 = arith.addf %add3A_525, %gather3A_538 : vector<16xf32>
        %xor3A_540 = arith.constant 2 : i32
        %xor3A_541 = vector.broadcast %xor3A_540 : i32 to vector<16xi32>
        %xor3A_542 = arith.xori %iota3A, %xor3A_541 : vector<16xi32>
        %lt3A_543 = arith.constant 0 : i32
        %lt3A_544 = vector.broadcast %lt3A_543 : i32 to vector<16xi32>
        %lt3A_545 = arith.cmpi slt, %xor3A_542, %lt3A_544 : vector<16xi32>
        %add3A_546 = arith.constant 16 : i32
        %add3A_547 = vector.broadcast %add3A_546 : i32 to vector<16xi32>
        %add3A_548 = arith.addi %xor3A_542, %add3A_547 : vector<16xi32>
        %select_n3A_549 = arith.select %lt3A_545, %add3A_548, %xor3A_542 : vector<16xi1>, vector<16xi32>
        %broadcast_in_dim3A_550 = vector.shape_cast %select_n3A_549 : vector<16xi32> to vector<16x1xi32>
        %gather3A_551 = vector.shape_cast %broadcast_in_dim3A_550 : vector<16x1xi32> to vector<16xi32>
        %gather3A_552 = tpu.dynamic_gather %add3A_539[%gather3A_551] in [0] : vector<16xf32>, vector<16xi32> -> vector<16xf32>
        %add3A_553 = arith.addf %add3A_539, %gather3A_552 : vector<16xf32>
        %xor3A_554 = arith.constant 1 : i32
        %xor3A_555 = vector.broadcast %xor3A_554 : i32 to vector<16xi32>
        %xor3A_556 = arith.xori %iota3A, %xor3A_555 : vector<16xi32>
        %lt3A_557 = arith.constant 0 : i32
        %lt3A_558 = vector.broadcast %lt3A_557 : i32 to vector<16xi32>
        %lt3A_559 = arith.cmpi slt, %xor3A_556, %lt3A_558 : vector<16xi32>
        %add3A_560 = arith.constant 16 : i32
        %add3A_561 = vector.broadcast %add3A_560 : i32 to vector<16xi32>
        %add3A_562 = arith.addi %xor3A_556, %add3A_561 : vector<16xi32>
        %select_n3A_563 = arith.select %lt3A_559, %add3A_562, %xor3A_556 : vector<16xi1>, vector<16xi32>
        %broadcast_in_dim3A_564 = vector.shape_cast %select_n3A_563 : vector<16xi32> to vector<16x1xi32>
        %gather3A_565 = vector.shape_cast %broadcast_in_dim3A_564 : vector<16x1xi32> to vector<16xi32>
        %gather3A_566 = tpu.dynamic_gather %add3A_553[%gather3A_565] in [0] : vector<16xf32>, vector<16xi32> -> vector<16xf32>
        %add3A_567 = arith.addf %add3A_553, %gather3A_566 : vector<16xf32>
        %slice3A_568 = vector.extract_strided_slice %add3A_567 {offsets = [0], sizes = [1], strides = [1]} : vector<16xf32> to vector<1xf32>
        %squeeze3A_569 = vector.extract %slice3A_568[0] : f32 from vector<1xf32>
        %gt3A_570 = arith.constant 0.000000e+00 : f32
        %gt3A_571 = arith.cmpf ogt, %scan3A_437, %gt3A_570 : f32
        %le3A = arith.cmpf ole, %scan3A_437, %squeeze3A_569 : f32
        %and3A_572 = arith.andi %gt3A_571, %le3A : i1
        %select_n3A_573 = arith.select %and3A_572, %squeeze3A_507, %scan3A_439 : f32
        %sub3A_574 = arith.subf %scan3A_437, %squeeze3A_569 : f32
        scf.yield %sub3A_574, %squeeze3A_507, %select_n3A_573 : f32, f32, f32
      }
      %scan3A_400 = arith.constant 32 : i32
      %jit3A_401 = arith.constant 16 : i32
      %eq3A = arith.constant 0 : i32
      %eq3A_402 = arith.cmpi eq, %jit3A_401, %eq3A : i32
      %jit3A_403 = arith.constant 1 : i32
      %select_n3A_404 = arith.select %eq3A_402, %jit3A_403, %jit3A_401 : i32
      %rem3A = arith.remsi %scan3A_26, %select_n3A_404 : i32
      %ne3A = arith.constant 0 : i32
      %ne3A_405 = arith.cmpi ne, %rem3A, %ne3A : i32
      %lt3A_406 = arith.constant 0 : i32
      %lt3A_407 = arith.cmpi slt, %rem3A, %lt3A_406 : i32
      %lt3A_408 = arith.constant 0 : i32
      %lt3A_409 = arith.cmpi slt, %select_n3A_404, %lt3A_408 : i32
      %ne3A_410 = arith.xori %lt3A_407, %lt3A_409 : i1
      %and3A = arith.andi %ne3A_410, %ne3A_405 : i1
      %add3A_411 = arith.addi %rem3A, %select_n3A_404 : i32
      %select_n3A_412 = arith.select %and3A, %add3A_411, %rem3A : i32
      %eq3A_413 = vector.broadcast %select_n3A_412 : i32 to vector<16xi32>
      %eq3A_414 = arith.cmpi eq, %iota3A, %eq3A_413 : vector<16xi32>
      %broadcast_in_dim3A_415 = vector.broadcast %scan3A_399#2 : f32 to vector<16xf32>
      %select_n3A_416 = arith.select %eq3A_414, %broadcast_in_dim3A_415, %scan3A_27 : vector<16xi1>, vector<16xf32>
      %jit3A_417 = arith.constant 16 : i32
      %eq3A_418 = arith.constant 0 : i32
      %eq3A_419 = arith.cmpi eq, %jit3A_417, %eq3A_418 : i32
      %jit3A_420 = arith.constant 1 : i32
      %select_n3A_421 = arith.select %eq3A_419, %jit3A_420, %jit3A_417 : i32
      %rem3A_422 = arith.remsi %scan3A_26, %select_n3A_421 : i32
      %ne3A_423 = arith.constant 0 : i32
      %ne3A_424 = arith.cmpi ne, %rem3A_422, %ne3A_423 : i32
      %lt3A_425 = arith.constant 0 : i32
      %lt3A_426 = arith.cmpi slt, %rem3A_422, %lt3A_425 : i32
      %lt3A_427 = arith.constant 0 : i32
      %lt3A_428 = arith.cmpi slt, %select_n3A_421, %lt3A_427 : i32
      %ne3A_429 = arith.xori %lt3A_426, %lt3A_428 : i1
      %and3A_430 = arith.andi %ne3A_429, %ne3A_424 : i1
      %add3A_431 = arith.addi %rem3A_422, %select_n3A_421 : i32
      %select_n3A_432 = arith.select %and3A_430, %add3A_431, %rem3A_422 : i32
      %eq3A_433 = arith.constant 15 : i32
      %eq3A_434 = arith.cmpi eq, %select_n3A_432, %eq3A_433 : i32
      %convert_element_type3A = arith.extui %eq3A_434 : i1 to i32
      %cond3A = arith.constant 0 : i32
      %cond3A_435 = arith.cmpi ne, %convert_element_type3A, %cond3A : i32
      scf.if %cond3A_435 {
        %jit3A_436 = arith.constant 16 : i32
        %div3A_437 = arith.divsi %scan3A_26, %jit3A_436 : i32
        %sign3A = arith.constant 0 : i32
        %sign3A_438 = arith.cmpi sgt, %scan3A_26, %sign3A : i32
        %sign3A_439 = arith.extui %sign3A_438 : i1 to i32
        %sign3A_440 = arith.constant 0 : i32
        %sign3A_441 = arith.cmpi slt, %scan3A_26, %sign3A_440 : i32
        %sign3A_442 = arith.extui %sign3A_441 : i1 to i32
        %sign3A_443 = arith.subi %sign3A_439, %sign3A_442 : i32
        %sign3A_444 = arith.constant 0 : i32
        %sign3A_445 = arith.cmpi sgt, %jit3A_436, %sign3A_444 : i32
        %sign3A_446 = arith.extui %sign3A_445 : i1 to i32
        %sign3A_447 = arith.constant 0 : i32
        %sign3A_448 = arith.cmpi slt, %jit3A_436, %sign3A_447 : i32
        %sign3A_449 = arith.extui %sign3A_448 : i1 to i32
        %sign3A_450 = arith.subi %sign3A_446, %sign3A_449 : i32
        %ne3A_451 = arith.cmpi ne, %sign3A_443, %sign3A_450 : i32
        %rem3A_452 = arith.remsi %scan3A_26, %jit3A_436 : i32
        %ne3A_453 = arith.constant 0 : i32
        %ne3A_454 = arith.cmpi ne, %rem3A_452, %ne3A_453 : i32
        %and3A_455 = arith.andi %ne3A_451, %ne3A_454 : i1
        %sub3A_456 = arith.constant 1 : i32
        %sub3A_457 = arith.subi %div3A_437, %sub3A_456 : i32
        %select_n3A_458 = arith.select %and3A_455, %sub3A_457, %div3A_437 : i32
        %mul3A_459 = arith.constant 16 : i32
        %mul3A_460 = arith.muli %select_n3A_458, %mul3A_459 : i32
        %swap3A = arith.index_cast %mul3A_460 : i32 to index
        %swap3A_461 = tpu.vector_load %arg9[%swap3A] {strides = array<i32>} : memref<128xf32, #tpu.memory_space<vmem>>, vector<16xf32>,
        %swap3A_462 = vector.shape_cast %swap3A_461 : vector<16xf32> to vector<16xf32>
        %swap3A_463 = vector.shape_cast %select_n3A_416 : vector<16xf32> to vector<16xf32>
        tpu.vector_store %arg9[%swap3A], %swap3A_463 {strides = array<i32>} : memref<128xf32, #tpu.memory_space<vmem>>, vector<16xf32>,
      } else {
      }
      scf.yield %select_n3A_416 : vector<16xf32>
    }
    %scan3A_25 = arith.constant 128 : i32
    "tpu.region"() ({
      %run_scoped3A = tpu.sem_alloc : memref<!tpu.dma_semaphore, #tpu.memory_space<semaphore_mem>>
      %dma_start3A = tpu.memref_slice %arg3[%mul3A_2] : memref<4096xf32, #tpu.memory_space<hbm>> -> memref<128xf32, #tpu.memory_space<hbm>>
      %dma_start3A_26 = tpu.memref_slice %arg3[%mul3A_2] : memref<4096xf32, #tpu.memory_space<hbm>> -> memref<128xf32, #tpu.memory_space<hbm>>
      tpu.enqueue_dma source(%arg9 : memref<128xf32, #tpu.memory_space<vmem>>) target(%dma_start3A_26 : memref<128xf32, #tpu.memory_space<hbm>>) target_semaphore(%run_scoped3A : memref<!tpu.dma_semaphore, #tpu.memory_space<semaphore_mem>>)
      %dma_wait3A = tpu.memref_slice %arg3[%mul3A_2] : memref<4096xf32, #tpu.memory_space<hbm>> -> memref<128xf32, #tpu.memory_space<hbm>>
      %dma_wait3A_27 = tpu.memref_slice %arg3[%mul3A_2] : memref<4096xf32, #tpu.memory_space<hbm>> -> memref<128xf32, #tpu.memory_space<hbm>>
      tpu.wait_dma2 semaphore(%run_scoped3A : memref<!tpu.dma_semaphore, #tpu.memory_space<semaphore_mem>>) src(%arg9 : memref<128xf32, #tpu.memory_space<vmem>>) dst(%dma_wait3A_27 : memref<128xf32, #tpu.memory_space<hbm>>)
      tpu.yield
    }) : () -> ()
    return
  }
}

module attributes {stable_mosaic.version = 14 : i64} {
  func.func @_tc_body(%arg0: i32, %arg1: memref<1x32x1xf32, #tpu.memory_space<vmem>>, %arg2: memref<1x1x8192xi32, #tpu.memory_space<vmem>>, %arg3: memref<1x32x8192xf32, #tpu.memory_space<vmem>>, %arg4: memref<1x32x16xf32, #tpu.memory_space<vmem>>, %arg5: memref<8192x16xf32, #tpu.memory_space<vmem>>, %arg6: memref<1x1xf32, #tpu.memory_space<smem>>, %arg7: memref<2xf32, #tpu.memory_space<smem>>) attributes {dimension_semantics = [#tpu.dimension_semantics<arbitrary>], iteration_bounds = array<i64: 128>, scalar_prefetch = 0 : i64, scratch_operands = 1 : i64, tpu.core_type = #tpu.core_type<tc>, window_params = [{transform_indices = @transform_0, window_bounds = array<i64: 1, 32, 1>}, {transform_indices = @transform_1, window_bounds = array<i64: 1, 1, 8192>}, {transform_indices = @transform_2, window_bounds = array<i64: 1, 32, 8192>}, {transform_indices = @transform_3, window_bounds = array<i64: 1, 32, 16>}, {pipeline_mode = #tpu.pipeline_mode<synchronous>, transform_indices = @transform_4, window_bounds = array<i64: 8192, 16>}, {transform_indices = @transform_5, window_bounds = array<i64: 1, 1>}]} {
    %get3A = arith.constant 0 : index
    %get3A_0 = arith.constant 0 : index
    %get3A_1 = arith.constant 0 : index
    %get3A_2 = vector.load %arg3[%get3A, %get3A_0, %get3A_1] : memref<1x32x8192xf32, #tpu.memory_space<vmem>>, vector<1x32x8192xf32>
    %get3A_3 = vector.shape_cast %get3A_2 : vector<1x32x8192xf32> to vector<32x8192xf32>
    %get3A_4 = arith.constant 0 : index
    %get3A_5 = arith.constant 0 : index
    %get3A_6 = arith.constant 0 : index
    %get3A_7 = vector.load %arg2[%get3A_4, %get3A_5, %get3A_6] : memref<1x1x8192xi32, #tpu.memory_space<vmem>>, vector<1x1x8192xi32>
    %get3A_8 = vector.shape_cast %get3A_7 : vector<1x1x8192xi32> to vector<1x8192xi32>
    %get3A_9 = arith.constant 0 : index
    %get3A_10 = arith.constant 0 : index
    %get3A_11 = arith.constant 0 : index
    %get3A_12 = vector.load %arg1[%get3A_9, %get3A_10, %get3A_11] : memref<1x32x1xf32, #tpu.memory_space<vmem>>, vector<1x32x1xf32>
    %get3A_13 = vector.shape_cast %get3A_12 : vector<1x32x1xf32> to vector<32x1xf32>
    %ge3A = vector.broadcast %get3A_13 : vector<32x1xf32> to vector<32x8192xf32>
    %ge3A_14 = arith.cmpf oge, %get3A_3, %ge3A : vector<32x8192xf32>
    %reduce_or3A = arith.constant 1.000000e+00 : f32
    %reduce_or3A_15 = arith.constant 0.000000e+00 : f32
    %reduce_or3A_16 = vector.broadcast %reduce_or3A : f32 to vector<32x8192xf32>
    %reduce_or3A_17 = vector.broadcast %reduce_or3A_15 : f32 to vector<32x8192xf32>
    %reduce_or3A_18 = arith.select %ge3A_14, %reduce_or3A_16, %reduce_or3A_17 : vector<32x8192xi1>, vector<32x8192xf32>
    %reduce_or3A_19 = arith.constant dense<0xFF800000> : vector<8192xf32>
    %reduce_or3A_20 = vector.multi_reduction <maximumf>, %reduce_or3A_18, %reduce_or3A_19 [0] : vector<32x8192xf32> to vector<8192xf32>
    %reduce_or3A_21 = arith.constant 0.000000e+00 : f32
    %reduce_or3A_22 = vector.broadcast %reduce_or3A_21 : f32 to vector<8192xf32>
    %reduce_or3A_23 = arith.cmpf ogt, %reduce_or3A_20, %reduce_or3A_22 : vector<8192xf32>
    %broadcast_in_dim3A = vector.shape_cast %reduce_or3A_23 : vector<8192xi1> to vector<1x8192xi1>
    %eq3A = arith.constant 0 : i32
    %eq3A_24 = vector.broadcast %eq3A : i32 to vector<1x8192xi32>
    %eq3A_25 = arith.cmpi eq, %get3A_8, %eq3A_24 : vector<1x8192xi32>
    %and3A = arith.andi %broadcast_in_dim3A, %eq3A_25 : vector<1x8192xi1>
    %get3A_26 = arith.constant 0 : index
    %get3A_27 = arith.constant 0 : index
    %get3A_28 = arith.constant 0 : index
    %get3A_29 = vector.load %arg4[%get3A_26, %get3A_27, %get3A_28] : memref<1x32x16xf32, #tpu.memory_space<vmem>>, vector<1x32x16xf32>
    %get3A_30 = vector.shape_cast %get3A_29 : vector<1x32x16xf32> to vector<32x16xf32>
    %mul3A = arith.mulf %get3A_30, %get3A_30 : vector<32x16xf32>
    %reduce_sum3A = arith.constant dense<0.000000e+00> : vector<32xf32>
    %reduce_sum3A_31 = vector.multi_reduction <add>, %mul3A, %reduce_sum3A [1] : vector<32x16xf32> to vector<32xf32>
    %broadcast_in_dim3A_32 = vector.shape_cast %reduce_sum3A_31 : vector<32xf32> to vector<32x1xf32>
    %sqrt3A = math.sqrt %broadcast_in_dim3A_32 : vector<32x1xf32>
    %add3A = arith.constant 9.99999996E-13 : f32
    %add3A_33 = vector.broadcast %add3A : f32 to vector<32x1xf32>
    %add3A_34 = arith.addf %sqrt3A, %add3A_33 : vector<32x1xf32>
    %div3A = vector.broadcast %add3A_34 : vector<32x1xf32> to vector<32x16xf32>
    %div3A_35 = arith.divf %get3A_30, %div3A : vector<32x16xf32>
    %get3A_36 = arith.constant 0 : index
    %get3A_37 = arith.constant 0 : index
    %get3A_38 = vector.load %arg5[%get3A_36, %get3A_37] : memref<8192x16xf32, #tpu.memory_space<vmem>>, vector<8192x16xf32>
    %mul3A_39 = arith.mulf %get3A_38, %get3A_38 : vector<8192x16xf32>
    %reduce_sum3A_40 = arith.constant dense<0.000000e+00> : vector<8192xf32>
    %reduce_sum3A_41 = vector.multi_reduction <add>, %mul3A_39, %reduce_sum3A_40 [1] : vector<8192x16xf32> to vector<8192xf32>
    %broadcast_in_dim3A_42 = vector.shape_cast %reduce_sum3A_41 : vector<8192xf32> to vector<8192x1xf32>
    %sqrt3A_43 = math.sqrt %broadcast_in_dim3A_42 : vector<8192x1xf32>
    %add3A_44 = arith.constant 9.99999996E-13 : f32
    %add3A_45 = vector.broadcast %add3A_44 : f32 to vector<8192x1xf32>
    %add3A_46 = arith.addf %sqrt3A_43, %add3A_45 : vector<8192x1xf32>
    %div3A_47 = vector.broadcast %add3A_46 : vector<8192x1xf32> to vector<8192x16xf32>
    %div3A_48 = arith.divf %get3A_38, %div3A_47 : vector<8192x16xf32>
    %dot_general3A = arith.constant dense<0.000000e+00> : vector<32x8192xf32>
    %dot_general3A_49 = tpu.matmul %div3A_35, %div3A_48, %dot_general3A {dimension_numbers = #tpu.dot_dimension_numbers<[1], [1], [0], [0], [0, 0, 1, 0], [], []>, transpose_lhs_hint = false} : vector<32x16xf32>, vector<8192x16xf32>, vector<32x8192xf32> -> vector<32x8192xf32>
    %div3A_50 = arith.constant 7.000000e-02 : f32
    %div3A_51 = vector.broadcast %div3A_50 : f32 to vector<32x8192xf32>
    %div3A_52 = arith.divf %dot_general3A_49, %div3A_51 : vector<32x8192xf32>
    %jit3A = arith.constant -1.000000e+09 : f32
    %broadcast_in_dim3A_53 = vector.shape_cast %and3A : vector<1x8192xi1> to vector<1x8192xi1>
    %broadcast_in_dim3A_54 = vector.broadcast %broadcast_in_dim3A_53 : vector<1x8192xi1> to vector<32x8192xi1>
    %broadcast_in_dim3A_55 = vector.broadcast %jit3A : f32 to vector<32x8192xf32>
    %select_n3A = arith.select %broadcast_in_dim3A_54, %div3A_52, %broadcast_in_dim3A_55 : vector<32x8192xi1>, vector<32x8192xf32>
    %reduce_max3A = arith.constant dense<0xFF800000> : vector<32xf32>
    %reduce_max3A_56 = vector.multi_reduction <maximumf>, %select_n3A, %reduce_max3A [1] : vector<32x8192xf32> to vector<32xf32>
    %broadcast_in_dim3A_57 = vector.shape_cast %reduce_max3A_56 : vector<32xf32> to vector<32x1xf32>
    %sub3A = vector.broadcast %broadcast_in_dim3A_57 : vector<32x1xf32> to vector<32x8192xf32>
    %sub3A_58 = arith.subf %select_n3A, %sub3A : vector<32x8192xf32>
    %exp3A = math.exp %sub3A_58 : vector<32x8192xf32>
    %reduce_sum3A_59 = arith.constant dense<0.000000e+00> : vector<32xf32>
    %reduce_sum3A_60 = vector.multi_reduction <add>, %exp3A, %reduce_sum3A_59 [1] : vector<32x8192xf32> to vector<32xf32>
    %broadcast_in_dim3A_61 = vector.shape_cast %reduce_sum3A_60 : vector<32xf32> to vector<32x1xf32>
    %log3A = math.log %broadcast_in_dim3A_61 : vector<32x1xf32>
    %add3A_62 = arith.addf %log3A, %broadcast_in_dim3A_57 : vector<32x1xf32>
    %reduce_sum3A_63 = vector.shape_cast %add3A_62 : vector<32x1xf32> to vector<1x32x1xf32>
    %reduce_sum3A_64 = arith.constant dense<0.000000e+00> : vector<1xf32>
    %reduce_sum3A_65 = vector.multi_reduction <add>, %reduce_sum3A_63, %reduce_sum3A_64 [1, 2] : vector<1x32x1xf32> to vector<1xf32>
    %reduce_sum3A_66 = vector.shape_cast %reduce_sum3A_65 : vector<1xf32> to vector<1x1x1xf32>
    %reduce_sum3A_67 = vector.extract %reduce_sum3A_66[0, 0, 0] : f32 from vector<1x1x1xf32>
    %div3A_68 = arith.constant 3.200000e+01 : f32
    %div3A_69 = arith.divf %reduce_sum3A_67, %div3A_68 : f32
    %reduce_or3A_70 = arith.constant 1.000000e+00 : f32
    %reduce_or3A_71 = arith.constant 0.000000e+00 : f32
    %reduce_or3A_72 = vector.broadcast %reduce_or3A_70 : f32 to vector<1x8192xf32>
    %reduce_or3A_73 = vector.broadcast %reduce_or3A_71 : f32 to vector<1x8192xf32>
    %reduce_or3A_74 = arith.select %and3A, %reduce_or3A_72, %reduce_or3A_73 : vector<1x8192xi1>, vector<1x8192xf32>
    %reduce_or3A_75 = vector.shape_cast %reduce_or3A_74 : vector<1x8192xf32> to vector<1x1x8192xf32>
    %reduce_or3A_76 = arith.constant dense<0xFF800000> : vector<1xf32>
    %reduce_or3A_77 = vector.multi_reduction <maximumf>, %reduce_or3A_75, %reduce_or3A_76 [1, 2] : vector<1x1x8192xf32> to vector<1xf32>
    %reduce_or3A_78 = vector.shape_cast %reduce_or3A_77 : vector<1xf32> to vector<1x1x1xf32>
    %reduce_or3A_79 = vector.extract %reduce_or3A_78[0, 0, 0] : f32 from vector<1x1x1xf32>
    %reduce_or3A_80 = arith.constant 0.000000e+00 : f32
    %reduce_or3A_81 = arith.cmpf ogt, %reduce_or3A_79, %reduce_or3A_80 : f32
    %eq3A_82 = arith.constant 0 : i32
    %eq3A_83 = arith.cmpi eq, %arg0, %eq3A_82 : i32
    %convert_element_type3A = arith.extui %eq3A_83 : i1 to i32
    %cond3A = arith.constant 0 : i32
    %cond3A_84 = arith.cmpi ne, %convert_element_type3A, %cond3A : i32
    scf.if %cond3A_84 {
      %swap3A_103 = arith.constant 0.000000e+00 : f32
      %swap3A_104 = arith.constant 0 : index
      %swap3A_105 = memref.load %arg7[%swap3A_104] : memref<2xf32, #tpu.memory_space<smem>>
      memref.store %swap3A_103, %arg7[%swap3A_104] : memref<2xf32, #tpu.memory_space<smem>>
      %swap3A_106 = arith.constant 0.000000e+00 : f32
      %swap3A_107 = arith.constant 1 : index
      %swap3A_108 = memref.load %arg7[%swap3A_107] : memref<2xf32, #tpu.memory_space<smem>>
      memref.store %swap3A_106, %arg7[%swap3A_107] : memref<2xf32, #tpu.memory_space<smem>>
    } else {
    }
    %get3A_85 = arith.constant 0 : index
    %get3A_86 = memref.load %arg7[%get3A_85] : memref<2xf32, #tpu.memory_space<smem>>
    %jit3A_87 = arith.constant 0.000000e+00 : f32
    %select_n3A_88 = arith.select %reduce_or3A_81, %div3A_69, %jit3A_87 : f32
    %add3A_89 = arith.addf %get3A_86, %select_n3A_88 : f32
    %swap3A = arith.constant 0 : index
    %swap3A_90 = memref.load %arg7[%swap3A] : memref<2xf32, #tpu.memory_space<smem>>
    memref.store %add3A_89, %arg7[%swap3A] : memref<2xf32, #tpu.memory_space<smem>>
    %get3A_91 = arith.constant 1 : index
    %get3A_92 = memref.load %arg7[%get3A_91] : memref<2xf32, #tpu.memory_space<smem>>
    %convert_element_type3A_93 = arith.extui %reduce_or3A_81 : i1 to i32
    %convert_element_type3A_94 = arith.sitofp %convert_element_type3A_93 : i32 to f32
    %add3A_95 = arith.addf %get3A_92, %convert_element_type3A_94 : f32
    %swap3A_96 = arith.constant 1 : index
    %swap3A_97 = memref.load %arg7[%swap3A_96] : memref<2xf32, #tpu.memory_space<smem>>
    memref.store %add3A_95, %arg7[%swap3A_96] : memref<2xf32, #tpu.memory_space<smem>>
    %eq3A_98 = arith.constant 127 : i32
    %eq3A_99 = arith.cmpi eq, %arg0, %eq3A_98 : i32
    %convert_element_type3A_100 = arith.extui %eq3A_99 : i1 to i32
    %cond3A_101 = arith.constant 0 : i32
    %cond3A_102 = arith.cmpi ne, %convert_element_type3A_100, %cond3A_101 : i32
    scf.if %cond3A_102 {
      %get3A_103 = arith.constant 1 : index
      %get3A_104 = memref.load %arg7[%get3A_103] : memref<2xf32, #tpu.memory_space<smem>>
      %gt3A = arith.constant 0.000000e+00 : f32
      %gt3A_105 = arith.cmpf ogt, %get3A_104, %gt3A : f32
      %get3A_106 = arith.constant 0 : index
      %get3A_107 = memref.load %arg7[%get3A_106] : memref<2xf32, #tpu.memory_space<smem>>
      %max3A = arith.constant 1.000000e+00 : f32
      %max3A_108 = arith.maximumf %get3A_104, %max3A : f32
      %div3A_109 = arith.divf %get3A_107, %max3A_108 : f32
      %jit3A_110 = arith.constant 0.000000e+00 : f32
      %select_n3A_111 = arith.select %gt3A_105, %div3A_109, %jit3A_110 : f32
      %swap3A_112 = arith.constant 0 : index
      %swap3A_113 = arith.constant 0 : index
      %swap3A_114 = memref.load %arg6[%swap3A_112, %swap3A_113] : memref<1x1xf32, #tpu.memory_space<smem>>
      memref.store %select_n3A_111, %arg6[%swap3A_112, %swap3A_113] : memref<1x1xf32, #tpu.memory_space<smem>>
    } else {
    }
    return
  }
  func.func @transform_0(%arg0: i32) -> (i32, i32, i32) {
    %c0_i32 = arith.constant 0 : i32
    %c0_i32_0 = arith.constant 0 : i32
    %c0_i32_1 = arith.constant 0 : i32
    return %arg0, %c0_i32, %c0_i32_0 : i32, i32, i32
  }
  func.func @transform_1(%arg0: i32) -> (i32, i32, i32) {
    %c0_i32 = arith.constant 0 : i32
    %c0_i32_0 = arith.constant 0 : i32
    %c0_i32_1 = arith.constant 0 : i32
    return %arg0, %c0_i32, %c0_i32_0 : i32, i32, i32
  }
  func.func @transform_2(%arg0: i32) -> (i32, i32, i32) {
    %c0_i32 = arith.constant 0 : i32
    %c0_i32_0 = arith.constant 0 : i32
    %c0_i32_1 = arith.constant 0 : i32
    return %arg0, %c0_i32, %c0_i32_0 : i32, i32, i32
  }
  func.func @transform_3(%arg0: i32) -> (i32, i32, i32) {
    %c0_i32 = arith.constant 0 : i32
    %c0_i32_0 = arith.constant 0 : i32
    %c0_i32_1 = arith.constant 0 : i32
    return %arg0, %c0_i32, %c0_i32_0 : i32, i32, i32
  }
  func.func @transform_4(%arg0: i32) -> (i32, i32) {
    %c0_i32 = arith.constant 0 : i32
    %c0_i32_0 = arith.constant 0 : i32
    %c0_i32_1 = arith.constant 0 : i32
    return %c0_i32, %c0_i32_0 : i32, i32
  }
  func.func @transform_5(%arg0: i32) -> (i32, i32) {
    %c0_i32 = arith.constant 0 : i32
    %c0_i32_0 = arith.constant 0 : i32
    %c0_i32_1 = arith.constant 0 : i32
    return %c0_i32, %c0_i32_0 : i32, i32
  }
}

</mosaic_0001>

<sc_bundles>
// kernel: kernel.4.cloned.1.call-start
scs
__scs_entry_jumppad:
0x0: {  	(pc) =	sbr.rel $0x88, $3  }
0x1: {  	(tag) =	ssettag $0x0;
	lr =	simm.s32 $0x1  }
0x2: {  	[smem:$0x3F9D] =	sst lr;
	_ =	strace $0xD0000000  }
0x3: {  	_ = 	snop  }
0x4: {  	_ = 	snop  }
0x5: {  	_ = 	snop  }
0x6: {  	_ = 	snop  }
0x7: {  	_ = 	snop  }
__scs_overlays_trampoline_lowered:
0x8: {  	[smem:$0x3FAC] =	sst s0  }
0x9: {  	[smem:$0x3FAD] =	sst s1  }
0xa: {  	[smem:$0x3FAE] =	sst s2  }
0xb: {  	[smem:$0x3FAF] =	sst s3  }
0xc: {  	[smem:$0x3FB0] =	sst s4  }
0xd: {  	[smem:$0x3FB1] =	sst s5  }
0xe: {  	[smem:$0x3FB2] =	sst s6  }
0xf: {  	[smem:$0x3FB3] =	sst s7  }
0x10: {  	[smem:$0x3FB4] =	sst s8  }
0x11: {  	[smem:$0x3FB5] =	sst s9;
	s0 =	simm.s32 @!p0 $0x0  }
0x12: {  	s1 =	sld [smem:$0x3F9B];
	s0 =	simm.s32 @p0 $0x1  }
0x13: {  	[smem:$0x3FB6] =	sst s0;
	s0 =	simm.s32 @!p1 $0x0  }
0x14: {  	s2 =	sld [smem:$0x3F9A];
	s0 =	simm.s32 @p1 $0x1  }
0x15: {  	[smem:$0x3FB7] =	sst s0;
	s0 =	simm.s32 @!p2 $0x0  }
0x16: {  	s3 =	sld [smem:$0x3FDB];
	s0 =	simm.s32 @p2 $0x1  }
0x17: {  	s4 =	simm.s32 $0x1BF5;
	[smem:$0x3FB9] =	sst s0  }
0x18: {  	s0 =	sld [smem:$0x3F9C];
	_ =	swait.ge [sflag:s4], $0x0  }
0x19: {  	s7 =	sld [smem:$0x3F9D]  }
0x1a: {  	s8 =	sadd.s32 $0xFFFFE003, lr  }
0x1b: {  	s9 =	sadd.s32 $0xFFFFFEF7, lr;
	s5 =	simm.s32 $0xFFFFFFFF;
	p2 =	slt.u32 s8, $0xFFFFF086  }
0x1c: {  	p1 =	slt.u32 s9, $0xF7A;
	s5 =	simm.s32 @!p2 $0x0  }
0x1d: {  	s5 =	simm.s32 @p1 $0x1;
	p0 =	seq.s32 s7, s2  }
0x1e: {  	s7 =	smul.u32 @!p0 $0xF7A, s2;
	p2 =	seq.s32 @!p0 s5, $0x0  }
0x1f: {  	s9 =	smul.u32 $0xF7A, s1;
	s8 =	simm.s32 @!p0 $0x1BF5;
	p2 =	por !p2, p0  }
0x20: {  	[sflag:s8] =	ssyncset.s32 @!p0 $0xFFFFF086;
	s6 =	sadd.s32 @!p0 s3, s7;
	s7 =	simm.s32 @!p0 $0x108  }
0x21: {  	s3 =	sadd.s32 s3, s9;
	s6 =	sadd.s32 @!p0 $0x88, s6;
	s7 =	simm.s32 @p2 $0x1082  }
0x22: {  	[simem:s7], [sflag:s8] =	dma.local @!p0 [hbm:s6], $0xF7A  }
0x23: {  	s9 =	sor.u32 $0xD0000000, s2;
	s6 =	simm.s32 $0x108;
	_ =	swait.ge @!p0 [sflag:s8], $0x0  }
0x24: {  	s3 =	sadd.s32 $0x88, s3;
	s6 =	simm.s32 @!p1 $0x1082;
	[sflag:s4] =	ssyncset.s32 $0xFFFFF086  }
0x25: {  	[simem:s6], [sflag:s4] =	dma.local [hbm:s3], $0xF7A  }
0x26: {  	[smem:$0x3F9D] =	sst s1;
	(tag) =	ssettag s2;
	_ =	strace s9  }
0x27: {  	s1 =	sld [smem:$0x3FAD]  }
0x28: {  	s2 =	sld [smem:$0x3FAE]  }
0x29: {  	s4 =	sld [smem:$0x3FB0]  }
0x2a: {  	p0 =	seq.s32 s5, $0x0;
	s5 =	sld [smem:$0x3FB1]  }
0x2b: {  	s6 =	sld [smem:$0x3FB2]  }
0x2c: {  	s7 =	sld [smem:$0x3FB3]  }
0x2d: {  	s3 =	simm.s32 $0x108;
	s8 =	sld [smem:$0x3FB4]  }
0x2e: {  	s3 =	simm.s32 @!p0 $0x1082;
	s9 =	sld [smem:$0x3FB5]  }
0x2f: {  	lr =	sadd.s32 s0, s3;
	s0 =	sld [smem:$0x3FAC]  }
0x30: {  	s3 =	sld [smem:$0x3FAF]  }
0x31: {  	[smem:$0x3FB8] =	sst s10  }
0x32: {  	s10 =	sld [smem:$0x3FB6];
	_ =	sdelay $0x3  }
0x33: {  	p0 =	seq.s32 s10, $0x1;
	s10 =	sld [smem:$0x3FB8];
	_ =	sdelay $0x3  }
0x34: {  	[smem:$0x3FB8] =	sst s10  }
0x35: {  	s10 =	sld [smem:$0x3FB7];
	_ =	sdelay $0x3  }
0x36: {  	p1 =	seq.s32 s10, $0x1;
	s10 =	sld [smem:$0x3FB8];
	_ =	sdelay $0x3  }
0x37: {  	[smem:$0x3FB8] =	sst s10  }
0x38: {  	s10 =	sld [smem:$0x3FB9]  }
0x39: {  	_ = 	snop;
	(pc) =	sbr.ind lr, $3  }
0x3a: {  	_ = 	snop  }
0x3b: {  	_ = 	snop  }
0x3c: {  	p2 =	seq.s32 s10, $0x1;
	s10 =	sld [smem:$0x3FB8]  }
0x3d: {  	_ =	shalt  }
0x3e: {  	_ =	shalt  }
0x3f: {  	_ =	shalt  }
0x40: {  	_ =	shalt  }
0x41: {  	_ =	shalt  }
0x42: {  	_ =	shalt  }
0x43: {  	_ =	shalt  }
0x44: {  	_ =	shalt  }
0x45: {  	_ =	shalt  }
0x46: {  	_ =	shalt  }
0x47: {  	_ =	shalt  }
0x48: {  	_ =	shalt  }
0x49: {  	_ =	shalt  }
0x4a: {  	_ =	shalt  }
0x4b: {  	_ =	shalt  }
0x4c: {  	_ =	shalt  }
0x4d: {  	_ =	shalt  }
0x4e: {  	_ =	shalt  }
0x4f: {  	_ =	shalt  }
0x50: {  	_ =	shalt  }
0x51: {  	_ =	shalt  }
0x52: {  	_ =	shalt  }
0x53: {  	_ =	shalt  }
0x54: {  	_ =	shalt  }
0x55: {  	_ =	shalt  }
0x56: {  	_ =	shalt  }
0x57: {  	_ =	shalt  }
0x58: {  	_ =	shalt  }
0x59: {  	_ =	shalt  }
0x5a: {  	_ =	shalt  }
0x5b: {  	_ =	shalt  }
0x5c: {  	_ =	shalt  }
0x5d: {  	_ =	shalt  }
0x5e: {  	_ =	shalt  }
0x5f: {  	_ =	shalt  }
0x60: {  	_ =	shalt  }
0x61: {  	_ =	shalt  }
0x62: {  	_ =	shalt  }
0x63: {  	_ =	shalt  }
0x64: {  	_ =	shalt  }
0x65: {  	_ =	shalt  }
0x66: {  	_ =	shalt  }
0x67: {  	_ =	shalt  }
0x68: {  	_ =	shalt  }
0x69: {  	_ =	shalt  }
0x6a: {  	_ =	shalt  }
0x6b: {  	_ =	shalt  }
0x6c: {  	_ =	shalt  }
0x6d: {  	_ =	shalt  }
0x6e: {  	_ =	shalt  }
0x6f: {  	_ =	shalt  }
0x70: {  	_ =	shalt  }
0x71: {  	_ =	shalt  }
0x72: {  	_ =	shalt  }
0x73: {  	_ =	shalt  }
0x74: {  	_ =	shalt  }
0x75: {  	_ =	shalt  }
0x76: {  	_ =	shalt  }
0x77: {  	_ =	shalt  }
0x78: {  	_ =	shalt  }
0x79: {  	_ =	shalt  }
0x7a: {  	_ =	shalt  }
0x7b: {  	_ =	shalt  }
0x7c: {  	_ =	shalt  }
0x7d: {  	_ =	shalt  }
0x7e: {  	_ =	shalt  }
0x7f: {  	_ =	shalt  }
0x80: {  	_ =	shalt  }
0x81: {  	_ =	shalt  }
0x82: {  	_ =	shalt  }
0x83: {  	_ =	shalt  }
0x84: {  	_ =	shalt  }
0x85: {  	_ =	shalt  }
0x86: {  	_ =	shalt  }
0x87: {  	_ =	shalt  }
.Lfunc_end0:
.L_simem_size_0:
called_computation_lowered:
.L_overlay_start_0:
0x88: {  	s2 =	sld [smem:$0x3FD9]  }
0x89: {  	s3 =	sld [smem:$0x3FFE];
	_ =	sdelay $0x1  }
0x8a: {  	s1 =	srdreg.scid  }
0x8b: {  	s0 =	sand.u32 $0x1, s1  }
0x8c: {  	s17 =	sshll.u32 s0, $0xA;
	s2 =	sadd.s32 s3, s2  }
0x8d: {  	s2 =	sadd.s32 s2, s17  }
0x8e: {  	[smem:$0x3FC4] =	sst s2  }
0x8f: {  	_ = 	snop  }
0x90: {  	s2 =	sld [smem:$0x3FC8];
	(tm) =	ssettm $0x1  }
0x91: {  	s18 =	sld [smem:$0x3FFB];
	_ =	sdelay $0x3  }
0x92: {  	_ =	strace s18  }
0x93: {  	s3 =	sld [smem:$0x3FFC];
	_ =	sdelay $0x3  }
0x94: {  	_ =	strace s3  }
0x95: {  	s3 =	sld [smem:$0x3FFD];
	_ =	sdelay $0x3  }
0x96: {  	_ =	strace s3  }
0x97: {  	_ =	strace $0x8FFFFFFF  }
0x98: {  	s19 =	sld [smem:$0x3FDB];
	_ =	sdelay $0x1  }
0x99: {  	s4 =	simm.s32 $_scs_section_size  }
0x9a: {  	s5 =	simm.s32 $_size__tile_overlayer_lowered;
	s6 =	simm.s32 $_tile_overlayer_lowered  }
0x9b: {  	s22 =	simm.s32 $0x1BFF;
	s21 =	sshll.u32 s6, $0x1;
	s3 =	sadd.s32 s4, s19  }
0x9c: {  	s7 =	simm.s32 $0x0;
	s20 =	sshll.u32 s5, $0x1;
	s5 =	sadd.s32 s21, s3  }
0x9d: {  	[timem:s7], [sflag:s22] =	dma.local [hbm:s5], s20  }
0x9e: {  	_ =	swait.ge [sflag:s22], s20  }
0x9f: {  	s4 =	ssub.s32 $0x0, s20;
	[sflag:s22] =	ssyncset.done $0x0  }
0xa0: {  	[sflag:s22] =	ssyncadd.s32 s4;
	_ =	sdelay $0x1  }
0xa1: {  	s23 =	simm.s32 $0x1B8B  }
0xa2: {  	_ =	swait.ge [sflag:s23], $0x1  }
0xa3: {  	[sflag:s23] =	ssyncset.done $0x0  }
0xa4: {  	s25 =	simm.s32 $0x1B8E;
	s24 =	sld [smem:$0x3FFE];
	[sflag:s23] =	ssyncadd.s32 $0xFFFFFFFF  }
0xa5: {  	s26 =	simm.s32 $execute0_lowered;
	[smem:$0x3FD2] =	sst s25  }
0xa6: {  	s5 =	sshll.u32 s26, $0x1;
	_ =	strace $0x80000046;
	[dreg:$0x1] =	wrdreg $0xFFFFFFFF  }
0xa7: {  	s28 =	simm.s32 $_size_execute0_lowered;
	s3 =	sadd.s32 s3, s5;
	[dreg:$0x0] =	wrdreg $0x0  }
0xa8: {  	s5 =	sshll.u32 s28, $0x1;
	[dreg:$0x2] =	wrdreg s3  }
0xa9: {  	[dreg:$0x3] =	wrdreg s5  }
0xaa: {  	[dreg:$0x4] =	wrdreg $0xC0  }
0xab: {  	_ =	task [dreg:s7], $0x5FFFF  }
0xac: {  	[dreg:$0x1] =	wrdreg $0xFFFFFFFF  }
0xad: {  	[dreg:$0x0] =	wrdreg $0x60  }
0xae: {  	[dreg:$0x2] =	wrdreg s2  }
0xaf: {  	[dreg:$0x3] =	wrdreg s24  }
0xb0: {  	[dreg:$0x4] =	wrdreg $0x65000  }
0xb1: {  	[dreg:$0x5] =	wrdreg $0x9  }
0xb2: {  	_ =	task.clear_ibuf [dreg:s7], $0x6FFFF;
	_ =	strace $0x90000046  }
0xb3: {  	s29 =	simm.s32 $0x9;
	_ =	strace $0x80000048  }
0xb4: {  	_ =	swait.ge [sflag:s29], $0x1  }
0xb5: {  	[sflag:s29] =	ssyncadd.s32 $0xFFFFFFFF  }
0xb6: {  	_ =	strace $0x90000048  }
0xb7: {  	_ =	sfence  }
0xb8: {  	s30 =	sld [smem:$0x0];
	_ =	sdelay $0x2  }
0xb9: {  	s31 =	sshll.u32 s1, $0xD;
	s1 =	sshrl.u32 s1, $0x2  }
0xba: {  	s3 =	sand.u32 $0x4000, s31;
	s1 =	sadd.s32 s1, s30  }
0xbb: {  	s0 =	sor.u32 s3, s0;
	s1 =	sshll.u32 s1, $0x11  }
0xbc: {  	s0 =	sor.u32 s1, s0  }
0xbd: {  	s0 =	sadd.s32 $0x8F2B, s0  }
0xbe: {  	[sflag:s0] =	ssyncadd.remote.s32 $0x1  }
0xbf: {  	_ =	sfence.sel $0xFFFF  }
0xc0: {  	[dreg:$0x0] =	wrdreg $0xFFFFFFFF;
	(pc) =	sbr.abs _section_cstart, $3  }
0xc1: {  	[dreg:$0x1] =	wrdreg $0xFFFFFFFF  }
0xc2: {  	_ =	task.clear_ibuf [dreg:s7], $0x2FFFF;
	_ =	strace $0x9FFFFFFF  }
0xc3: {  	(tm) =	ssettm $0x7FFFFFFF  }
tec
execute0_lowered:
.L_overlay_start_1:
0x0: {  	(tag) =	ssettag $0x1  }
0x1: {  	v1 =	vimm.s32 $0x76543210;
	v0 =	vimm.s32 $0xFEDCBA98;
	v2 =	vimm.s32 $0xBA98FEDC  }
0x2: {  	v4 =	vimm.s32 $0x32107654;
	v7 =	vimm.s32 $0x54761032;
	v9 =	vimm.s32 $0xEDCBA987  }
0x3: {  	v12 =	vimm.s32 $0xBA987654;
	v13 =	vimm.s32 $0x32100000;
	v3 =	vunpack.c.l.s4.s8 v0  }
0x4: {  	v2 =	vunpack.c.l.s4.s8 v2;
	v5 =	vunpack.c.l.s4.s8 v1;
	v1 =	vunpack.c.l.s4.s8 v4  }
0x5: {  	v14 =	vimm.s32 $0xE40000;
	vm0 =	vmmov $0x3;
	v4 =	vimm.s32 $0xDCFE98BA  }
0x6: {  	v3 =	vunpack.c.0.s8.s32 v3;
	v2 =	vunpack.c.0.s8.s32 v2;
	v6 =	vunpack.c.0.s8.s32 v1  }
0x7: {  	v15 =	vimm.s32 $0x0;
	v7 =	vunpack.c.l.s4.s8 v7;
	v4 =	vunpack.c.l.s4.s8 v4  }
0x8: {  	vm13 =	vmmov $0xf;
	v8 =	vand.u32 $0xF, v3;
	v2 =	vcombine.low v6, v2  }
0x9: {  	v3 =	vunpack.c.0.s8.s32 v4;
	v4 =	vunpack.c.0.s8.s32 v7;
	v6 =	vimm.s32 $0xEFCDAB89  }
0xa: {  	v5 =	vunpack.c.0.s8.s32 v5;
	v7 =	vimm.s32 $0x67452301;
	v6 =	vunpack.c.l.s4.s8 v6  }
0xb: {  	v7 =	vunpack.c.l.s4.s8 v7;
	v3 =	vcombine.low v4, v3;
	v4 =	vimm.s32 $0x65432100  }
0xc: {  	vm14 =	vcmask $0x3F30;
	v9 =	vunpack.c.l.s4.s8 v9;
	v11 =	vunpack.c.l.s4.s8 v4  }
0xd: {  	v10 =	vunpack.c.0.s8.s32 v6;
	v7 =	vunpack.c.0.s8.s32 v7;
	v4 =	vcombine.low v8, v5  }
0xe: {  	v8 =	vunpack.c.0.s8.s32 v9;
	v9 =	vunpack.c.0.s8.s32 v11;
	v11 =	vimm.s32 $0xDCBA9876  }
0xf: {  	s2 =	rddreg [dreg:$0x0];
	v7 =	vcombine.low v7, v10;
	v10 =	vimm.s32 $0x54321000;
	v11 =	vunpack.c.l.s4.s8 v11  }
0x10: {  	s5 =	stileid.u32;
	s3 =	rddreg [dreg:$0x1];
	vm15 =	vmmov $0xff;
	v12 =	vunpack.c.l.s4.s8 v12;
	v10 =	vunpack.c.l.s4.s8 v10  }
0x11: {  	s0 =	srdreg.scid;
	s4 =	rddreg [dreg:$0x2];
	v13 =	vunpack.c.l.s4.s8 v13;
	v14 =	vunpack.c.l.s2.s4 v14;
	v11 =	vunpack.c.0.s8.s32 v11  }
0x12: {  	s7 =	simm.s32 $0x0;
	s10 =	simm.s32 $0x80;
	s11 =	simm.s32 $0x400;
	v15 =	vsel vm0, $0xFFFFFFFF, v15;
	v12 =	vunpack.c.0.s8.s32 v12;
	v10 =	vunpack.c.0.s8.s32 v10  }
0x13: {  	s12 =	simm.s32 $0x1;
	s13 =	simm.s32 $0x6200;
	s1 =	sshll.u32 s5, $0x9;
	v13 =	vunpack.c.0.s8.s32 v13;
	v14 =	vunpack.c.l.s4.s8 v14;
	v11 =	vand.u32 $0xF, v11  }
0x14: {  	s0 =	sand.u32 $0x1, s0;
	s5 =	sshll.u32 s5, $0x8;
	[smem:$0x7FF] =	sst s7;
	v0 =	vmov s1;
	v10 =	vcombine.low v10, v11;
	v11 =	vand.u32 $0xF, v12  }
0x15: {  	s6 =	sshll.u32 s0, $0x7;
	s0 =	ssub.s32 $0x2, s0;
	_ =	strace $0x80000047;
	v14 =	vunpack.c.0.s8.s32 v14;
	v11 =	vcombine.low v13, v11;
	v13 =	vimm.s32 $0x7060504  }
.Ltmp0:
0x16: {  	[tilespmem:$0x1FFD0] =	vst v15;
	v15 =	vimm.s32 $0x0;
	v1 =	vimm.f32 $1.000000000e+00;
	s6 =	sor.u32 s6, s5;
	s31 =	sshrl.u32 s0, $0x1;
	v13 =	vunpack.c.0.s8.s32 v13;
	(pc) =	sbr.rel .LBB2_1-.Ltmp0, $4  }
0x17: {  	s14 =	simm.s32 $0x2000;
	v15 =	vsel vm13, $0xFFFFFFFF, v15;
	s5 =	sshrl.u32 s6, $0x3;
	s0 =	ssub.s32 s0, s31;
	v14 =	vand.u32 $0x3, v14;
	v5 =	vand.u32 $0xF, v2  }
0x18: {  	s15 =	simm.s32 $0x4000;
	s3 =	sadd.s32 s5, s3;
	s0 =	smax.u32 s0, $0x1;
	v8 =	vand.u32 $0xF, v8;
	v13 =	vsel vm14, v13, v14;
	v14 =	vimm.s32 $0x0  }
0x19: {  	s17 =	simm.s32 $0x0;
	[tilespmem:$0x1FFE0] =	vst v15;
	s3 =	sadd.s32 $0xA00, s3;
	[dreg:$0x5] =	wrdreg s0;
	v6 =	vand.u32 $0xF, v3;
	v8 =	vcombine.low v9, v8;
	v14 =	vsel vm15, $0xFFFFFFFF, v14  }
0x1a: {  	s18 =	simm.s32 $0x0;
	s7 =	sadd.s32 s1, s4;
	[dreg:$0x4] =	wrdreg s3;
	v9 =	vand.u32 $0xF, v7;
	v12 =	vlaneseq.u32;
	[tilespmem:$0x1FFF0] =	vst v14;
	v14 =	vimm.f32 $0.0e+00  }
.LBB2_17:
0x1b: {  	s0 =	simm.s32 $0x0;
	s3 =	rddreg [dreg:$0x4];
	s5 =	simm.s32 $0x6400  }
0x1c: {  	[hbm4b:s3+s0] =	stream.linear.scatter [tilespmem:s5], [sflag:$0x1], $0x80, $0x38;
	[tilespmem:$0x6700] =	vst v63  }
0x1d: {  	_ =	swait.ge [sflag:s12], $0x80  }
0x1e: {  	s17 =	sadd.s32 $0x1, s17;
	s31 =	rddreg [dreg:$0x5]  }
0x1f: {  	p0 =	sne.s32 s17, s31  }
.Ltmp1:
0x20: {  	_ = 	snop;
	(pc) =	sbr.rel @!p0 .LBB2_18-.Ltmp1, $3  }
0x21: {  	_ =	sdelay $0x1  }
0x22: {  	[sflag:s12] =	ssyncset.done $0x0  }
0x23: {  	[sflag:s12] =	ssyncadd.s32 $0xFFFFFF80  }
.LBB2_1:
0x24: {  	s0 =	simm.s32 $0x0;
	s3 =	simm.s32 $0x400  }
.LBB2_2:
0x25: {  	p0 =	sne.s32 s3, $0x7C00;
	[tilespmem:s0+$0x40F0] =	vst v1  }
0x26: {  	[tilespmem:s0+$0x4000] =	vst v1  }
0x27: {  	[tilespmem:s0+$0x4010] =	vst v1  }
0x28: {  	[tilespmem:s0+$0x4020] =	vst v1  }
0x29: {  	[tilespmem:s0+$0x4030] =	vst v1  }
0x2a: {  	[tilespmem:s0+$0x4040] =	vst v1  }
0x2b: {  	[tilespmem:s0+$0x4050] =	vst v1  }
0x2c: {  	[tilespmem:s0+$0x4060] =	vst v1  }
0x2d: {  	[tilespmem:s0+$0x4070] =	vst v1  }
0x2e: {  	[tilespmem:s0+$0x4080] =	vst v1  }
0x2f: {  	[tilespmem:s0+$0x4090] =	vst v1  }
.Ltmp2:
0x30: {  	[tilespmem:s0+$0x40A0] =	vst v1;
	(pc) =	sbr.rel @p0 .LBB2_2-.Ltmp2, $4  }
0x31: {  	[tilespmem:s0+$0x40B0] =	vst v1  }
0x32: {  	[tilespmem:s0+$0x40C0] =	vst v1  }
0x33: {  	[tilespmem:s0+$0x40D0] =	vst v1  }
0x34: {  	[tilespmem:s0+$0x40E0] =	vst v1;
	s0 =	sshra.s32 s3, $0x2;
	s3 =	sadd.s32 $0x400, s3  }
0x35: {  	[tilespmem:s0+$0x40F0] =	vst v1  }
0x36: {  	[tilespmem:s0+$0x4000] =	vst v1  }
0x37: {  	[tilespmem:s0+$0x4010] =	vst v1  }
0x38: {  	[tilespmem:s0+$0x4020] =	vst v1  }
0x39: {  	[tilespmem:s0+$0x4030] =	vst v1  }
0x3a: {  	[tilespmem:s0+$0x4040] =	vst v1  }
0x3b: {  	[tilespmem:s0+$0x4050] =	vst v1  }
0x3c: {  	[tilespmem:s0+$0x4060] =	vst v1  }
0x3d: {  	[tilespmem:s0+$0x4070] =	vst v1  }
0x3e: {  	[tilespmem:s0+$0x4080] =	vst v1  }
0x3f: {  	[tilespmem:s0+$0x4090] =	vst v1  }
0x40: {  	[tilespmem:s0+$0x40A0] =	vst v1  }
0x41: {  	[tilespmem:s0+$0x40B0] =	vst v1  }
0x42: {  	[tilespmem:s0+$0x40C0] =	vst v1  }
0x43: {  	[tilespmem:s0+$0x40D0] =	vst v1  }
0x44: {  	[tilespmem:s0+$0x40E0] =	vst v1;
	v15 =	vimm.f32 $0.0e+00  }
0x45: {  	[tilespmem:$0x6200] =	vst v15  }
0x46: {  	[tilespmem:$0x6210] =	vst v15  }
0x47: {  	[tilespmem:$0x6220] =	vst v15  }
0x48: {  	[tilespmem:$0x6230] =	vst v15  }
0x49: {  	[tilespmem:$0x6240] =	vst v15  }
0x4a: {  	[tilespmem:$0x6250] =	vst v15  }
0x4b: {  	[tilespmem:$0x6260] =	vst v15  }
0x4c: {  	[tilespmem:$0x6270] =	vst v15  }
0x4d: {  	[tilespmem:$0x6280] =	vst v15  }
0x4e: {  	[tilespmem:$0x6290] =	vst v15  }
0x4f: {  	[tilespmem:$0x62A0] =	vst v15  }
0x50: {  	[tilespmem:$0x62B0] =	vst v15  }
0x51: {  	[tilespmem:$0x62C0] =	vst v15  }
0x52: {  	[tilespmem:$0x62D0] =	vst v15  }
0x53: {  	[tilespmem:$0x62E0] =	vst v15  }
0x54: {  	[tilespmem:$0x62F0] =	vst v15  }
0x55: {  	[tilespmem:$0x6300] =	vst v15  }
0x56: {  	[tilespmem:$0x6310] =	vst v15  }
0x57: {  	[tilespmem:$0x6320] =	vst v15  }
0x58: {  	[tilespmem:$0x6330] =	vst v15  }
0x59: {  	[tilespmem:$0x6340] =	vst v15  }
0x5a: {  	[tilespmem:$0x6350] =	vst v15  }
0x5b: {  	[tilespmem:$0x6360] =	vst v15  }
0x5c: {  	[tilespmem:$0x6370] =	vst v15  }
0x5d: {  	[tilespmem:$0x6380] =	vst v15  }
0x5e: {  	[tilespmem:$0x6390] =	vst v15  }
0x5f: {  	[tilespmem:$0x63A0] =	vst v15  }
.Ltmp3:
0x60: {  	[tilespmem:$0x63B0] =	vst v15;
	(pc) =	sbr.rel .LBB2_4-.Ltmp3, $4  }
0x61: {  	[tilespmem:$0x63C0] =	vst v15  }
0x62: {  	[tilespmem:$0x63D0] =	vst v15  }
0x63: {  	[tilespmem:$0x63E0] =	vst v15  }
0x64: {  	s19 =	simm.s32 $0x0;
	[tilespmem:$0x63F0] =	vst v15  }
.LBB2_16:
0x65: {  	s0 =	sand.u32 $0xF, s19  }
0x66: {  	p0 =	sne.s32 s0, $0xF  }
0x67: {  	v16 =	vmov s0;
	s0 =	sand.u32 @!p0 $0x70, s19;
	s19 =	sadd.s32 $0x1, s19  }
0x68: {  	p1 =	sne.s32 s19, $0x80  }
.Ltmp4:
0x69: {  	_ = 	snop;
	(pc) =	sbr.rel @!p1 .LBB2_17-.Ltmp4, $4  }
0x6a: {  	_ = 	snop  }
0x6b: {  	vm0 =	veq.s32 v16, v12  }
0x6c: {  	v15 =	vsel vm0, s20, v15  }
0x6d: {  	[tilespmem:s0+$0x6400] =	vst @!p0 v15  }
.LBB2_4:
0x6e: {  	s0 =	sadd.s32 s6, s19;
	s3 =	sshll.u32 s19, $0x4  }
0x6f: {  	s0 =	sshll.u32 s0, $0xA;
	s3 =	sand.u32 $0x70, s3  }
0x70: {  	s0 =	sand.u32 $0x3FE000, s0;
	s3 =	sadd.s32 s2, s3  }
0x71: {  	s0 =	sadd.s32 s0, s3  }
0x72: {  	[tilespmem:s18], [sflag:$0x1] =	stream.strided.gather [hbm4b:s0+s10], $0x2000, s11, s10, $0x38;
	[tilespmem:$0x6700] =	vst v63  }
0x73: {  	_ =	swait.ge [sflag:s12], $0x2000  }
0x74: {  	[sflag:s12] =	ssyncset.done $0x0  }
0x75: {  	s31 =	simm.s32 $0x0;
	[sflag:s12] =	ssyncadd.s32 $0xFFFFE000  }
0x76: {  	v16 =	vld [tilespmem:s31+$0x0]  }
0x77: {  	v17 =	vld [tilespmem:s31+$0x10]  }
0x78: {  	v18 =	vld [tilespmem:s31+$0x20]  }
0x79: {  	v19 =	vld [tilespmem:s31+$0x30]  }
0x7a: {  	v20 =	vimm.f32 $-Inf;
	v21 =	vimm.f32 $+Inf;
	v22 =	vld [tilespmem:s31+$0x40]  }
0x7b: {  	v20 =	vmax.f32 v20, v16;
	v16 =	vmin.f32 v21, v16;
	v21 =	vld [tilespmem:s31+$0x50]  }
0x7c: {  	v20 =	vmax.f32 v20, v17;
	v16 =	vmin.f32 v16, v17;
	v17 =	vld [tilespmem:s31+$0x60]  }
0x7d: {  	v20 =	vmax.f32 v20, v18;
	v16 =	vmin.f32 v16, v18;
	v18 =	vld [tilespmem:s31+$0x70]  }
0x7e: {  	v20 =	vmax.f32 v20, v19;
	v16 =	vmin.f32 v16, v19;
	v19 =	vld [tilespmem:s31+$0x80]  }
0x7f: {  	v20 =	vmax.f32 v20, v22;
	v16 =	vmin.f32 v16, v22;
	v22 =	vld [tilespmem:s31+$0x90]  }
0x80: {  	v23 =	vld [tilespmem:s31+$0xA0];
	v20 =	vmax.f32 v20, v21;
	v16 =	vmin.f32 v16, v21  }
0x81: {  	v20 =	vmax.f32 v20, v17;
	v17 =	vmin.f32 v16, v17;
	v16 =	vld [tilespmem:s31+$0xB0]  }
0x82: {  	v20 =	vmax.f32 v20, v18;
	v18 =	vmin.f32 v17, v18;
	v17 =	vld [tilespmem:s31+$0xC0]  }
0x83: {  	v20 =	vmax.f32 v20, v19;
	v19 =	vmin.f32 v18, v19;
	v18 =	vld [tilespmem:s31+$0xD0]  }
0x84: {  	v20 =	vmax.f32 v20, v22;
	v22 =	vmin.f32 v19, v22;
	v19 =	vld [tilespmem:s31+$0xE0]  }
0x85: {  	s20 =	simm.s32 $0x100;
	s0 =	simm.s32 $0x800;
	v21 =	vmax.f32 v20, v23;
	v22 =	vmin.f32 v22, v23;
	v20 =	vld [tilespmem:s31+$0xF0]  }
.LBB2_5:
0x86: {  	p0 =	sne.s32 s0, $0x7C00;
	v23 =	vld [tilespmem:s20+$0x0];
	v21 =	vmax.f32 v21, v16;
	v16 =	vmin.f32 v22, v16  }
0x87: {  	v22 =	vld [tilespmem:s20+$0x10];
	v21 =	vmax.f32 v21, v17;
	v16 =	vmin.f32 v16, v17  }
0x88: {  	v17 =	vld [tilespmem:s20+$0x20];
	v21 =	vmax.f32 v21, v18;
	v16 =	vmin.f32 v16, v18  }
0x89: {  	v18 =	vld [tilespmem:s20+$0x30];
	v21 =	vmax.f32 v21, v19;
	v16 =	vmin.f32 v16, v19  }
0x8a: {  	v19 =	vld [tilespmem:s20+$0x40];
	v21 =	vmax.f32 v21, v20;
	v16 =	vmin.f32 v16, v20  }
0x8b: {  	v20 =	vmax.f32 v21, v23;
	v16 =	vmin.f32 v16, v23;
	v21 =	vld [tilespmem:s20+$0x50]  }
0x8c: {  	v20 =	vmax.f32 v20, v22;
	v16 =	vmin.f32 v16, v22;
	v22 =	vld [tilespmem:s20+$0x60]  }
0x8d: {  	v20 =	vmax.f32 v20, v17;
	v16 =	vmin.f32 v16, v17;
	v17 =	vld [tilespmem:s20+$0x70]  }
0x8e: {  	v20 =	vmax.f32 v20, v18;
	v16 =	vmin.f32 v16, v18;
	v18 =	vld [tilespmem:s20+$0x80]  }
0x8f: {  	v20 =	vmax.f32 v20, v19;
	v16 =	vmin.f32 v16, v19;
	v19 =	vld [tilespmem:s20+$0x90]  }
0x90: {  	v20 =	vmax.f32 v20, v21;
	v16 =	vmin.f32 v16, v21;
	v23 =	vld [tilespmem:s20+$0xA0]  }
.Ltmp5:
0x91: {  	v20 =	vmax.f32 v20, v22;
	v21 =	vmin.f32 v16, v22;
	v16 =	vld [tilespmem:s20+$0xB0];
	(pc) =	sbr.rel @p0 .LBB2_5-.Ltmp5, $4  }
0x92: {  	v20 =	vmax.f32 v20, v17;
	v21 =	vmin.f32 v21, v17;
	v17 =	vld [tilespmem:s20+$0xC0]  }
0x93: {  	v20 =	vmax.f32 v20, v18;
	v21 =	vmin.f32 v21, v18;
	v18 =	vld [tilespmem:s20+$0xD0]  }
0x94: {  	v20 =	vmax.f32 v20, v19;
	v22 =	vmin.f32 v21, v19;
	v19 =	vld [tilespmem:s20+$0xE0]  }
0x95: {  	v21 =	vmax.f32 v20, v23;
	v22 =	vmin.f32 v22, v23;
	v20 =	vld [tilespmem:s20+$0xF0];
	s20 =	sshra.s32 s0, $0x2;
	s0 =	sadd.s32 $0x400, s0  }
0x96: {  	v23 =	vld [tilespmem:s20+$0x0];
	v21 =	vmax.f32 v21, v16;
	v16 =	vmin.f32 v22, v16  }
0x97: {  	v22 =	vld [tilespmem:s20+$0x10];
	v21 =	vmax.f32 v21, v17;
	v16 =	vmin.f32 v16, v17  }
0x98: {  	v17 =	vld [tilespmem:s20+$0x20];
	v21 =	vmax.f32 v21, v18;
	v16 =	vmin.f32 v16, v18  }
0x99: {  	v18 =	vld [tilespmem:s20+$0x30];
	v21 =	vmax.f32 v21, v19;
	v16 =	vmin.f32 v16, v19  }
0x9a: {  	v19 =	vld [tilespmem:s20+$0x40];
	v21 =	vmax.f32 v21, v20;
	v16 =	vmin.f32 v16, v20  }
0x9b: {  	v20 =	vmax.f32 v21, v23;
	v16 =	vmin.f32 v16, v23;
	v21 =	vld [tilespmem:s20+$0x50]  }
0x9c: {  	v20 =	vmax.f32 v20, v22;
	v16 =	vmin.f32 v16, v22;
	v22 =	vld [tilespmem:s20+$0x60]  }
0x9d: {  	v20 =	vmax.f32 v20, v17;
	v16 =	vmin.f32 v16, v17;
	v17 =	vld [tilespmem:s20+$0x70]  }
0x9e: {  	v20 =	vmax.f32 v20, v18;
	v16 =	vmin.f32 v16, v18;
	v18 =	vld [tilespmem:s20+$0x80]  }
0x9f: {  	v20 =	vmax.f32 v20, v19;
	v16 =	vmin.f32 v16, v19;
	v19 =	vld [tilespmem:s20+$0x90]  }
0xa0: {  	v20 =	vmax.f32 v20, v21;
	v16 =	vmin.f32 v16, v21;
	v21 =	vld [tilespmem:s20+$0xA0]  }
0xa1: {  	v20 =	vmax.f32 v20, v22;
	v16 =	vmin.f32 v16, v22;
	v22 =	vld [tilespmem:s20+$0xB0]  }
0xa2: {  	v20 =	vmax.f32 v20, v17;
	v16 =	vmin.f32 v16, v17;
	v17 =	vld [tilespmem:s20+$0xC0]  }
0xa3: {  	v20 =	vmax.f32 v20, v18;
	v16 =	vmin.f32 v16, v18;
	v18 =	vld [tilespmem:s20+$0xD0]  }
0xa4: {  	v20 =	vmax.f32 v20, v19;
	v16 =	vmin.f32 v16, v19;
	v19 =	vld [tilespmem:s20+$0xE0]  }
0xa5: {  	v20 =	vmax.f32 v20, v21;
	v16 =	vmin.f32 v16, v21;
	v21 =	vld [tilespmem:s20+$0xF0]  }
0xa6: {  	v20 =	vmax.f32 v20, v22;
	v16 =	vmin.f32 v16, v22  }
0xa7: {  	v20 =	vmax.f32 v20, v17;
	v16 =	vmin.f32 v16, v17  }
0xa8: {  	v17 =	vmax.f32 v20, v18;
	v16 =	vmin.f32 v16, v18  }
0xa9: {  	v17 =	vmax.f32 v17, v19;
	v16 =	vmin.f32 v16, v19  }
0xaa: {  	v17 =	vmax.f32 v17, v21;
	v16 =	vmin.f32 v16, v21  }
0xab: {  	v18 =	vperm.xlane v17, v4;
	v19 =	vperm.xlane v16, v4;
	_ =	sdelay $0x1  }
0xac: {  	v17 =	vmax.f32 v17, v18;
	v16 =	vmin.f32 v16, v19  }
0xad: {  	v18 =	vperm.xlane v17, v5;
	v19 =	vperm.xlane v16, v5;
	_ =	sdelay $0x1  }
0xae: {  	v17 =	vmax.f32 v17, v18;
	v16 =	vmin.f32 v16, v19  }
0xaf: {  	v18 =	vperm.xlane v17, v6;
	v19 =	vperm.xlane v16, v6;
	_ =	sdelay $0x1  }
0xb0: {  	v17 =	vmax.f32 v17, v18;
	v18 =	vmin.f32 v16, v19  }
0xb1: {  	v16 =	vperm.xlane v17, v9;
	v19 =	vperm.xlane v18, v9;
	_ =	sdelay $0x1  }
0xb2: {  	v16 =	vmax.f32 v17, v16;
	v17 =	vmin.f32 v18, v19  }
0xb3: {  	v17 =	vsub.f32 v16, v17;
	_ =	sdelay $0x1  }
0xb4: {  	v17 =	vmax.f32 v17, $1.000000020e-35  }
0xb5: {  	(erf) = vrcp.f32 v17;
	_ =	sdelay $0x8  }
0xb6: {  	[spmem:s7] =	stream.linear.scatter [tilespmem:s13], [sflag:$0x1], $0x200, $0x38;
	v17 =	vpop (erf);
	[tilespmem:$0x6700] =	vst v63  }
0xb7: {  	_ =	swait.ge [sflag:s12], $0x200  }
0xb8: {  	[sflag:s12] =	ssyncset.done $0x0  }
0xb9: {  	s20 =	simm.s32 $0x0;
	[sflag:s12] =	ssyncadd.s32 $0xFFFFFE00  }
0xba: {  	v18 =	vld [tilespmem:s20+$0xF0]  }
0xbb: {  	v19 =	vld [tilespmem:s20+$0x0]  }
0xbc: {  	v20 =	vld [tilespmem:s20+$0x10]  }
0xbd: {  	v21 =	vld [tilespmem:s20+$0x20]  }
0xbe: {  	v22 =	vld [tilespmem:s20+$0x30]  }
0xbf: {  	v23 =	vld [tilespmem:s20+$0x40]  }
0xc0: {  	v24 =	vld [tilespmem:s20+$0x50]  }
0xc1: {  	v25 =	vld [tilespmem:s20+$0x60]  }
0xc2: {  	v26 =	vld [tilespmem:s20+$0x70]  }
0xc3: {  	v27 =	vld [tilespmem:s20+$0x80]  }
0xc4: {  	v28 =	vld [tilespmem:s20+$0x90];
	v18 =	vsub.f32 v16, v18;
	v19 =	vsub.f32 v16, v19  }
0xc5: {  	v29 =	vld [tilespmem:s20+$0xA0];
	v20 =	vsub.f32 v16, v20;
	v21 =	vsub.f32 v16, v21  }
0xc6: {  	v30 =	vld [tilespmem:s20+$0xB0];
	v22 =	vsub.f32 v16, v22;
	v23 =	vsub.f32 v16, v23  }
0xc7: {  	v17 =	vmul.f32 $5.120000000e+02, v17;
	v31 =	vld [tilespmem:s20+$0xC0];
	v24 =	vsub.f32 v16, v24;
	v25 =	vsub.f32 v16, v25  }
0xc8: {  	v32 =	vld [tilespmem:s20+$0xD0];
	v26 =	vsub.f32 v16, v26;
	v27 =	vsub.f32 v16, v27  }
0xc9: {  	v33 =	vld [tilespmem:s20+$0xE0];
	v28 =	vsub.f32 v16, v28;
	v18 =	vmul.f32 v18, v17;
	v19 =	vmul.f32 v19, v17  }
0xca: {  	v29 =	vsub.f32 v16, v29;
	v20 =	vmul.f32 v20, v17;
	v21 =	vmul.f32 v21, v17  }
0xcb: {  	v30 =	vsub.f32 v16, v30;
	v22 =	vmul.f32 v22, v17;
	v23 =	vmul.f32 v23, v17  }
0xcc: {  	v31 =	vsub.f32 v16, v31;
	v24 =	vmul.f32 v24, v17;
	v25 =	vmul.f32 v25, v17  }
0xcd: {  	v32 =	vsub.f32 v16, v32;
	v26 =	vmul.f32 v26, v17;
	v27 =	vmul.f32 v27, v17  }
0xce: {  	v33 =	vsub.f32 v16, v33;
	v28 =	vmul.f32 v28, v17;
	v29 =	vmul.f32 v29, v17  }
0xcf: {  	v30 =	vmul.f32 v30, v17;
	v31 =	vmul.f32 v31, v17  }
0xd0: {  	v32 =	vmul.f32 v32, v17;
	v33 =	vmul.f32 v33, v17  }
0xd1: {  	v18 =	vtrunc.f32 v18;
	v19 =	vtrunc.f32 v19  }
0xd2: {  	v20 =	vtrunc.f32 v20;
	v21 =	vtrunc.f32 v21  }
0xd3: {  	v22 =	vtrunc.f32 v22;
	v23 =	vtrunc.f32 v23  }
0xd4: {  	v24 =	vtrunc.f32 v24;
	v25 =	vtrunc.f32 v25  }
0xd5: {  	v26 =	vtrunc.f32 v26;
	v27 =	vtrunc.f32 v27  }
0xd6: {  	v28 =	vtrunc.f32 v28;
	v29 =	vtrunc.f32 v29  }
0xd7: {  	v30 =	vtrunc.f32 v30;
	v31 =	vtrunc.f32 v31  }
0xd8: {  	v32 =	vtrunc.f32 v32;
	v33 =	vtrunc.f32 v33  }
0xd9: {  	v18 =	vcvt.f32.s32 v18;
	v34 =	vcvt.f32.s32 v19  }
0xda: {  	v35 =	vcvt.f32.s32 v20;
	v37 =	vcvt.f32.s32 v21  }
0xdb: {  	v38 =	vcvt.f32.s32 v22;
	v19 =	vcvt.f32.s32 v23  }
0xdc: {  	v20 =	vcvt.f32.s32 v24;
	v25 =	vcvt.f32.s32 v25  }
0xdd: {  	v21 =	vcvt.f32.s32 v26;
	v22 =	vcvt.f32.s32 v27  }
0xde: {  	v23 =	vcvt.f32.s32 v28;
	v26 =	vcvt.f32.s32 v29  }
0xdf: {  	v24 =	vcvt.f32.s32 v30;
	v27 =	vcvt.f32.s32 v31  }
0xe0: {  	v28 =	vcvt.f32.s32 v33;
	vm0 =	vlt.s32 v18, $0x1FF;
	vm11 =	vlt.s32 v35, $0x1FF  }
0xe1: {  	vm12 =	vlt.s32 v37, $0x1FF;
	vm13 =	vlt.s32 v38, $0x1FF;
	vm2 =	vlt.s32 v19, $0x1FF  }
0xe2: {  	vm9 =	vlt.s32 v20, $0x1FF;
	vm8 =	vlt.s32 v25, $0x1FF;
	vm10 =	vlt.s32 v21, $0x1FF  }
0xe3: {  	vm6 =	vlt.s32 v22, $0x1FF;
	vm7 =	vlt.s32 v23, $0x1FF;
	vm5 =	vlt.s32 v26, $0x1FF  }
0xe4: {  	vm3 =	vlt.s32 v24, $0x1FF;
	vm4 =	vlt.s32 v27, $0x1FF;
	v18 =	vnsel vm0, $0x1FF, v18  }
0xe5: {  	vm1 =	vlt.s32 v28, $0x1FF;
	v36 =	vadd.s32 v0, v18;
	v18 =	vcvt.f32.s32 v32  }
0xe6: {  	vm0 =	vlt.s32 v34, $0x1FF;
	v31 =	vnsel vm12, $0x1FF, v37;
	v29 =	vnsel vm13, $0x1FF, v38  }
0xe7: {  	s21 =	simm.s32 $0x100;
	s22 =	simm.s32 $0x800;
	v30 =	vnsel vm0, $0x1FF, v34;
	v32 =	vnsel vm11, $0x1FF, v35;
	[tilespmem:s20+$0x20F0] =	vst v36;
	vm0 =	vlt.s32 v18, $0x1FF  }
.LBB2_7:
0xe8: {  	p0 =	sne.s32 s22, $0x7C00;
	v33 =	vld [tilespmem:s21+$0xF0];
	v19 =	vnsel vm2, $0x1FF, v19;
	v20 =	vnsel vm9, $0x1FF, v20;
	v25 =	vnsel vm8, $0x1FF, v25  }
0xe9: {  	v21 =	vnsel vm10, $0x1FF, v21;
	v22 =	vnsel vm6, $0x1FF, v22;
	v23 =	vnsel vm7, $0x1FF, v23;
	v34 =	vld [tilespmem:s21+$0x0]  }
0xea: {  	v26 =	vnsel vm5, $0x1FF, v26;
	v24 =	vnsel vm3, $0x1FF, v24;
	v27 =	vnsel vm4, $0x1FF, v27;
	v35 =	vld [tilespmem:s21+$0x10]  }
0xeb: {  	v30 =	vadd.s32 v0, v30;
	v18 =	vnsel vm0, $0x1FF, v18;
	v28 =	vnsel vm1, $0x1FF, v28;
	v36 =	vld [tilespmem:s21+$0x20]  }
0xec: {  	v31 =	vadd.s32 v0, v31;
	v29 =	vadd.s32 v0, v29;
	v37 =	vld [tilespmem:s21+$0x30];
	[tilespmem:s20+$0x2000] =	vst v30;
	v30 =	vadd.s32 v0, v32  }
0xed: {  	v19 =	vadd.s32 v0, v19;
	v20 =	vadd.s32 v0, v20;
	v32 =	vld [tilespmem:s21+$0x40];
	v33 =	vsub.f32 v16, v33;
	[tilespmem:s20+$0x2010] =	vst v30  }
0xee: {  	v25 =	vadd.s32 v0, v25;
	v21 =	vadd.s32 v0, v21;
	v30 =	vsub.f32 v16, v34;
	v34 =	vld [tilespmem:s21+$0x50];
	[tilespmem:s20+$0x2020] =	vst v31  }
0xef: {  	v22 =	vadd.s32 v0, v22;
	v31 =	vsub.f32 v16, v35;
	v35 =	vld [tilespmem:s21+$0x60];
	v33 =	vmul.f32 v33, v17;
	[tilespmem:s20+$0x2030] =	vst v29  }
0xf0: {  	v29 =	vmul.f32 v30, v17;
	v30 =	vsub.f32 v16, v36;
	v36 =	vld [tilespmem:s21+$0x70];
	[tilespmem:s20+$0x2040] =	vst v19;
	v19 =	vadd.s32 v0, v23  }
0xf1: {  	v23 =	vmul.f32 v31, v17;
	v31 =	vsub.f32 v16, v37;
	v37 =	vld [tilespmem:s21+$0x80];
	v33 =	vtrunc.f32 v33;
	[tilespmem:s20+$0x2050] =	vst v20  }
0xf2: {  	v20 =	vmul.f32 v30, v17;
	v30 =	vsub.f32 v16, v32;
	v32 =	vld [tilespmem:s21+$0x90];
	v33 =	vcvt.f32.s32 v33;
	[tilespmem:s20+$0x2060] =	vst v25  }
0xf3: {  	v25 =	vtrunc.f32 v29;
	v29 =	vmul.f32 v31, v17;
	v31 =	vsub.f32 v16, v34;
	v34 =	vld [tilespmem:s21+$0xA0];
	[tilespmem:s20+$0x2070] =	vst v21  }
0xf4: {  	v21 =	vmul.f32 v30, v17;
	v30 =	vsub.f32 v16, v35;
	v35 =	vld [tilespmem:s21+$0xB0];
	vm0 =	vlt.s32 v33, $0x1FF;
	[tilespmem:s20+$0x2080] =	vst v22  }
0xf5: {  	v22 =	vmul.f32 v31, v17;
	v31 =	vsub.f32 v16, v36;
	v36 =	vld [tilespmem:s21+$0xC0];
	v33 =	vnsel vm0, $0x1FF, v33;
	[tilespmem:s20+$0x2090] =	vst v19  }
0xf6: {  	v19 =	vmul.f32 v30, v17;
	v30 =	vsub.f32 v16, v37;
	v37 =	vld [tilespmem:s21+$0xD0];
	v33 =	vadd.s32 v0, v33  }
0xf7: {  	v23 =	vtrunc.f32 v23;
	v31 =	vmul.f32 v31, v17;
	v32 =	vsub.f32 v16, v32;
	v38 =	vld [tilespmem:s21+$0xE0];
	[tilespmem:s21+$0x20F0] =	vst v33  }
0xf8: {  	v20 =	vtrunc.f32 v20;
	v30 =	vmul.f32 v30, v17;
	v33 =	vsub.f32 v16, v34  }
0xf9: {  	v29 =	vtrunc.f32 v29;
	v32 =	vmul.f32 v32, v17;
	v34 =	vsub.f32 v16, v35  }
0xfa: {  	v21 =	vtrunc.f32 v21;
	v33 =	vmul.f32 v33, v17;
	v35 =	vsub.f32 v16, v36  }
0xfb: {  	v22 =	vtrunc.f32 v22;
	v34 =	vmul.f32 v34, v17;
	v36 =	vsub.f32 v16, v37  }
0xfc: {  	v37 =	vtrunc.f32 v19;
	v19 =	vmul.f32 v35, v17;
	v35 =	vsub.f32 v16, v38  }
0xfd: {  	v26 =	vadd.s32 v0, v26;
	v31 =	vtrunc.f32 v31;
	v36 =	vmul.f32 v36, v17  }
0xfe: {  	v24 =	vadd.s32 v0, v24;
	v30 =	vtrunc.f32 v30;
	v35 =	vmul.f32 v35, v17;
	[tilespmem:s20+$0x20A0] =	vst v26  }
0xff: {  	v26 =	vtrunc.f32 v32;
	v32 =	vtrunc.f32 v33;
	[tilespmem:s20+$0x20B0] =	vst v24;
	v24 =	vadd.s32 v0, v27  }
0x100: {  	v18 =	vadd.s32 v0, v18;
	v33 =	vtrunc.f32 v19;
	v27 =	vtrunc.f32 v34;
	[tilespmem:s20+$0x20C0] =	vst v24  }
0x101: {  	v34 =	vtrunc.f32 v36;
	v35 =	vtrunc.f32 v35;
	[tilespmem:s20+$0x20D0] =	vst v18;
	v18 =	vadd.s32 v0, v28  }
0x102: {  	v38 =	vcvt.f32.s32 v23;
	v36 =	vcvt.f32.s32 v25;
	[tilespmem:s20+$0x20E0] =	vst v18;
	s20 =	smov.u32 s21  }
0x103: {  	v39 =	vcvt.f32.s32 v20;
	v29 =	vcvt.f32.s32 v29  }
0x104: {  	v20 =	vcvt.f32.s32 v22;
	v19 =	vcvt.f32.s32 v21;
	vm0 =	vlt.s32 v36, $0x1FF  }
0x105: {  	vm11 =	vlt.s32 v38, $0x1FF;
	v21 =	vcvt.f32.s32 v31;
	v25 =	vcvt.f32.s32 v37  }
0x106: {  	vm12 =	vlt.s32 v39, $0x1FF;
	v22 =	vcvt.f32.s32 v30;
	v23 =	vcvt.f32.s32 v26  }
0x107: {  	vm13 =	vlt.s32 v29, $0x1FF;
	v26 =	vcvt.f32.s32 v32;
	v24 =	vcvt.f32.s32 v27  }
0x108: {  	vm2 =	vlt.s32 v19, $0x1FF;
	v27 =	vcvt.f32.s32 v33;
	v18 =	vcvt.f32.s32 v34  }
.Ltmp6:
0x109: {  	vm9 =	vlt.s32 v20, $0x1FF;
	vm8 =	vlt.s32 v25, $0x1FF;
	v28 =	vcvt.f32.s32 v35;
	(pc) =	sbr.rel @p0 .LBB2_7-.Ltmp6, $4  }
0x10a: {  	vm6 =	vlt.s32 v22, $0x1FF;
	vm10 =	vlt.s32 v21, $0x1FF;
	vm7 =	vlt.s32 v23, $0x1FF  }
0x10b: {  	vm5 =	vlt.s32 v26, $0x1FF;
	vm3 =	vlt.s32 v24, $0x1FF;
	vm4 =	vlt.s32 v27, $0x1FF  }
0x10c: {  	v30 =	vnsel vm0, $0x1FF, v36;
	vm1 =	vlt.s32 v28, $0x1FF;
	vm0 =	vlt.s32 v18, $0x1FF  }
0x10d: {  	v29 =	vnsel vm13, $0x1FF, v29;
	v31 =	vnsel vm12, $0x1FF, v39;
	v32 =	vnsel vm11, $0x1FF, v38;
	s21 =	sshra.s32 s22, $0x2;
	s22 =	sadd.s32 $0x400, s22  }
0x10e: {  	v33 =	vld [tilespmem:s21+$0xF0];
	v30 =	vadd.s32 v0, v30;
	v50 =	vadd.s32 v0, v32;
	v52 =	vadd.s32 v0, v31  }
0x10f: {  	v35 =	vld [tilespmem:s21+$0x10];
	v29 =	vadd.s32 v0, v29;
	v19 =	vnsel vm2, $0x1FF, v19;
	v20 =	vnsel vm9, $0x1FF, v20  }
0x110: {  	v36 =	vld [tilespmem:s21+$0x20];
	v25 =	vnsel vm8, $0x1FF, v25;
	v21 =	vnsel vm10, $0x1FF, v21;
	v22 =	vnsel vm6, $0x1FF, v22  }
0x111: {  	v37 =	vld [tilespmem:s21+$0x30];
	v23 =	vnsel vm7, $0x1FF, v23;
	v26 =	vnsel vm5, $0x1FF, v26;
	v54 =	vnsel vm4, $0x1FF, v27  }
0x112: {  	v34 =	vld [tilespmem:s21+$0x0];
	v18 =	vnsel vm0, $0x1FF, v18;
	v28 =	vnsel vm1, $0x1FF, v28;
	[tilespmem:s20+$0x2000] =	vst v30;
	v19 =	vadd.s32 v0, v19  }
0x113: {  	v20 =	vadd.s32 v0, v20;
	v25 =	vadd.s32 v0, v25;
	v21 =	vadd.s32 v0, v21;
	v51 =	vld [tilespmem:s21+$0x40];
	[tilespmem:s20+$0x2010] =	vst v50  }
0x114: {  	v22 =	vadd.s32 v0, v22;
	v23 =	vadd.s32 v0, v23;
	v26 =	vadd.s32 v0, v26;
	v53 =	vld [tilespmem:s21+$0x50];
	[tilespmem:s20+$0x2020] =	vst v52  }
0x115: {  	v18 =	vadd.s32 v0, v18;
	v30 =	vld [tilespmem:s21+$0x60];
	[tilespmem:s20+$0x2030] =	vst v29;
	v33 =	vsub.f32 v16, v33;
	v35 =	vsub.f32 v16, v35  }
0x116: {  	v28 =	vadd.s32 v0, v28;
	v29 =	vld [tilespmem:s21+$0x70];
	[tilespmem:s20+$0x2040] =	vst v19;
	v57 =	vsub.f32 v16, v36;
	v37 =	vsub.f32 v16, v37  }
0x117: {  	v55 =	vld [tilespmem:s21+$0x80];
	[tilespmem:s20+$0x2050] =	vst v20;
	v20 =	vsub.f32 v16, v34;
	v33 =	vmul.f32 v33, v17;
	v35 =	vmul.f32 v35, v17  }
0x118: {  	v59 =	vmul.f32 v57, v17;
	v60 =	vsub.f32 v16, v51;
	v37 =	vmul.f32 v37, v17  }
0x119: {  	v19 =	vnsel vm3, $0x1FF, v24;
	v20 =	vmul.f32 v20, v17;
	v33 =	vtrunc.f32 v33  }
0x11a: {  	v24 =	vadd.s32 v0, v54;
	v56 =	vld [tilespmem:s21+$0x90];
	[tilespmem:s20+$0x2060] =	vst v25;
	v63 =	vmul.f32 v60, v17;
	v35 =	vtrunc.f32 v35  }
0x11b: {  	v58 =	vld [tilespmem:s21+$0xA0];
	[tilespmem:s20+$0x2070] =	vst v21;
	v31 =	vsub.f32 v16, v53;
	v21 =	vtrunc.f32 v59;
	v37 =	vtrunc.f32 v37  }
0x11c: {  	v19 =	vadd.s32 v0, v19;
	v61 =	vcvt.f32.s32 v33;
	v20 =	vtrunc.f32 v20  }
0x11d: {  	v40 =	vsub.f32 v16, v30;
	v31 =	vmul.f32 v31, v17;
	v35 =	vcvt.f32.s32 v35  }
0x11e: {  	v29 =	vsub.f32 v16, v29;
	v21 =	vcvt.f32.s32 v21;
	v46 =	vcvt.f32.s32 v37  }
0x11f: {  	v62 =	vld [tilespmem:s21+$0xB0];
	[tilespmem:s20+$0x2080] =	vst v22;
	v42 =	vmul.f32 v40, v17;
	v43 =	vsub.f32 v16, v55;
	v22 =	vtrunc.f32 v63  }
0x120: {  	v20 =	vcvt.f32.s32 v20;
	vm10 =	vlt.s32 v61, $0x1FF;
	v29 =	vmul.f32 v29, v17  }
0x121: {  	v34 =	vsub.f32 v16, v56;
	v31 =	vtrunc.f32 v31;
	v22 =	vcvt.f32.s32 v22  }
0x122: {  	vm12 =	vlt.s32 v35, $0x1FF;
	vm13 =	vlt.s32 v21, $0x1FF;
	vm14 =	vlt.s32 v46, $0x1FF  }
0x123: {  	v32 =	vnsel vm10, $0x1FF, v61;
	v25 =	vmul.f32 v43, v17;
	v36 =	vsub.f32 v16, v58  }
0x124: {  	v41 =	vld [tilespmem:s21+$0xC0];
	[tilespmem:s20+$0x2090] =	vst v23;
	v23 =	vtrunc.f32 v42;
	vm11 =	vlt.s32 v20, $0x1FF;
	v47 =	vcvt.f32.s32 v31  }
0x125: {  	v44 =	vld [tilespmem:s21+$0xD0];
	v50 =	vnsel vm12, $0x1FF, v35;
	v21 =	vnsel vm13, $0x1FF, v21;
	v51 =	vnsel vm14, $0x1FF, v46  }
0x126: {  	v38 =	vld [tilespmem:s21+$0xE0];
	v34 =	vmul.f32 v34, v17;
	v33 =	vsub.f32 v16, v62;
	v32 =	vadd.s32 v0, v32  }
0x127: {  	v29 =	vtrunc.f32 v29;
	v23 =	vcvt.f32.s32 v23;
	vm15 =	vlt.s32 v22, $0x1FF;
	[tilespmem:s21+$0x20F0] =	vst v32  }
0x128: {  	v20 =	vnsel vm11, $0x1FF, v20;
	v21 =	vadd.s32 v0, v21;
	v52 =	vadd.s32 v0, v51;
	[tilespmem:s20+$0x20A0] =	vst v26  }
0x129: {  	v36 =	vmul.f32 v36, v17;
	v30 =	vsub.f32 v16, v41;
	v25 =	vtrunc.f32 v25;
	[tilespmem:s20+$0x20B0] =	vst v19  }
0x12a: {  	v20 =	vadd.s32 v0, v20;
	vm6 =	vlt.s32 v47, $0x1FF;
	v33 =	vmul.f32 v33, v17;
	[tilespmem:s20+$0x20C0] =	vst v24  }
0x12b: {  	v27 =	vsub.f32 v16, v44;
	v16 =	vsub.f32 v16, v38;
	v19 =	vcvt.f32.s32 v29;
	[tilespmem:s20+$0x20D0] =	vst v18  }
0x12c: {  	v25 =	vcvt.f32.s32 v25;
	[tilespmem:s20+$0x20E0] =	vst v28;
	vm7 =	vlt.s32 v23, $0x1FF;
	v53 =	vnsel vm6, $0x1FF, v47  }
0x12d: {  	v30 =	vmul.f32 v30, v17;
	v45 =	vtrunc.f32 v36;
	[tilespmem:s21+$0x2000] =	vst v20;
	v20 =	vadd.s32 v0, v50  }
0x12e: {  	v54 =	vnsel vm7, $0x1FF, v23;
	v27 =	vmul.f32 v27, v17;
	v16 =	vmul.f32 v16, v17  }
0x12f: {  	[tilespmem:s21+$0x2020] =	vst v21;
	v21 =	vadd.s32 v0, v53;
	v17 =	vtrunc.f32 v34;
	v33 =	vtrunc.f32 v33  }
0x130: {  	v48 =	vcvt.f32.s32 v45;
	[tilespmem:s21+$0x2010] =	vst v20;
	v20 =	vnsel vm15, $0x1FF, v22;
	vm8 =	vlt.s32 v19, $0x1FF  }
0x131: {  	vm9 =	vlt.s32 v25, $0x1FF;
	v30 =	vtrunc.f32 v30;
	v17 =	vcvt.f32.s32 v17  }
0x132: {  	[tilespmem:s21+$0x2030] =	vst v52;
	v18 =	vcvt.f32.s32 v33;
	v20 =	vadd.s32 v0, v20;
	v19 =	vnsel vm8, $0x1FF, v19  }
0x133: {  	[tilespmem:s21+$0x2050] =	vst v21;
	v55 =	vnsel vm9, $0x1FF, v25;
	v27 =	vtrunc.f32 v27;
	v16 =	vtrunc.f32 v16  }
0x134: {  	v49 =	vcvt.f32.s32 v30;
	[tilespmem:s21+$0x2040] =	vst v20;
	v20 =	vadd.s32 v0, v54;
	v19 =	vadd.s32 v0, v19  }
0x135: {  	vm11 =	vlt.s32 v48, $0x1FF;
	v27 =	vcvt.f32.s32 v27;
	vm10 =	vlt.s32 v17, $0x1FF;
	[tilespmem:s21+$0x2060] =	vst v20  }
0x136: {  	v16 =	vcvt.f32.s32 v16;
	v20 =	vadd.s32 v0, v55;
	[tilespmem:s21+$0x2070] =	vst v19;
	v17 =	vnsel vm10, $0x1FF, v17  }
0x137: {  	vm12 =	vlt.s32 v18, $0x1FF;
	v19 =	vnsel vm11, $0x1FF, v48;
	[tilespmem:s21+$0x2080] =	vst v20;
	v17 =	vadd.s32 v0, v17  }
0x138: {  	v18 =	vnsel vm12, $0x1FF, v18;
	vm15 =	vlt.s32 v16, $0x1FF;
	[tilespmem:s21+$0x2090] =	vst v17;
	v17 =	vadd.s32 v0, v19  }
0x139: {  	vm13 =	vlt.s32 v49, $0x1FF;
	v16 =	vnsel vm15, $0x1FF, v16;
	[tilespmem:s21+$0x20A0] =	vst v17;
	v17 =	vadd.s32 v0, v18  }
0x13a: {  	vm14 =	vlt.s32 v27, $0x1FF;
	v19 =	vnsel vm13, $0x1FF, v49;
	v16 =	vadd.s32 v0, v16;
	[tilespmem:s21+$0x20B0] =	vst v17  }
0x13b: {  	v18 =	vnsel vm14, $0x1FF, v27;
	v17 =	vadd.s32 v0, v19;
	[tilespmem:s21+$0x20E0] =	vst v16  }
0x13c: {  	[tilespmem:s21+$0x20C0] =	vst v17;
	v17 =	vadd.s32 v0, v18  }
0x13d: {  	[tilespmem:s21+$0x20D0] =	vst v17  }
0x13e: {  	[spmem:s4] =	stream.indirect.scatter.add.f32 [tilespmem:s15], [sflag:$0x1], $0x1, s14, s14, $0xb8;
	[tilespmem:$0x6700] =	vst v63  }
0x13f: {  	_ =	swait.ge [sflag:s12], $0x2000  }
0x140: {  	[sflag:s12] =	ssyncset.done $0x0  }
0x141: {  	s0 =	simm.s32 $0x6000;
	[sflag:s12] =	ssyncadd.s32 $0xFFFFE000  }
0x142: {  	[tilespmem:s0], [sflag:$0x1] =	stream.linear.gather [spmem:s7], $0x200, $0x38;
	[tilespmem:$0x6700] =	vst v63  }
0x143: {  	_ =	swait.ge [sflag:s12], $0x200  }
0x144: {  	[sflag:s12] =	ssyncset.done $0x0  }
0x145: {  	[sflag:s12] =	ssyncadd.s32 $0xFFFFFE00  }
0x146: {  	v16 =	vld [tilespmem:s0+$0x0];
	_ =	sdelay $0x4  }
0x147: {  	v17 =	vperm.xlane v16, v4;
	_ =	sdelay $0x1  }
0x148: {  	v16 =	vadd.f32 v17, v16;
	_ =	sdelay $0x1  }
0x149: {  	v17 =	vperm.xlane v16, v2;
	_ =	sdelay $0x1  }
0x14a: {  	v16 =	vadd.f32 v17, v16;
	_ =	sdelay $0x1  }
0x14b: {  	v17 =	vperm.xlane v16, v3  }
0x14c: {  	s21 =	simm.s32 $0x6010  }
0x14d: {  	v18 =	vld [tilespmem:s21+$0x0];
	v16 =	vadd.f32 v17, v16;
	_ =	sdelay $0x1  }
0x14e: {  	v17 =	vperm.xlane v16, v7;
	_ =	sdelay $0x1  }
0x14f: {  	v16 =	vadd.f32 v17, v16  }
0x150: {  	s22 =	simm.s32 $0x6020;
	v19 =	vperm.xlane v18, v4  }
0x151: {  	s23 =	simm.s32 $0x6030;
	v17 =	vld [tilespmem:s22+$0x0];
	(v2sf) =	vpush v16, $0x0  }
0x152: {  	v18 =	vadd.f32 v19, v18;
	v16 =	vld [tilespmem:s23+$0x0];
	_ =	sdelay $0x1  }
0x153: {  	v56 =	vperm.xlane v18, v2;
	_ =	sdelay $0x1  }
0x154: {  	v18 =	vadd.f32 v56, v18;
	v19 =	vperm.xlane v17, v4  }
0x155: {  	v20 =	vperm.xlane v16, v4  }
0x156: {  	v58 =	vperm.xlane v18, v3;
	v17 =	vadd.f32 v19, v17  }
0x157: {  	v16 =	vadd.f32 v20, v16  }
0x158: {  	s24 =	simm.s32 $0x6040;
	v18 =	vadd.f32 v58, v18;
	v19 =	vperm.xlane v17, v2  }
0x159: {  	v20 =	vld [tilespmem:s24+$0x0];
	v57 =	vperm.xlane v16, v2  }
0x15a: {  	v61 =	vperm.xlane v18, v7;
	v17 =	vadd.f32 v19, v17  }
0x15b: {  	v16 =	vadd.f32 v57, v16  }
0x15c: {  	v18 =	vadd.f32 v61, v18;
	v19 =	vperm.xlane v17, v3  }
0x15d: {  	v60 =	vperm.xlane v16, v3  }
0x15e: {  	v59 =	vperm.xlane v20, v4;
	v17 =	vadd.f32 v19, v17;
	s26 =	spop (v2sf);
	(v2sf) =	vpush v18, $0x0  }
0x15f: {  	v16 =	vadd.f32 v60, v16  }
0x160: {  	v19 =	vadd.f32 v59, v20;
	v20 =	vperm.xlane v17, v7  }
0x161: {  	v22 =	vperm.xlane v16, v7  }
0x162: {  	v18 =	vadd.f32 v20, v17  }
0x163: {  	v63 =	vadd.f32 v22, v16  }
0x164: {  	s25 =	simm.s32 $0x6050;
	(v2sf) =	vpush v18, $0x0  }
0x165: {  	v62 =	vld [tilespmem:s25+$0x0];
	(v2sf) =	vpush v63, $0x0  }
0x166: {  	s20 =	simm.f32 $0.0e+00  }
0x167: {  	s30 =	simm.s32 $0x2;
	p1 =	por $0x1, $0x1;
	s24 =	sadd.f32 s26, s20  }
0x168: {  	s29 =	simm.s32 $0x5;
	s16 =	simm.s32 $0x6060;
	s5 =	simm.s32 $0x7;
	v21 =	vperm.xlane v19, v2  }
0x169: {  	s3 =	simm.s32 $0x0;
	s31 =	simm.s32 $0x0;
	p0 =	sge.f32 s24, $3.200000000e+01  }
0x16a: {  	s28 =	simm.f32 $0.0e+00;
	s21 =	simm.s32 $0x0;
	s25 =	simm.s32 $0x4;
	v20 =	vperm.xlane v62, v4;
	v17 =	vadd.f32 v21, v19  }
0x16b: {  	s22 =	simm.s32 $0x6;
	s23 =	simm.s32 $0x3;
	p0 =	por !p1, !p0  }
0x16c: {  	s26 =	simm.s32 $0x1;
	s0 =	smov.u32 s24;
	v16 =	vld [tilespmem:s16+$0x0];
	v18 =	vadd.f32 v20, v62;
	v19 =	vperm.xlane v17, v3;
	p0 =	por !p0, !p0  }
.LBB2_9:
0x16d: {  	p1 =	sne.s32 s5, $0x1F;
	s8 =	spop (v2sf)  }
0x16e: {  	v19 =	vadd.f32 v19, v17;
	s21 =	simm.s32 @p0 $0x1;
	s9 =	smov.u32 s22;
	s22 =	smov.u32 s5  }
0x16f: {  	s31 =	smov.u32 @p0 s3;
	s3 =	smov.u32 s26;
	v17 =	vperm.xlane v18, v2;
	s24 =	sadd.f32 s8, s24  }
.Ltmp7:
0x170: {  	s20 =	smov.u32 @p0 s28;
	s26 =	smov.u32 s30;
	v20 =	vperm.xlane v19, v7;
	(pc) =	sbr.rel @p1 .LBB2_9-.Ltmp7, $4  }
0x171: {  	s28 =	smov.u32 s0;
	v17 =	vadd.f32 v17, v18;
	p0 =	sge.f32 s24, $3.200000000e+01;
	s0 =	smov.u32 s24  }
0x172: {  	s30 =	smov.u32 s23;
	s23 =	smov.u32 s25;
	p2 =	seq.s32 s21, $0x0;
	v18 =	vperm.xlane v16, v4;
	v20 =	vadd.f32 v20, v19  }
0x173: {  	s16 =	sadd.s32 $0x10, s16;
	s25 =	smov.u32 s29;
	v19 =	vperm.xlane v17, v3;
	p0 =	por !p2, !p0  }
0x174: {  	s5 =	sadd.s32 $0x1, s5;
	s29 =	smov.u32 s9;
	v18 =	vadd.f32 v18, v16;
	v16 =	vld [tilespmem:s16+$0x0];
	(v2sf) =	vpush v20, $0x0;
	p0 =	por !p0, !p0  }
0x175: {  	_ =	sdelay $0x3  }
0x176: {  	v20 =	vperm.xlane v18, v2;
	v21 =	vperm.xlane v16, v4  }
0x177: {  	v17 =	vadd.f32 v19, v17  }
0x178: {  	v18 =	vadd.f32 v20, v18;
	v16 =	vadd.f32 v21, v16  }
0x179: {  	v19 =	vperm.xlane v17, v7  }
0x17a: {  	v20 =	vperm.xlane v18, v3;
	v21 =	vperm.xlane v16, v2  }
0x17b: {  	v17 =	vadd.f32 v19, v17  }
0x17c: {  	v18 =	vadd.f32 v20, v18;
	v16 =	vadd.f32 v21, v16;
	_ =	sdelay $0x1  }
0x17d: {  	(v2sf) =	vpush v17, $0x0;
	v17 =	vperm.xlane v18, v7;
	v19 =	vperm.xlane v16, v3;
	_ =	sdelay $0x1  }
0x17e: {  	s5 =	spop (v2sf);
	v17 =	vadd.f32 v17, v18;
	v16 =	vadd.f32 v19, v16  }
0x17f: {  	s24 =	sadd.f32 s5, s24  }
0x180: {  	(v2sf) =	vpush v17, $0x0;
	v17 =	vperm.xlane v16, v7  }
0x181: {  	s21 =	simm.s32 @p0 $0x1;
	p1 =	sge.f32 s24, $3.200000000e+01  }
0x182: {  	p2 =	seq.s32 s21, $0x0;
	v16 =	vadd.f32 v17, v16  }
0x183: {  	s9 =	spop (v2sf);
	p1 =	por !p2, !p1  }
0x184: {  	s5 =	sadd.f32 s9, s24;
	p1 =	por !p1, !p1;
	(v2sf) =	vpush v16, $0x0  }
0x185: {  	s8 =	simm.s32 @!p1 $0x0  }
0x186: {  	p4 =	sge.f32 s5, $3.200000000e+01;
	s21 =	simm.s32 @p1 $0x1;
	s8 =	simm.s32 @p1 $0x1  }
0x187: {  	p3 =	seq.s32 s21, $0x0;
	[smem:$0x7FD] =	sst s8;
	s16 =	spop (v2sf)  }
0x188: {  	p2 =	por !p3, !p4;
	s8 =	sadd.f32 s16, s5  }
0x189: {  	p2 =	por !p2, !p2  }
0x18a: {  	s21 =	simm.s32 @p2 $0x1;
	p5 =	sge.f32 s8, $3.200000000e+01  }
0x18b: {  	p4 =	seq.s32 s21, $0x0;
	s9 =	spop (v2sf)  }
0x18c: {  	p3 =	por !p4, !p5;
	s9 =	sadd.f32 s9, s8  }
0x18d: {  	p3 =	por !p3, !p3  }
0x18e: {  	s21 =	simm.s32 @p3 $0x1;
	p6 =	sge.f32 s9, $3.200000000e+01  }
0x18f: {  	p5 =	seq.s32 s21, $0x0;
	s16 =	spop (v2sf)  }
0x190: {  	p4 =	por !p5, !p6;
	s16 =	sadd.f32 s16, s9  }
0x191: {  	p4 =	por !p4, !p4  }
0x192: {  	s21 =	simm.s32 @p4 $0x1;
	p5 =	sge.f32 s16, $3.200000000e+01  }
0x193: {  	s31 =	smov.u32 @p0 s3;
	p6 =	seq.s32 s21, $0x0;
	s3 =	spop (v2sf)  }
0x194: {  	p5 =	por !p6, !p5;
	s3 =	sadd.f32 s3, s16  }
0x195: {  	s31 =	smov.u32 @p1 s26;
	p5 =	por !p5, !p5  }
0x196: {  	s31 =	smov.u32 @p2 s30;
	s21 =	simm.s32 @p5 $0x1;
	p6 =	sge.f32 s3, $3.200000000e+01  }
0x197: {  	s31 =	smov.u32 @p3 s23;
	p1 =	seq.s32 s21, $0x0  }
0x198: {  	s31 =	smov.u32 @p4 s25;
	p1 =	por !p1, !p6  }
0x199: {  	s31 =	smov.u32 @p5 s29;
	p6 =	por !p1, !p1  }
0x19a: {  	s31 =	smov.u32 @p6 s22  }
0x19b: {  	s26 =	sshll.u32 s31, $0x4  }
0x19c: {  	v16 =	vld [tilespmem:s26+$0x6000];
	_ =	sdelay $0x4  }
0x19d: {  	v17 =	vperm.xlane v16, v8  }
0x19e: {  	vm0 =	veq.s32 v12, $0x0;
	v19 =	vld [tilespmem:$0x1FFD0]  }
0x19f: {  	v17 =	vsel vm0, $0x0, v17  }
0x1a0: {  	v17 =	vadd.f32 v17, v16;
	_ =	sdelay $0x1  }
0x1a1: {  	v18 =	vperm.xlane v17, v10  }
0x1a2: {  	vm12 =	vnez.u8 v19;
	v19 =	vld [tilespmem:$0x1FFE0]  }
0x1a3: {  	v18 =	vsel vm12, $0x0, v18  }
0x1a4: {  	v17 =	vadd.f32 v18, v17;
	_ =	sdelay $0x1  }
0x1a5: {  	s29 =	sld [smem:$0x7FD];
	v18 =	vperm.xlane v17, v11  }
0x1a6: {  	vm13 =	vnez.u8 v19;
	v19 =	vld [tilespmem:$0x1FFF0]  }
0x1a7: {  	v18 =	vsel vm13, $0x0, v18  }
0x1a8: {  	s20 =	smov.u32 @p0 s28;
	p0 =	seq.s32 s29, $0x1;
	v17 =	vadd.f32 v18, v17  }
0x1a9: {  	s20 =	smov.u32 @p0 s0  }
0x1aa: {  	s20 =	smov.u32 @p2 s24;
	v18 =	vperm.xlane v17, v13  }
0x1ab: {  	vm14 =	vnez.u8 v19;
	s20 =	smov.u32 @p3 s5  }
0x1ac: {  	s20 =	smov.u32 @p4 s8;
	v18 =	vsel vm14, $0x0, v18  }
0x1ad: {  	s20 =	smov.u32 @p5 s9;
	v17 =	vadd.f32 v18, v17  }
0x1ae: {  	s20 =	smov.u32 @p6 s16  }
0x1af: {  	v17 =	vadd.f32 s20, v17;
	_ =	sdelay $0x1  }
0x1b0: {  	vm15 =	vge.f32 v17, $3.200000000e+01  }
0x1b1: {  	v17 =	vnsel vm15, $0x10, v12  }
0x1b2: {  	v18 =	vperm.xlane v17, v4;
	_ =	sdelay $0x1  }
0x1b3: {  	vm0 =	vlt.s32 v17, v18  }
0x1b4: {  	v17 =	vsel vm0, v17, v18  }
0x1b5: {  	v18 =	vperm.xlane v17, v5;
	_ =	sdelay $0x1  }
0x1b6: {  	vm0 =	vlt.s32 v17, v18  }
0x1b7: {  	v17 =	vsel vm0, v17, v18  }
0x1b8: {  	v18 =	vperm.xlane v17, v6;
	_ =	sdelay $0x1  }
0x1b9: {  	vm0 =	vlt.s32 v17, v18  }
0x1ba: {  	v17 =	vsel vm0, v17, v18  }
0x1bb: {  	v18 =	vperm.xlane v17, v9;
	_ =	sdelay $0x1  }
0x1bc: {  	vm0 =	vlt.s32 v17, v18  }
0x1bd: {  	v18 =	vsel vm0, v17, v18  }
0x1be: {  	vm0 =	vgt.s32 v18, v12  }
0x1bf: {  	v16 =	vnsel vm0, $0x0, v16  }
0x1c0: {  	v17 =	vperm.xlane v16, v4;
	_ =	sdelay $0x1  }
0x1c1: {  	v16 =	vadd.f32 v16, v17;
	_ =	sdelay $0x1  }
0x1c2: {  	v17 =	vperm.xlane v16, v5;
	_ =	sdelay $0x1  }
0x1c3: {  	v16 =	vadd.f32 v16, v17;
	_ =	sdelay $0x1  }
0x1c4: {  	v17 =	vperm.xlane v16, v6;
	_ =	sdelay $0x1  }
0x1c5: {  	v16 =	vadd.f32 v16, v17;
	_ =	sdelay $0x1  }
0x1c6: {  	v17 =	vperm.xlane v16, v9;
	_ =	sdelay $0x1  }
0x1c7: {  	v16 =	vadd.f32 v16, v17;
	_ =	sdelay $0x1  }
0x1c8: {  	(v2sf) =	vpush v16, $0x0;
	_ =	sdelay $0xd  }
.Ltmp8:
0x1c9: {  	_ = 	snop;
	(pc) =	sbr.rel .LBB2_11-.Ltmp8, $4  }
0x1ca: {  	s30 =	spop (v2sf)  }
0x1cb: {  	s0 =	sadd.f32 s30, s20  }
0x1cc: {  	s22 =	simm.s32 $0x0;
	s31 =	sadd.s32 s1, s26;
	v17 =	vld [tilespmem:$0x6480]  }
0x1cd: {  	v16 =	vadd.s32 s31, v18;
	v18 =	vld [tilespmem:$0x6490];
	s20 =	simm.f32 $0.0e+00;
	s21 =	ssub.f32 $3.200000000e+01, s0;
	s0 =	simm.f32 $+Inf  }
.LBB2_14:
0x1ce: {  	v17 =	vsel vm4, $0x0, v28;
	v20 =	vsel vm8, $0x3F800000, v14  }
0x1cf: {  	v17 =	vadd.f32 v20, v17;
	_ =	sdelay $0x1  }
0x1d0: {  	v20 =	vsel vm9, $0x3F800000, v14;
	v17 =	vsel vm5, $0x0, v17  }
0x1d1: {  	v17 =	vadd.f32 v20, v17;
	_ =	sdelay $0x1  }
0x1d2: {  	v20 =	vsel vm11, $0x3F800000, v14;
	v17 =	vsel vm2, $0x0, v17  }
0x1d3: {  	v17 =	vadd.f32 v20, v17  }
0x1d4: {  	vm0 =	vgt.f32 v24, v22  }
0x1d5: {  	v20 =	vsel vm10, $0x3F800000, v14;
	v17 =	vsel vm0, $0x0, v17  }
0x1d6: {  	v17 =	vadd.f32 v20, v17;
	_ =	sdelay $0x1  }
0x1d7: {  	v20 =	vsel vm12, $0x3F800000, v14;
	v17 =	vsel vm13, $0x0, v17  }
0x1d8: {  	v17 =	vadd.f32 v20, v17  }
0x1d9: {  	v62 =	vld [tilespmem:$0x1FFC0];
	vm5 =	vgt.f32 v21, v27;
	v20 =	vnsel vm7, $0xFF800000, v25  }
0x1da: {  	v60 =	vsel vm6, $0x3F800000, v14;
	v59 =	vmax.f32 v26, v20;
	v17 =	vsel vm5, $0x0, v17  }
0x1db: {  	vm6 =	veq.f32 v20, v59;
	v17 =	vadd.f32 v60, v17  }
0x1dc: {  	vm1 =	vgt.f32 v20, v26;
	vm0 =	vmand vm7, vm6  }
0x1dd: {  	v20 =	vmax.f32 v59, v19;
	v61 =	vsel vm0, $0x3F800000, v14;
	v17 =	vsel vm1, $0x0, v17  }
0x1de: {  	vm8 =	vnez.u8 v62;
	vm7 =	veq.f32 v19, v20;
	v17 =	vadd.f32 v61, v17  }
0x1df: {  	vm9 =	vgt.f32 v19, v59;
	vm0 =	vmand vm8, vm7  }
0x1e0: {  	v63 =	vsel vm0, $0x3F800000, v14;
	v17 =	vsel vm9, $0x0, v17  }
0x1e1: {  	v21 =	vadd.f32 v63, v17;
	v17 =	vld [tilespmem:$0x1FFB0];
	_ =	sdelay $0x3  }
0x1e2: {  	v19 =	vmax.f32 v20, v18  }
0x1e3: {  	vm10 =	veq.f32 v18, v19;
	vm12 =	vnez.u8 v17  }
0x1e4: {  	vm11 =	vgt.f32 v18, v20;
	vm0 =	vmand vm12, vm10  }
0x1e5: {  	v20 =	vsel vm11, $0x0, v21;
	v17 =	vmax.f32 v19, v23;
	v18 =	vsel vm0, $0x3F800000, v14  }
0x1e6: {  	vm13 =	veq.f32 v23, v17;
	v18 =	vadd.f32 v18, v20  }
0x1e7: {  	vm15 =	vgt.f32 v23, v19;
	vm0 =	vmand vm14, vm13  }
0x1e8: {  	v19 =	vsel vm0, $0x3F800000, v14;
	v18 =	vsel vm15, $0x0, v18  }
0x1e9: {  	v18 =	vadd.f32 v19, v18  }
0x1ea: {  	[tilespmem:$0x6480] =	vst v17  }
0x1eb: {  	[tilespmem:$0x6490] =	vst v18  }
.LBB2_15:
0x1ec: {  	v19 =	vperm.xlane v17, v4;
	_ =	sdelay $0x1  }
0x1ed: {  	v19 =	vmax.f32 v17, v19  }
0x1ee: {  	v20 =	vperm.xlane v19, v5;
	_ =	sdelay $0x1  }
0x1ef: {  	v19 =	vmax.f32 v19, v20  }
0x1f0: {  	v20 =	vperm.xlane v19, v6;
	_ =	sdelay $0x1  }
0x1f1: {  	v19 =	vmax.f32 v19, v20  }
0x1f2: {  	v20 =	vperm.xlane v19, v9;
	_ =	sdelay $0x1  }
0x1f3: {  	v19 =	vmax.f32 v19, v20  }
0x1f4: {  	vm0 =	veq.f32 v17, v19  }
0x1f5: {  	v20 =	vnsel vm0, $0x0, v18  }
0x1f6: {  	v21 =	vperm.xlane v20, v4;
	_ =	sdelay $0x1  }
0x1f7: {  	v20 =	vadd.f32 v20, v21;
	_ =	sdelay $0x1  }
0x1f8: {  	v21 =	vperm.xlane v20, v5;
	_ =	sdelay $0x1  }
0x1f9: {  	v20 =	vadd.f32 v20, v21;
	_ =	sdelay $0x1  }
0x1fa: {  	v21 =	vperm.xlane v20, v6;
	_ =	sdelay $0x1  }
0x1fb: {  	v20 =	vadd.f32 v20, v21;
	_ =	sdelay $0x1  }
0x1fc: {  	v21 =	vperm.xlane v20, v9;
	_ =	sdelay $0x1  }
0x1fd: {  	v20 =	vadd.f32 v20, v21  }
0x1fe: {  	(v2sf) =	vpush v19, $0x0  }
0x1ff: {  	(v2sf) =	vpush v20, $0x0;
	_ =	sdelay $0xd  }
0x200: {  	s0 =	spop (v2sf)  }
0x201: {  	s3 =	spop (v2sf)  }
0x202: {  	p1 =	sle.f32 s21, s3  }
0x203: {  	s5 =	smov.u32 s20;
	s22 =	sadd.s32 $0x1, s22  }
0x204: {  	s5 =	smov.u32 @p1 s0;
	p1 =	sne.s32 s22, $0x20  }
.Ltmp9:
0x205: {  	_ = 	snop;
	(pc) =	sbr.rel @!p1 .LBB2_16-.Ltmp9, $2  }
0x206: {  	_ =	sdelay $0x2  }
0x207: {  	s21 =	ssub.f32 s21, s3;
	s20 =	smov.u32 @p0 s5  }
.LBB2_11:
0x208: {  	_ = 	snop  }
0x209: {  	p0 =	sgt.f32 s21, $0.0e+00  }
.Ltmp10:
0x20a: {  	_ = 	snop;
	(pc) =	sbr.rel @!p0 .LBB2_15-.Ltmp10, $1  }
0x20b: {  	_ =	sdelay $0x3  }
0x20c: {  	s23 =	simm.s32 $0x0  }
0x20d: {  	v20 =	vld [tilespmem:s23+$0xF0]  }
0x20e: {  	v18 =	vld [tilespmem:s23+$0x20F0]  }
0x20f: {  	v19 =	vld [tilespmem:s23+$0xE0]  }
0x210: {  	v21 =	vld [tilespmem:s23+$0x20E0]  }
0x211: {  	v22 =	vld [tilespmem:s23+$0x20D0]  }
0x212: {  	v23 =	vld [tilespmem:s23+$0xB0]  }
0x213: {  	v24 =	vld [tilespmem:s23+$0x90]  }
0x214: {  	v25 =	vld [tilespmem:s23+$0xD0]  }
0x215: {  	v26 =	vld [tilespmem:s23+$0x20B0]  }
0x216: {  	v27 =	vld [tilespmem:s23+$0x2060]  }
0x217: {  	v28 =	vld [tilespmem:s23+$0x2050]  }
0x218: {  	v29 =	vld [tilespmem:s23+$0x60]  }
0x219: {  	v30 =	vld [tilespmem:s23+$0x2090]  }
0x21a: {  	v31 =	vld [tilespmem:s23+$0x30]  }
0x21b: {  	v32 =	vld [tilespmem:s23+$0x40]  }
0x21c: {  	v17 =	vmov s0;
	v34 =	vimm.f32 $-Inf;
	v35 =	vimm.f32 $0.0e+00;
	v33 =	vld [tilespmem:s23+$0x2020]  }
0x21d: {  	v36 =	vld [tilespmem:s23+$0x2010];
	vm0 =	vlt.f32 v19, v17;
	vm1 =	veq.s32 v21, v16;
	vm2 =	veq.s32 v18, v16  }
0x21e: {  	vm3 =	veq.s32 v22, v16;
	v18 =	vld [tilespmem:s23+$0x10];
	vm4 =	vlt.f32 v24, v17;
	vm5 =	vlt.f32 v20, v17  }
0x21f: {  	v21 =	vld [tilespmem:s23+$0x0];
	vm8 =	vlt.f32 v29, v17;
	vm11 =	vmand vm0, vm1;
	vm0 =	vlt.f32 v23, v17  }
0x220: {  	v22 =	vld [tilespmem:s23+$0x2000];
	vm1 =	vlt.f32 v25, v17;
	vm12 =	vmand vm5, vm2;
	vm2 =	veq.s32 v30, v16  }
0x221: {  	vm5 =	vlt.f32 v32, v17;
	vm13 =	vmand vm1, vm3;
	vm1 =	veq.s32 v26, v16;
	v26 =	vld [tilespmem:s23+$0x2030]  }
0x222: {  	vm3 =	veq.s32 v27, v16;
	vm7 =	vmand vm4, vm2;
	v27 =	vld [tilespmem:s23+$0x2040];
	vm4 =	veq.s32 v33, v16  }
0x223: {  	vm2 =	veq.s32 v28, v16;
	vm14 =	vmmov vm12;
	vm6 =	vmand vm0, vm1  }
0x224: {  	v30 =	vld [tilespmem:s23+$0x20];
	vm0 =	veq.s32 v36, v16;
	vm3 =	vmand vm8, vm3;
	vm1 =	vlt.f32 v18, v17  }
0x225: {  	vm9 =	veq.s32 v22, v16;
	v22 =	vld [tilespmem:s23+$0x2070];
	vm0 =	vmand vm1, vm0;
	vm1 =	vlt.f32 v21, v17  }
0x226: {  	vm10 =	veq.s32 v26, v16;
	vm9 =	vmand vm1, vm9;
	vm1 =	vlt.f32 v31, v17  }
0x227: {  	v24 =	vnsel vm7, $0xFF800000, v24;
	v26 =	vld [tilespmem:s23+$0x70];
	vm10 =	vmand vm1, vm10;
	vm1 =	veq.s32 v27, v16  }
0x228: {  	v18 =	vnsel vm0, $0xFF800000, v18;
	v21 =	vnsel vm9, $0xFF800000, v21;
	vm1 =	vmand vm5, vm1  }
0x229: {  	v27 =	vnsel vm10, $0xFF800000, v31;
	v28 =	vmax.f32 v34, v21;
	vm5 =	vlt.f32 v30, v17  }
0x22a: {  	v31 =	vld [tilespmem:s23+$0x50];
	vm8 =	veq.f32 v21, v28;
	vm4 =	vmand vm5, vm4;
	vm5 =	veq.s32 v22, v16  }
0x22b: {  	v22 =	vmax.f32 v28, v18;
	v32 =	vnsel vm1, $0xFF800000, v32;
	vm8 =	vmand vm9, vm8  }
0x22c: {  	v30 =	vnsel vm4, $0xFF800000, v30;
	vm9 =	vlt.f32 v26, v17;
	v57 =	vsel vm8, $0x3F800000, v14  }
0x22d: {  	v58 =	vmax.f32 v22, v30;
	vm8 =	vgt.f32 v21, v34;
	vm9 =	vmand vm9, vm5  }
0x22e: {  	v21 =	vld [tilespmem:s23+$0x80];
	vm5 =	veq.f32 v30, v58;
	v59 =	vmax.f32 v58, v27;
	v35 =	vsel vm8, $0x0, v35  }
0x22f: {  	vm4 =	vmand vm4, vm5;
	vm5 =	vlt.f32 v31, v17;
	v38 =	vmax.f32 v59, v32  }
0x230: {  	v37 =	vld [tilespmem:s23+$0x2080];
	v33 =	vadd.f32 v57, v35;
	vm5 =	vmand vm5, vm2;
	vm2 =	veq.f32 v27, v59  }
0x231: {  	vm2 =	vmand vm10, vm2;
	v31 =	vnsel vm5, $0xFF800000, v31;
	vm10 =	veq.f32 v18, v22  }
0x232: {  	v60 =	vnsel vm9, $0xFF800000, v26;
	v39 =	vmax.f32 v38, v31;
	vm8 =	vmand vm0, vm10  }
0x233: {  	vm10 =	vlt.f32 v21, v17;
	vm0 =	veq.f32 v31, v39;
	v26 =	vsel vm8, $0x3F800000, v14  }
0x234: {  	vm0 =	vmand vm5, vm0;
	vm5 =	vgt.f32 v18, v28;
	v28 =	vnsel vm3, $0xFF800000, v29  }
0x235: {  	v29 =	vld [tilespmem:s23+$0x20A0];
	v18 =	vsel vm5, $0x0, v33;
	vm5 =	veq.s32 v37, v16;
	v61 =	vmax.f32 v39, v28  }
0x236: {  	v62 =	vld [tilespmem:s23+$0xA0];
	vm8 =	veq.f32 v28, v61;
	v18 =	vadd.f32 v26, v18;
	v40 =	vmax.f32 v61, v60  }
0x237: {  	vm8 =	vmand vm3, vm8;
	vm3 =	vmand vm10, vm5;
	vm5 =	veq.f32 v32, v38  }
0x238: {  	vm10 =	vgt.f32 v30, v22;
	vm1 =	vmand vm1, vm5;
	vm5 =	veq.f32 v60, v40  }
0x239: {  	v18 =	vsel vm10, $0x0, v18;
	vm9 =	vmand vm9, vm5;
	vm5 =	vgt.f32 v27, v58  }
0x23a: {  	v26 =	vld [tilespmem:s23+$0x20C0];
	vm10 =	veq.s32 v29, v16;
	v29 =	vnsel vm3, $0xFF800000, v21;
	v21 =	vsel vm4, $0x3F800000, v14  }
0x23b: {  	vm4 =	vlt.f32 v62, v17;
	v27 =	vadd.f32 v21, v18;
	v22 =	vmax.f32 v40, v29  }
0x23c: {  	v18 =	vimm.s32 $0x0;
	vm4 =	vmand vm4, vm10;
	v21 =	vnsel vm6, $0xFF800000, v23  }
0x23d: {  	v18 =	vsel vm11, $0xFFFFFFFF, v18;
	vm10 =	veq.f32 v29, v22;
	v30 =	vmax.f32 v22, v24  }
0x23e: {  	v63 =	vnsel vm4, $0xFF800000, v62;
	[tilespmem:$0x1FFB0] =	vst v18;
	v18 =	vnsel vm11, $0xFF800000, v19;
	v19 =	vimm.s32 $0x0  }
0x23f: {  	vm11 =	vmand vm3, vm10;
	vm3 =	veq.s32 v26, v16;
	v23 =	vsel vm5, $0x0, v27  }
0x240: {  	vm5 =	vgt.f32 v32, v59;
	v26 =	vsel vm2, $0x3F800000, v14;
	vm2 =	veq.f32 v24, v30  }
0x241: {  	v27 =	vmax.f32 v30, v63;
	v19 =	vsel vm13, $0xFFFFFFFF, v19;
	v23 =	vadd.f32 v26, v23  }
0x242: {  	vm10 =	vmand vm7, vm2;
	vm2 =	veq.f32 v63, v27;
	[tilespmem:$0x1FFC0] =	vst v19;
	v19 =	vnsel vm13, $0xFF800000, v25;
	v25 =	vld [tilespmem:s23+$0xC0]  }
0x243: {  	vm13 =	vgt.f32 v31, v38;
	v31 =	vsel vm1, $0x3F800000, v14;
	v23 =	vsel vm5, $0x0, v23  }
0x244: {  	v26 =	vmax.f32 v27, v21;
	vm5 =	vgt.f32 v60, v61;
	v31 =	vadd.f32 v31, v23  }
0x245: {  	v23 =	vnsel vm12, $0xFF800000, v20;
	vm12 =	vmand vm4, vm2;
	vm4 =	vgt.f32 v28, v39  }
0x246: {  	vm2 =	vgt.f32 v29, v40;
	v28 =	vsel vm0, $0x3F800000, v14;
	v20 =	vsel vm13, $0x0, v31  }
0x247: {  	vm0 =	veq.f32 v21, v26;
	vm1 =	vlt.f32 v25, v17;
	v28 =	vadd.f32 v28, v20  }
0x248: {  	s23 =	simm.s32 $0x400;
	vm6 =	vmand vm6, vm0;
	vm13 =	vgt.f32 v63, v30;
	vm7 =	vmand vm1, vm3  }
.LBB2_13:
0x249: {  	vm3 =	vgt.f32 v24, v22;
	v22 =	vsel vm4, $0x0, v28;
	v24 =	vsel vm8, $0x3F800000, v14  }
0x24a: {  	v22 =	vadd.f32 v24, v22  }
0x24b: {  	s24 =	sshra.s32 s23, $0x2;
	vm15 =	vgt.f32 v21, v27;
	v21 =	vnsel vm7, $0xFF800000, v25;
	v28 =	vsel vm9, $0x3F800000, v14  }
0x24c: {  	v25 =	vmax.f32 v26, v21;
	vm8 =	vgt.f32 v21, v26;
	v26 =	vld [tilespmem:s24+$0x20E0];
	v22 =	vsel vm5, $0x0, v22  }
0x24d: {  	v28 =	vadd.f32 v28, v22;
	v22 =	vld [tilespmem:$0x1FFC0]  }
0x24e: {  	v34 =	vld [tilespmem:s24+$0x2090]  }
0x24f: {  	v32 =	vld [tilespmem:$0x1FFB0]  }
0x250: {  	v36 =	vsel vm6, $0x3F800000, v14;
	v20 =	vld [tilespmem:s24+$0xF0];
	vm1 =	veq.f32 v21, v25;
	v24 =	vmax.f32 v25, v19  }
0x251: {  	v51 =	vimm.s32 $0x0;
	v27 =	vld [tilespmem:s24+$0x20F0];
	vm4 =	veq.f32 v19, v24;
	vm1 =	vmand vm7, vm1  }
0x252: {  	v29 =	vld [tilespmem:s24+$0x20D0];
	v30 =	vmax.f32 v24, v18;
	v37 =	vsel vm1, $0x3F800000, v14;
	vm0 =	vnez.u8 v22  }
0x253: {  	v21 =	vld [tilespmem:s24+$0xE0];
	vm5 =	veq.s32 v26, v16;
	vm1 =	veq.s32 v34, v16;
	vm9 =	vmand vm0, vm4  }
0x254: {  	v31 =	vld [tilespmem:s24+$0xB0];
	vm4 =	veq.f32 v18, v30;
	vm0 =	vgt.f32 v18, v24;
	v18 =	vimm.s32 $0x0  }
0x255: {  	v49 =	vld [tilespmem:s24+$0xD0];
	v24 =	vmax.f32 v30, v23;
	v18 =	vsel vm0, $0xFFFFFFFF, v18;
	vm0 =	vnez.u8 v32  }
0x256: {  	v33 =	vld [tilespmem:s24+$0x60];
	[tilespmem:$0x1FF40] =	vst v18;
	v18 =	vsel vm2, $0x0, v28;
	v28 =	vsel vm11, $0x3F800000, v14;
	vm11 =	vmand vm0, vm4  }
0x257: {  	v50 =	vld [tilespmem:s24+$0x40];
	vm2 =	veq.f32 v23, v24;
	vm0 =	vgt.f32 v23, v30;
	v23 =	vimm.s32 $0x0  }
0x258: {  	v35 =	vld [tilespmem:s24+$0x30];
	vm4 =	vlt.f32 v21, v17;
	v18 =	vadd.f32 v28, v18;
	v23 =	vsel vm0, $0xFFFFFFFF, v23  }
0x259: {  	v22 =	vld [tilespmem:s24+$0x90];
	vm2 =	vmand vm14, vm2;
	vm0 =	veq.s32 v27, v16;
	[tilespmem:$0x1FF50] =	vst v23;
	v23 =	vsel vm10, $0x3F800000, v14  }
0x25a: {  	v30 =	vld [tilespmem:s24+$0x2050];
	vm10 =	veq.s32 v29, v16;
	v54 =	vsel vm2, $0x3F800000, v14;
	v18 =	vsel vm3, $0x0, v18  }
0x25b: {  	v27 =	vld [tilespmem:s24+$0x20B0];
	vm3 =	vmand vm4, vm5;
	v23 =	vadd.f32 v23, v18;
	v18 =	vimm.s32 $0x0  }
0x25c: {  	v55 =	vld [tilespmem:$0x1FF40];
	vm2 =	vlt.f32 v50, v17;
	vm5 =	vlt.f32 v49, v17;
	v18 =	vsel vm3, $0xFFFFFFFF, v18  }
0x25d: {  	v29 =	vld [tilespmem:s24+$0x2060];
	[tilespmem:$0x1FFB0] =	vst v18;
	v18 =	vnsel vm3, $0xFF800000, v21;
	v21 =	vsel vm13, $0x0, v23;
	v23 =	vsel vm12, $0x3F800000, v14  }
0x25e: {  	v26 =	vld [tilespmem:s24+$0x20A0];
	vm4 =	vlt.f32 v31, v17;
	vm14 =	vmand vm5, vm10;
	v21 =	vadd.f32 v23, v21  }
0x25f: {  	v38 =	vld [tilespmem:s24+$0x2010];
	vm7 =	veq.s32 v30, v16;
	vm3 =	vlt.f32 v22, v17;
	vm12 =	vlt.f32 v20, v17  }
0x260: {  	v53 =	vld [tilespmem:s24+$0x10];
	vm0 =	vmand vm12, vm0;
	v23 =	vimm.s32 $0x0;
	v21 =	vsel vm15, $0x0, v21  }
0x261: {  	v23 =	vsel vm0, $0xFFFFFFFF, v23;
	vm0 =	veq.s32 v27, v16;
	v27 =	vld [tilespmem:s24+$0x2020];
	v21 =	vadd.f32 v36, v21  }
0x262: {  	vm13 =	veq.s32 v29, v16;
	vm10 =	vmand vm3, vm1;
	vm1 =	vnez.u8 v55;
	[tilespmem:$0x1FF80] =	vst v23;
	v23 =	vld [tilespmem:s24+$0x80]  }
0x263: {  	v29 =	vld [tilespmem:s24+$0x0];
	vm0 =	vmand vm4, vm0;
	vm4 =	veq.s32 v26, v16;
	v21 =	vsel vm8, $0x0, v21  }
0x264: {  	v30 =	vld [tilespmem:$0x1FF50];
	v26 =	vimm.s32 $0x0;
	v34 =	vsel vm0, $0xFFFFFFFF, v51;
	v52 =	vadd.f32 v37, v21  }
0x265: {  	v26 =	vsel vm4, $0xFFFFFFFF, v26;
	v21 =	vnsel vm0, $0xFF800000, v31;
	vm0 =	vgt.f32 v19, v25;
	v25 =	vld [tilespmem:s24+$0x2030]  }
0x266: {  	[tilespmem:$0x1FF70] =	vst v26;
	v19 =	vsel vm9, $0x3F800000, v14;
	vm5 =	veq.s32 v27, v16;
	v27 =	vld [tilespmem:s24+$0x2040];
	v26 =	vsel vm0, $0x0, v52  }
0x267: {  	v31 =	vimm.s32 $0x0;
	vm0 =	vlt.f32 v23, v17;
	v19 =	vadd.f32 v19, v26;
	v26 =	vld [tilespmem:s24+$0x2000]  }
0x268: {  	vm4 =	vlt.f32 v29, v17;
	vm8 =	vlt.f32 v35, v17;
	v31 =	vsel vm0, $0xFFFFFFFF, v31  }
0x269: {  	vm0 =	veq.s32 v38, v16;
	[tilespmem:$0x1FF60] =	vst v31;
	v31 =	vsel vm11, $0x3F800000, v14;
	v19 =	vsel vm1, $0x0, v19  }
0x26a: {  	v28 =	vld [tilespmem:s24+$0x20C0];
	vm1 =	vlt.f32 v53, v17;
	vm6 =	veq.s32 v25, v16;
	v19 =	vadd.f32 v31, v19  }
0x26b: {  	v25 =	vld [tilespmem:s24+$0x70];
	vm3 =	vmand vm1, vm0;
	vm0 =	vlt.f32 v33, v17;
	vm12 =	vmand vm8, vm6  }
0x26c: {  	v31 =	vld [tilespmem:s24+$0x20];
	vm1 =	vnez.u8 v30;
	vm6 =	veq.s32 v27, v16;
	vm11 =	veq.s32 v26, v16  }
0x26d: {  	v30 =	vld [tilespmem:s24+$0x2080];
	v56 =	vnsel vm12, $0xFF800000, v35;
	v19 =	vsel vm1, $0x0, v19;
	vm4 =	vmand vm4, vm11  }
0x26e: {  	v26 =	vld [tilespmem:s24+$0x2070];
	v27 =	vadd.f32 v54, v19;
	vm11 =	vmand vm2, vm6;
	v19 =	vimm.s32 $0x0  }
0x26f: {  	v57 =	vld [tilespmem:s24+$0x50];
	vm2 =	vmand vm0, vm13;
	vm13 =	veq.s32 v28, v16;
	v29 =	vnsel vm4, $0xFF800000, v29  }
0x270: {  	v19 =	vsel vm14, $0xFFFFFFFF, v19;
	vm15 =	vlt.f32 v25, v17;
	v58 =	vnsel vm11, $0xFF800000, v50  }
0x271: {  	[tilespmem:$0x1FFC0] =	vst v19;
	v19 =	vnsel vm14, $0xFF800000, v49;
	v28 =	vmax.f32 v24, v29;
	vm0 =	vlt.f32 v31, v17  }
0x272: {  	vm8 =	vgt.f32 v29, v24;
	vm9 =	veq.s32 v30, v16;
	vm6 =	veq.f32 v29, v28  }
0x273: {  	vm14 =	veq.s32 v26, v16;
	vm4 =	vmand vm4, vm6;
	vm6 =	vmand vm0, vm5  }
0x274: {  	v26 =	vnsel vm3, $0xFF800000, v53;
	vm5 =	vlt.f32 v57, v17;
	v24 =	vsel vm4, $0x3F800000, v14  }
0x275: {  	v29 =	vmax.f32 v28, v26;
	v30 =	vnsel vm6, $0xFF800000, v31;
	vm14 =	vmand vm15, vm14  }
0x276: {  	vm1 =	vgt.f32 v26, v28;
	vm7 =	vmand vm5, vm7;
	vm0 =	veq.f32 v26, v29  }
0x277: {  	v31 =	vmax.f32 v29, v30;
	v60 =	vnsel vm14, $0xFF800000, v25;
	vm5 =	vgt.f32 v30, v29  }
0x278: {  	v25 =	vnsel vm7, $0xFF800000, v57;
	vm4 =	veq.f32 v30, v31;
	v59 =	vmax.f32 v31, v56  }
0x279: {  	v26 =	vmax.f32 v59, v58;
	vm4 =	vmand vm6, vm4;
	vm6 =	veq.f32 v56, v59  }
0x27a: {  	vm3 =	vmand vm3, vm0;
	vm15 =	vmand vm12, vm6;
	v29 =	vmax.f32 v26, v25  }
0x27b: {  	vm6 =	vgt.f32 v25, v26;
	vm0 =	veq.f32 v25, v29;
	v25 =	vsel vm8, $0x0, v27  }
0x27c: {  	v24 =	vadd.f32 v24, v25;
	v25 =	vld [tilespmem:$0x1FF60];
	_ =	sdelay $0x2  }
0x27d: {  	v30 =	vimm.s32 $0x0  }
0x27e: {  	v33 =	vnsel vm2, $0xFF800000, v33;
	v30 =	vsel vm6, $0xFFFFFFFF, v30;
	vm6 =	vmand vm7, vm0  }
0x27f: {  	v24 =	vsel vm1, $0x0, v24;
	vm0 =	vnez.u8 v25;
	v25 =	vsel vm3, $0x3F800000, v14  }
0x280: {  	[tilespmem:$0x1FF90] =	vst v30;
	v30 =	vmax.f32 v29, v33;
	vm1 =	veq.f32 v58, v26;
	v26 =	vld [tilespmem:$0x1FF70];
	v25 =	vadd.f32 v25, v24  }
0x281: {  	vm8 =	veq.f32 v33, v30;
	v61 =	vmax.f32 v30, v60;
	vm0 =	vmand vm0, vm9  }
0x282: {  	v62 =	vnsel vm0, $0xFF800000, v23;
	v23 =	vsel vm5, $0x0, v25;
	v25 =	vsel vm4, $0x3F800000, v14  }
0x283: {  	v28 =	vld [tilespmem:s24+$0xA0];
	vm8 =	vmand vm2, vm8;
	vm2 =	veq.f32 v60, v61;
	v23 =	vadd.f32 v25, v23  }
0x284: {  	vm9 =	vmand vm14, vm2;
	vm4 =	vgt.f32 v56, v31  }
0x285: {  	vm2 =	vnez.u8 v26;
	v26 =	vsel vm15, $0x3F800000, v14;
	v23 =	vsel vm4, $0x0, v23  }
0x286: {  	v31 =	vadd.f32 v26, v23;
	v23 =	vld [tilespmem:$0x1FF80];
	_ =	sdelay $0x1  }
0x287: {  	vm12 =	vgt.f32 v58, v59;
	vm7 =	vlt.f32 v28, v17;
	vm1 =	vmand vm11, vm1;
	v25 =	vld [tilespmem:s24+$0xC0]  }
0x288: {  	v24 =	vnsel vm10, $0xFF800000, v22;
	v22 =	vmax.f32 v61, v62;
	vm2 =	vmand vm7, vm2  }
0x289: {  	vm3 =	veq.f32 v62, v22;
	v63 =	vmax.f32 v22, v24;
	v28 =	vnsel vm2, $0xFF800000, v28  }
0x28a: {  	vm11 =	vmand vm0, vm3;
	vm0 =	veq.f32 v24, v63;
	vm3 =	vnez.u8 v23  }
0x28b: {  	v27 =	vmax.f32 v63, v28;
	vm10 =	vmand vm10, vm0;
	v23 =	vnsel vm3, $0xFF800000, v20  }
0x28c: {  	v20 =	vsel vm12, $0x0, v31;
	v31 =	vsel vm1, $0x3F800000, v14;
	vm1 =	vlt.f32 v25, v17  }
0x28d: {  	vm0 =	veq.f32 v28, v27;
	vm7 =	vmand vm1, vm13;
	vm13 =	vgt.f32 v28, v63;
	v28 =	vld [tilespmem:$0x1FF90];
	_ =	sdelay $0x3  }
0x28e: {  	v20 =	vadd.f32 v31, v20  }
0x28f: {  	vm12 =	vmand vm2, vm0;
	vm0 =	vnez.u8 v28  }
0x290: {  	[tilespmem:$0x1FFA0] =	vst v34;
	v28 =	vsel vm6, $0x3F800000, v14;
	v20 =	vsel vm0, $0x0, v20  }
0x291: {  	v28 =	vadd.f32 v28, v20;
	v20 =	vld [tilespmem:$0x1FFA0]  }
0x292: {  	p1 =	sne.s32 s23, $0x7C00  }
.Ltmp11:
0x293: {  	_ = 	snop;
	(pc) =	sbr.rel @p1 .LBB2_13-.Ltmp11, $4  }
0x294: {  	_ = 	snop  }
0x295: {  	vm5 =	vgt.f32 v60, v30;
	v26 =	vmax.f32 v27, v21  }
0x296: {  	vm4 =	vgt.f32 v33, v29;
	vm0 =	veq.f32 v21, v26;
	vm1 =	vnez.u8 v20  }
0x297: {  	s23 =	sadd.s32 $0x400, s23;
	vm14 =	vmmov vm3;
	vm2 =	vgt.f32 v62, v61;
	vm6 =	vmand vm1, vm0  }
.Ltmp12:
0x298: {  	_ = 	snop;
	(pc) =	sbr.rel .LBB2_14-.Ltmp12, $1  }
0x299: {  	_ =	sdelay $0x3  }
.LBB2_18:
0x29a: {  	_ =	sfence.sel $0x180000  }
0x29b: {  	[bflag:$0x0] =	sbarrier.arrive $0xFFFF  }
0x29c: {  	_ =	strace $0x90000047  }
0x29d: {  	s0 =	stileid.u32;
	[bflag:$0x2] =	sbarrier.arrive $0xFFFF  }
0x29e: {  	p0 =	sne.s32 s0, $0x0;
	s0 =	rddreg [dreg:$0x3]  }
0x29f: {  	s0 =	sadd.s32 @!p0 $0x100000, s0  }
0x2a0: {  	[sflag:s0] =	ssyncadd.tile.s32 @!p0 $0x1;
	_ =	shalt  }
.Lfunc_end2:
_tile_overlayer_lowered:
.L_overlay_start_2:
0x2a1: {  	(tag) =	ssettag $0x2  }
0x2a2: {  	s0 =	rddreg [dreg:$0x0];
	s2 =	stileid.u32  }
0x2a3: {  	s1 =	rddreg [dreg:$0x1];
	p0 =	sne.s32 s2, $0x0  }
0x2a4: {  	s3 =	rddreg [dreg:$0x2];
	[bflag:$0x3] =	sbarrier.arrive $0xFFFF;
	s2 =	simm.s32 @!p0 $0x1C01  }
0x2a5: {  	[timem:s3], [sflag:s2] =	dma.local @!p0 [hbm:s0], s1  }
0x2a6: {  	s0 =	simm.s32 @!p0 $0x1  }
0x2a7: {  	_ =	swait.ge @!p0 [sflag:s0], s1  }
0x2a8: {  	s1 =	ssub.s32 @!p0 $0x0, s1;
	[sflag:s0] =	ssyncset.done @!p0 $0x0  }
0x2a9: {  	[sflag:s0] =	ssyncadd.s32 @!p0 s1  }
0x2aa: {  	[bflag:$0x3] =	sbarrier.arrive $0xFFFF  }
0x2ab: {  	_ =	shalt  }

</sc_bundles>
